<compile_context>
chip_gen: v7x
topology: tpu7x:2x2x1
jax: 0.10.2.dev20260603
libtpu: 0.0.44.dev20260713+nightly
codegen_flags: <defaults>
</compile_context>

<pallas_src>
import functools

import jax
import jax.numpy as jnp
from jax import lax
from jax.experimental import pallas as pl
from jax.experimental.pallas import tpu as pltpu
from jax.experimental.pallas import tpu_sc as plsc

N = 10000
NP = 10240
E = 640000
G = 128
F_IN = 114
H1 = 230
H1P = 256
H2 = 115
D = 128

NC = 2
NS = 16
NW = NC * NS
EPW = E // NW
CHUNK = 125
NCHUNK = EPW // CHUNK
SEG = 40
NSEG = NCHUNK // SEG
RPS = NP // NS

ROWB = 640
GRID = NP // ROWB
WR = D
KP = D + WR


def _sc_mesh():
    return plsc.VectorSubcoreMesh(core_axis_name="c", subcore_axis_name="s")


def _sc_degree(dst3, zeros_np):
    @functools.partial(
        pl.kernel,
        out_type=jax.ShapeDtypeStruct((NC, NP), jnp.float32),
        mesh=_sc_mesh(),
        scratch_types=[
            pltpu.VMEM_SHARED((NP,), jnp.float32),
            pltpu.VMEM((SEG, CHUNK), jnp.int32),
            pltpu.VMEM((128,), jnp.float32),
            pltpu.SemaphoreType.DMA,
            pltpu.SemaphoreType.DMA,
        ],
    )
    def deg_kernel(dst_hbm, zd_hbm, out_hbm, acc, dstv, onesv, sem0, sem1):
        c = lax.axis_index("c")
        s = lax.axis_index("s")
        w = c * NS + s
        pltpu.sync_copy(zd_hbm.at[pl.ds(s * RPS, RPS)],
                        acc.at[pl.ds(s * RPS, RPS)])
        for i in range(128 // 16):
            onesv[pl.ds(i * 16, 16)] = jnp.ones((16,), jnp.float32)
        plsc.subcore_barrier()
        ones_c = onesv.at[pl.ds(0, CHUNK)]

        def seg_body(g, carry):
            pltpu.sync_copy(dst_hbm.at[w * NSEG + g], dstv)

            def body(k2, carry2):
                b0 = 2 * k2
                pltpu.async_copy(ones_c, acc.at[dstv.at[b0]], sem0,
                                 add=True)
                pltpu.async_copy(ones_c, acc.at[dstv.at[b0 + 1]], sem1,
                                 add=True)
                pltpu.make_async_copy(ones_c, acc.at[dstv.at[b0]],
                                      sem0).wait()
                pltpu.make_async_copy(ones_c, acc.at[dstv.at[b0 + 1]],
                                      sem1).wait()
                return carry2

            lax.fori_loop(0, SEG // 2, body, 0)
            return carry

        lax.fori_loop(0, NSEG, seg_body, 0)
        plsc.subcore_barrier()
        pltpu.sync_copy(acc.at[pl.ds(s * RPS, RPS)],
                        out_hbm.at[c, pl.ds(s * RPS, RPS)])

    return deg_kernel(dst3, zeros_np)


def _sc_aggregate(table, src3, dst3, zeros_npd, width=D):
    @functools.partial(
        pl.kernel,
        out_type=jax.ShapeDtypeStruct((NC, NP, width), jnp.float32),
        mesh=_sc_mesh(),
        scratch_types=[
            pltpu.VMEM_SHARED((NP, width), jnp.float32),
            pltpu.VMEM((SEG, CHUNK), jnp.int32),
            pltpu.VMEM((SEG, CHUNK), jnp.int32),
            pltpu.VMEM((CHUNK, width), jnp.float32),
            pltpu.VMEM((CHUNK, width), jnp.float32),
            pltpu.SemaphoreType.DMA,
            pltpu.SemaphoreType.DMA,
        ],
    )
    def agg_kernel(table_hbm, src_hbm, dst_hbm, zt_hbm, out_hbm,
                   acc, srcv, dstv, rows0, rows1, sem0, sem1):
        c = lax.axis_index("c")
        s = lax.axis_index("s")
        w = c * NS + s
        pltpu.sync_copy(zt_hbm.at[pl.ds(s * RPS, RPS)],
                        acc.at[pl.ds(s * RPS, RPS)])
        plsc.subcore_barrier()

        def seg_body(g, carry):
            pltpu.sync_copy(src_hbm.at[w * NSEG + g], srcv)
            pltpu.sync_copy(dst_hbm.at[w * NSEG + g], dstv)
            pltpu.async_copy(table_hbm.at[srcv.at[0]], rows0, sem0)

            def body(k2, carry2):
                b0 = 2 * k2
                pltpu.make_async_copy(table_hbm.at[srcv.at[b0]],
                                      rows0, sem0).wait()
                pltpu.async_copy(table_hbm.at[srcv.at[b0 + 1]], rows1, sem1)
                pltpu.sync_copy(rows0, acc.at[dstv.at[b0]], add=True)

                @pl.when(k2 < SEG // 2 - 1)
                def _():
                    pltpu.async_copy(table_hbm.at[srcv.at[b0 + 2]],
                                     rows0, sem0)

                pltpu.make_async_copy(table_hbm.at[srcv.at[b0 + 1]],
                                      rows1, sem1).wait()
                pltpu.sync_copy(rows1, acc.at[dstv.at[b0 + 1]], add=True)
                return carry2

            lax.fori_loop(0, SEG // 2, body, 0)
            return carry

        lax.fori_loop(0, NSEG, seg_body, 0)
        plsc.subcore_barrier()
        pltpu.sync_copy(acc.at[pl.ds(s * RPS, RPS)],
                        out_hbm.at[c, pl.ds(s * RPS, RPS)])

    return agg_kernel(table, src3, dst3, zeros_npd)


EPW2 = E // NS
NSEG2 = EPW2 // CHUNK // SEG


def _sc_aggregate_cols(tableLR, src3, dst3, zeros_npd):
    @functools.partial(
        pl.kernel,
        out_type=jax.ShapeDtypeStruct((NC, NP, D), jnp.float32),
        mesh=_sc_mesh(),
        scratch_types=[
            pltpu.VMEM_SHARED((NP, D), jnp.float32),
            pltpu.VMEM((SEG, CHUNK), jnp.int32),
            pltpu.VMEM((SEG, CHUNK), jnp.int32),
            pltpu.VMEM((CHUNK, D), jnp.float32),
            pltpu.VMEM((CHUNK, D), jnp.float32),
            pltpu.SemaphoreType.DMA,
            pltpu.SemaphoreType.DMA,
        ],
    )
    def aggc_kernel(table_hbm, src_hbm, dst_hbm, zt_hbm, out_hbm,
                    acc, srcv, dstv, rows0, rows1, sem0, sem1):
        c = lax.axis_index("c")
        s = lax.axis_index("s")
        pltpu.sync_copy(zt_hbm.at[pl.ds(s * RPS, RPS)],
                        acc.at[pl.ds(s * RPS, RPS)])
        plsc.subcore_barrier()
        half = table_hbm.at[c]

        def seg_body(g, carry):
            pltpu.sync_copy(src_hbm.at[s * NSEG2 + g], srcv)
            pltpu.sync_copy(dst_hbm.at[s * NSEG2 + g], dstv)
            pltpu.async_copy(half.at[srcv.at[0]], rows0, sem0)

            def body(k2, carry2):
                b0 = 2 * k2
                pltpu.make_async_copy(half.at[srcv.at[b0]],
                                      rows0, sem0).wait()
                pltpu.async_copy(half.at[srcv.at[b0 + 1]], rows1, sem1)
                pltpu.sync_copy(rows0, acc.at[dstv.at[b0]], add=True)

                @pl.when(k2 < SEG // 2 - 1)
                def _():
                    pltpu.async_copy(half.at[srcv.at[b0 + 2]],
                                     rows0, sem0)

                pltpu.make_async_copy(half.at[srcv.at[b0 + 1]],
                                      rows1, sem1).wait()
                pltpu.sync_copy(rows1, acc.at[dstv.at[b0 + 1]], add=True)
                return carry2

            lax.fori_loop(0, SEG // 2, body, 0)
            return carry

        lax.fori_loop(0, NSEG2, seg_body, 0)
        plsc.subcore_barrier()
        pltpu.sync_copy(acc.at[pl.ds(s * RPS, RPS)],
                        out_hbm.at[c, pl.ds(s * RPS, RPS)])

    return aggc_kernel(tableLR, src3, dst3, zeros_npd)


GP = G + 8
RPW = NP // NW


def _sc_pool(xs2, a0, a1, dinv1, batchp):
    NB = RPW // 2

    @functools.partial(
        pl.kernel,
        out_type=jax.ShapeDtypeStruct((NW, GP, D), jnp.float32),
        mesh=_sc_mesh(),
        scratch_types=[
            pltpu.VMEM((GP, D), jnp.float32),
            pltpu.VMEM((NB, D), jnp.float32),
            pltpu.VMEM((NB, D), jnp.float32),
            pltpu.VMEM((NB, D), jnp.float32),
            pltpu.VMEM((RPW + 16,), jnp.float32),
            pltpu.VMEM((RPW + 16,), jnp.int32),
        ],
    )
    def pool_kernel(x_hbm, a0_hbm, a1_hbm, d_hbm, b_hbm, out_hbm,
                    partial, xv, a0v, a1v, dv, bv):
        c = lax.axis_index("c")
        s = lax.axis_index("s")
        w = c * NS + s
        pltpu.sync_copy(b_hbm.at[pl.ds(w * RPW, RPW)],
                        bv.at[pl.ds(0, RPW)])
        pltpu.sync_copy(d_hbm.at[pl.ds(w * RPW, RPW)],
                        dv.at[pl.ds(0, RPW)])
        ninf = jnp.full((16,), -jnp.inf, jnp.float32)

        def init_body(i, carry):
            for j in range(D // 16):
                partial[i, pl.ds(16 * j, 16)] = ninf
            return carry

        lax.fori_loop(0, GP, init_body, 0)

        def blk_body(g, carry):
            base = w * RPW + g * NB
            pltpu.sync_copy(x_hbm.at[pl.ds(base, NB)], xv)
            pltpu.sync_copy(a0_hbm.at[pl.ds(base, NB)], a0v)
            pltpu.sync_copy(a1_hbm.at[pl.ds(base, NB)], a1v)

            def row_body(i, carry2):
                ig = g * NB + i
                b = bv[pl.ds(ig, 16)][0]
                dval = dv[pl.ds(ig, 16)][0]
                for j in range(D // 16):
                    sl = pl.ds(16 * j, 16)
                    zval = dval * (xv[i, sl] + a0v[i, sl] + a1v[i, sl])
                    partial[b, sl] = jnp.maximum(partial[b, sl], zval)
                return carry2

            lax.fori_loop(0, NB, row_body, 0)
            return carry

        lax.fori_loop(0, 2, blk_body, 0)
        pltpu.sync_copy(partial, out_hbm.at[w])

    return pool_kernel(xs2, a0, a1, dinv1, batchp)


def _tc_mm1(degT, xp, W1p):
    def body(deg_ref, x_ref, w1_ref, dinv_ref, o_ref):
        d = 1.0 + deg_ref[:, 0:1] + deg_ref[:, 1:2]
        y = lax.rsqrt(d)
        dinv = y * (1.5 - 0.5 * d * y * y)
        dinv_ref[...] = dinv
        h = jnp.dot(x_ref[...], w1_ref[...],
                    preferred_element_type=jnp.float32)
        o_ref[...] = dinv * h

    return pl.pallas_call(
        body,
        grid=(GRID,),
        in_specs=[
            pl.BlockSpec((ROWB, 2), lambda i: (i, 0)),
            pl.BlockSpec((ROWB, D), lambda i: (i, 0)),
            pl.BlockSpec((D, H1P), lambda i: (0, 0)),
        ],
        out_specs=[
            pl.BlockSpec((ROWB, 1), lambda i: (i, 0)),
            pl.BlockSpec((ROWB, H1P), lambda i: (i, 0)),
        ],
        out_shape=[
            jax.ShapeDtypeStruct((NP, 1), jnp.float32),
            jax.ShapeDtypeStruct((NP, H1P), jnp.float32),
        ],
    )(degT, xp, W1p)


def _tc_l1l2(hL, hR, aL, aR, dinvc, b1p, W2p):
    def body(hl_ref, hr_ref, al_ref, ar_ref,
             dinv_ref, b1_ref, w2_ref, o_ref):
        dinv = dinv_ref[...]
        u = dinv * (hl_ref[...] + al_ref[...])
        v = dinv * (hr_ref[...] + ar_ref[...])
        h1 = jnp.maximum(jnp.concatenate([u, v], axis=1) + b1_ref[...], 0.0)
        m2 = jnp.dot(h1, w2_ref[...], preferred_element_type=jnp.float32)
        o_ref[...] = dinv * m2

    return pl.pallas_call(
        body,
        grid=(GRID,),
        in_specs=[
            pl.BlockSpec((ROWB, D), lambda i: (i, 0)),
            pl.BlockSpec((ROWB, WR), lambda i: (i, 0)),
            pl.BlockSpec((ROWB, D), lambda i: (i, 0)),
            pl.BlockSpec((ROWB, WR), lambda i: (i, 0)),
            pl.BlockSpec((ROWB, 1), lambda i: (i, 0)),
            pl.BlockSpec((1, KP), lambda i: (0, 0)),
            pl.BlockSpec((KP, D), lambda i: (0, 0)),
        ],
        out_specs=pl.BlockSpec((ROWB, D), lambda i: (i, 0)),
        out_shape=jax.ShapeDtypeStruct((NP, D), jnp.float32),
    )(hL, hR, aL, aR, dinvc, b1p, W2p)


def _tc_head(parts, b2p, Wgp, bgp, Wfp, bfp, Wop, bop):
    def body(p_ref, b2_ref, wg_ref, bg_ref, wf_ref, bf_ref, wo_ref, bo_ref,
             o_ref):
        pooled = p_ref[0]
        for k in range(1, NW):
            pooled = jnp.maximum(pooled, p_ref[k])
        h = jnp.maximum(pooled + b2_ref[...], 0.0)
        g = jnp.dot(h, wg_ref[...], preferred_element_type=jnp.float32)
        g = jnp.maximum(g + bg_ref[...], 0.0)
        g = jnp.dot(g, wf_ref[...], preferred_element_type=jnp.float32)
        g = jnp.maximum(g + bf_ref[...], 0.0)
        o = jnp.dot(g, wo_ref[...], preferred_element_type=jnp.float32)
        o_ref[...] = o + bo_ref[...]

    return pl.pallas_call(
        body,
        out_shape=jax.ShapeDtypeStruct((G, D), jnp.float32),
    )(parts, b2p, Wgp, bgp, Wfp, bfp, Wop, bop)


def kernel(x, edge_index, batch, W1, b1, W2, b2, Wg, bg, Wf, bf, Wo, bo):
    f32 = jnp.float32
    src = edge_index[0].astype(jnp.int32)
    dst = edge_index[1].astype(jnp.int32)
    src3 = src.reshape(NW * NSEG, SEG, CHUNK)
    dst3 = dst.reshape(NW * NSEG, SEG, CHUNK)

    xp = jnp.pad(x.astype(f32), ((0, NP - N), (0, D - F_IN)))
    zt = jnp.zeros((NP, D), f32)
    zd = jnp.zeros((NP,), f32)

    W1p = jnp.pad(W1, ((0, D - F_IN), (0, H1P - H1)))
    b1p = jnp.pad(b1, (0, KP - H1)).reshape(1, KP)
    W2p = jnp.pad(W2, ((0, KP - H1), (0, D - H2)))
    b2p = jnp.pad(b2, (0, D - H2)).reshape(1, D)
    Wgp = jnp.pad(Wg, ((0, D - H2), (0, 128 - 64)))
    bgp = jnp.pad(bg, (0, 128 - 64)).reshape(1, 128)
    Wfp = jnp.pad(Wf, ((0, 128 - 64), (0, 128 - 32)))
    bfp = jnp.pad(bf, (0, 128 - 32)).reshape(1, 128)
    Wop = jnp.pad(Wo, ((0, 128 - 32), (0, 128 - 1)))
    bop = jnp.pad(bo, (0, 128 - 1)).reshape(1, 128)

    deg2 = _sc_degree(dst3, zd)
    degT = jnp.transpose(deg2)

    dinvc, hs = _tc_mm1(degT, xp, W1p)
    hL = hs[:, :D]
    hR = hs[:, D:KP]
    hLR = jnp.stack([hL, hR])
    agg1 = _sc_aggregate_cols(hLR, src3, dst3, zt)
    xs2 = _tc_l1l2(hL, hR, agg1[0], agg1[1],
                   dinvc, b1p, W2p)

    agg2 = _sc_aggregate(xs2, src3, dst3, zt)

    batchp = jnp.pad(batch.astype(jnp.int32), (0, NP - N),
                     constant_values=G)
    dinv1 = dinvc.reshape(NP)
    partials = _sc_pool(xs2, agg2[0], agg2[1], dinv1, batchp)
    parts = partials[:, :G, :]
    outf = _tc_head(parts, b2p, Wgp, bgp, Wfp, bfp, Wop, bop)
    return outf[:, :1]

# --- scband reference (transcript-rebuilt; emitter-appended) ---
"""Pipeline reference for scband-gcnnet-18296560681308 (READ-ONLY COPY).

The authoritative reference and input builder live on the scoring server;
editing this copy changes nothing except your own understanding.
"""

import jax, jax.numpy as jnp
import numpy as np

N = 10000
E = 640000
F_IN = 114
H1 = 230
H2 = 115
G = 128


def setup_inputs(seed: int = 0) -> dict:
    key = jax.random.key(seed)
    ks = jax.random.split(key, 16)
    x = jax.random.normal(ks[0], (N, F_IN), dtype=jnp.float32)
    edge_index = jax.random.randint(ks[1], (2, E), 0, N)
    batch = jnp.sort(jax.random.randint(ks[2], (N,), 0, G))
    W1 = jax.random.normal(ks[3], (F_IN, H1), dtype=jnp.float32) * 0.05
    b1 = jnp.zeros((H1,), dtype=jnp.float32)
    W2 = jax.random.normal(ks[4], (H1, H2), dtype=jnp.float32) * 0.05
    b2 = jnp.zeros((H2,), dtype=jnp.float32)
    Wg = jax.random.normal(ks[5], (H2, 64), dtype=jnp.float32) * 0.05
    bg = jnp.zeros((64,), dtype=jnp.float32)
    Wf = jax.random.normal(ks[6], (64, 32), dtype=jnp.float32) * 0.05
    bf = jnp.zeros((32,), dtype=jnp.float32)
    Wo = jax.random.normal(ks[7], (32, 1), dtype=jnp.float32) * 0.05
    bo = jnp.zeros((1,), dtype=jnp.float32)
    return {"x": x, "edge_index": edge_index, "batch": batch,
            "W1": W1, "b1": b1, "W2": W2, "b2": b2,
            "Wg": Wg, "bg": bg, "Wf": Wf, "bf": bf, "Wo": Wo, "bo": bo}


def _gcn_conv(x, src, dst, norm, W, b, num_nodes):
    # PyG GCNConv: linear transform, then normalized scatter-add aggregation
    h = x @ W
    msg = h[src] * norm[:, None]
    out = jnp.zeros((num_nodes, W.shape[1]), dtype=h.dtype).at[dst].add(msg)
    return out + b


def reference(x, edge_index, batch, W1, b1, W2, b2, Wg, bg, Wf, bf, Wo, bo):
    num_nodes = x.shape[0]
    # add self-loops (GCNConv default add_self_loops=True)
    loop = jnp.arange(num_nodes)
    src = jnp.concatenate([edge_index[0], loop])
    dst = jnp.concatenate([edge_index[1], loop])
    # symmetric normalization D^{-1/2} (A+I) D^{-1/2}
    deg = jnp.zeros((num_nodes,), dtype=jnp.float32).at[dst].add(1.0)
    dinv = jnp.where(deg > 0, jax.lax.rsqrt(deg), 0.0)
    norm = dinv[src] * dinv[dst]
    h = jax.nn.relu(_gcn_conv(x, src, dst, norm, W1, b1, num_nodes))
    # dropout is a no-op in eval mode
    h = _gcn_conv(h, src, dst, norm, W2, b2, num_nodes)
    h = jax.nn.relu(h)
    # global max pool per graph
    pooled = jax.ops.segment_max(h, batch, num_segments=G)
    g = jax.nn.relu(pooled @ Wg + bg)
    g = jax.nn.relu(g @ Wf + bf)
    out = g @ Wo + bo
    return out

if __name__ == "__main__":
    import jax
    _d = setup_inputs()
    print(jax.jit(kernel)(*tuple(_d.values())))

</pallas_src>

<mosaic_0001>
#map = affine_map<(d0, d1) -> (0, 0)>
#map1 = affine_map<(d0, d1) -> (0)>
#map2 = affine_map<(d0, d1) -> (0, 0, 0)>
module attributes {stable_mosaic.version = 14 : i64} {
  func.func @pool_kernel(%arg0: i32, %arg1: i32, %arg2: memref<10240x128xf32, #tpu.memory_space<hbm>>, %arg3: memref<10240x128xf32, #tpu.memory_space<hbm>>, %arg4: memref<10240x128xf32, #tpu.memory_space<hbm>>, %arg5: memref<10240xf32, #tpu.memory_space<hbm>>, %arg6: memref<10240xi32, #tpu.memory_space<hbm>>, %arg7: memref<32x136x128xf32, #tpu.memory_space<hbm>>, %arg8: memref<136x128xf32, #tpu.memory_space<vmem>>, %arg9: memref<160x128xf32, #tpu.memory_space<vmem>>, %arg10: memref<160x128xf32, #tpu.memory_space<vmem>>, %arg11: memref<160x128xf32, #tpu.memory_space<vmem>>, %arg12: memref<336xf32, #tpu.memory_space<vmem>>, %arg13: memref<336xi32, #tpu.memory_space<vmem>>) attributes {dimension_semantics = [#tpu.dimension_semantics<core_parallel>, #tpu.dimension_semantics<subcore_parallel>], iteration_bounds = array<i64: 2, 16>, scalar_prefetch = 0 : i64, scratch_operands = 6 : i64, tpu.core_type = #tpu.core_type<sc_vector_subcore>, window_params = [{transform_indices = #map}, {transform_indices = #map}, {transform_indices = #map}, {transform_indices = #map1}, {transform_indices = #map1}, {transform_indices = #map2}]} {
    %mul3A = arith.constant 16 : i32
    %mul3A_0 = arith.muli %arg0, %mul3A : i32
    %add3A = arith.addi %mul3A_0, %arg1 : i32
    %mul3A_1 = arith.constant 320 : i32
    %mul3A_2 = arith.muli %add3A, %mul3A_1 : i32
    "tpu.region"() ({
      %run_scoped3A = tpu.sem_alloc : memref<!tpu.dma_semaphore, #tpu.memory_space<semaphore_mem>>
      %dma_start3A = arith.constant 0 : i32
      %dma_start3A_17 = tpu.memref_slice %arg13[%dma_start3A] : memref<336xi32, #tpu.memory_space<vmem>> -> memref<320xi32, #tpu.memory_space<vmem>>
      %dma_start3A_18 = tpu.memref_slice %arg6[%mul3A_2] : memref<10240xi32, #tpu.memory_space<hbm>> -> memref<320xi32, #tpu.memory_space<hbm>>
      %dma_start3A_19 = arith.constant 0 : i32
      %dma_start3A_20 = tpu.memref_slice %arg13[%dma_start3A_19] : memref<336xi32, #tpu.memory_space<vmem>> -> memref<320xi32, #tpu.memory_space<vmem>>
      %dma_start3A_21 = tpu.memref_slice %arg6[%mul3A_2] : memref<10240xi32, #tpu.memory_space<hbm>> -> memref<320xi32, #tpu.memory_space<hbm>>
      tpu.enqueue_dma source(%dma_start3A_21 : memref<320xi32, #tpu.memory_space<hbm>>) target(%dma_start3A_20 : memref<320xi32, #tpu.memory_space<vmem>>) target_semaphore(%run_scoped3A : memref<!tpu.dma_semaphore, #tpu.memory_space<semaphore_mem>>)
      %dma_wait3A = arith.constant 0 : i32
      %dma_wait3A_22 = tpu.memref_slice %arg13[%dma_wait3A] : memref<336xi32, #tpu.memory_space<vmem>> -> memref<320xi32, #tpu.memory_space<vmem>>
      %dma_wait3A_23 = tpu.memref_slice %arg6[%mul3A_2] : memref<10240xi32, #tpu.memory_space<hbm>> -> memref<320xi32, #tpu.memory_space<hbm>>
      %dma_wait3A_24 = arith.constant 0 : i32
      %dma_wait3A_25 = tpu.memref_slice %arg13[%dma_wait3A_24] : memref<336xi32, #tpu.memory_space<vmem>> -> memref<320xi32, #tpu.memory_space<vmem>>
      %dma_wait3A_26 = tpu.memref_slice %arg6[%mul3A_2] : memref<10240xi32, #tpu.memory_space<hbm>> -> memref<320xi32, #tpu.memory_space<hbm>>
      tpu.wait_dma2 semaphore(%run_scoped3A : memref<!tpu.dma_semaphore, #tpu.memory_space<semaphore_mem>>) src(%dma_wait3A_26 : memref<320xi32, #tpu.memory_space<hbm>>) dst(%dma_wait3A_25 : memref<320xi32, #tpu.memory_space<vmem>>)
      tpu.yield
    }) : () -> ()
    %mul3A_3 = arith.constant 320 : i32
    %mul3A_4 = arith.muli %add3A, %mul3A_3 : i32
    "tpu.region"() ({
      %run_scoped3A = tpu.sem_alloc : memref<!tpu.dma_semaphore, #tpu.memory_space<semaphore_mem>>
      %dma_start3A = arith.constant 0 : i32
      %dma_start3A_17 = tpu.memref_slice %arg12[%dma_start3A] : memref<336xf32, #tpu.memory_space<vmem>> -> memref<320xf32, #tpu.memory_space<vmem>>
      %dma_start3A_18 = tpu.memref_slice %arg5[%mul3A_4] : memref<10240xf32, #tpu.memory_space<hbm>> -> memref<320xf32, #tpu.memory_space<hbm>>
      %dma_start3A_19 = arith.constant 0 : i32
      %dma_start3A_20 = tpu.memref_slice %arg12[%dma_start3A_19] : memref<336xf32, #tpu.memory_space<vmem>> -> memref<320xf32, #tpu.memory_space<vmem>>
      %dma_start3A_21 = tpu.memref_slice %arg5[%mul3A_4] : memref<10240xf32, #tpu.memory_space<hbm>> -> memref<320xf32, #tpu.memory_space<hbm>>
      tpu.enqueue_dma source(%dma_start3A_21 : memref<320xf32, #tpu.memory_space<hbm>>) target(%dma_start3A_20 : memref<320xf32, #tpu.memory_space<vmem>>) target_semaphore(%run_scoped3A : memref<!tpu.dma_semaphore, #tpu.memory_space<semaphore_mem>>)
      %dma_wait3A = arith.constant 0 : i32
      %dma_wait3A_22 = tpu.memref_slice %arg12[%dma_wait3A] : memref<336xf32, #tpu.memory_space<vmem>> -> memref<320xf32, #tpu.memory_space<vmem>>
      %dma_wait3A_23 = tpu.memref_slice %arg5[%mul3A_4] : memref<10240xf32, #tpu.memory_space<hbm>> -> memref<320xf32, #tpu.memory_space<hbm>>
      %dma_wait3A_24 = arith.constant 0 : i32
      %dma_wait3A_25 = tpu.memref_slice %arg12[%dma_wait3A_24] : memref<336xf32, #tpu.memory_space<vmem>> -> memref<320xf32, #tpu.memory_space<vmem>>
      %dma_wait3A_26 = tpu.memref_slice %arg5[%mul3A_4] : memref<10240xf32, #tpu.memory_space<hbm>> -> memref<320xf32, #tpu.memory_space<hbm>>
      tpu.wait_dma2 semaphore(%run_scoped3A : memref<!tpu.dma_semaphore, #tpu.memory_space<semaphore_mem>>) src(%dma_wait3A_26 : memref<320xf32, #tpu.memory_space<hbm>>) dst(%dma_wait3A_25 : memref<320xf32, #tpu.memory_space<vmem>>)
      tpu.yield
    }) : () -> ()
    %broadcast_in_dim3A = arith.constant 0xFF800000 : f32
    %broadcast_in_dim3A_5 = vector.broadcast %broadcast_in_dim3A : f32 to vector<16xf32>
    %scan3A = arith.constant 0 : i32
    %scan3A_6 = arith.constant 0 : i32
    %scan3A_7 = arith.constant 136 : i32
    %scan3A_8 = arith.addi %scan3A_6, %scan3A_7 : i32
    %scan3A_9 = arith.constant 1 : i32
    scf.for %scan3A_17 = %scan3A_6 to %scan3A_8 step %scan3A_9  : i32 {
      %swap3A = arith.index_cast %scan3A_17 : i32 to index
      %swap3A_18 = arith.constant 0 : index
      %swap3A_19 = tpu.vector_load %arg8[%swap3A, %swap3A_18] {strides = array<i32>} : memref<136x128xf32, #tpu.memory_space<vmem>>, vector<1x16xf32>,
      %swap3A_20 = vector.shape_cast %swap3A_19 : vector<1x16xf32> to vector<16xf32>
      %swap3A_21 = vector.shape_cast %broadcast_in_dim3A_5 : vector<16xf32> to vector<1x16xf32>
      tpu.vector_store %arg8[%swap3A, %swap3A_18], %swap3A_21 {strides = array<i32>} : memref<136x128xf32, #tpu.memory_space<vmem>>, vector<1x16xf32>,
      %swap3A_22 = arith.index_cast %scan3A_17 : i32 to index
      %swap3A_23 = arith.constant 16 : index
      %swap3A_24 = tpu.vector_load %arg8[%swap3A_22, %swap3A_23] {strides = array<i32>} : memref<136x128xf32, #tpu.memory_space<vmem>>, vector<1x16xf32>,
      %swap3A_25 = vector.shape_cast %swap3A_24 : vector<1x16xf32> to vector<16xf32>
      %swap3A_26 = vector.shape_cast %broadcast_in_dim3A_5 : vector<16xf32> to vector<1x16xf32>
      tpu.vector_store %arg8[%swap3A_22, %swap3A_23], %swap3A_26 {strides = array<i32>} : memref<136x128xf32, #tpu.memory_space<vmem>>, vector<1x16xf32>,
      %swap3A_27 = arith.index_cast %scan3A_17 : i32 to index
      %swap3A_28 = arith.constant 32 : index
      %swap3A_29 = tpu.vector_load %arg8[%swap3A_27, %swap3A_28] {strides = array<i32>} : memref<136x128xf32, #tpu.memory_space<vmem>>, vector<1x16xf32>,
      %swap3A_30 = vector.shape_cast %swap3A_29 : vector<1x16xf32> to vector<16xf32>
      %swap3A_31 = vector.shape_cast %broadcast_in_dim3A_5 : vector<16xf32> to vector<1x16xf32>
      tpu.vector_store %arg8[%swap3A_27, %swap3A_28], %swap3A_31 {strides = array<i32>} : memref<136x128xf32, #tpu.memory_space<vmem>>, vector<1x16xf32>,
      %swap3A_32 = arith.index_cast %scan3A_17 : i32 to index
      %swap3A_33 = arith.constant 48 : index
      %swap3A_34 = tpu.vector_load %arg8[%swap3A_32, %swap3A_33] {strides = array<i32>} : memref<136x128xf32, #tpu.memory_space<vmem>>, vector<1x16xf32>,
      %swap3A_35 = vector.shape_cast %swap3A_34 : vector<1x16xf32> to vector<16xf32>
      %swap3A_36 = vector.shape_cast %broadcast_in_dim3A_5 : vector<16xf32> to vector<1x16xf32>
      tpu.vector_store %arg8[%swap3A_32, %swap3A_33], %swap3A_36 {strides = array<i32>} : memref<136x128xf32, #tpu.memory_space<vmem>>, vector<1x16xf32>,
      %swap3A_37 = arith.index_cast %scan3A_17 : i32 to index
      %swap3A_38 = arith.constant 64 : index
      %swap3A_39 = tpu.vector_load %arg8[%swap3A_37, %swap3A_38] {strides = array<i32>} : memref<136x128xf32, #tpu.memory_space<vmem>>, vector<1x16xf32>,
      %swap3A_40 = vector.shape_cast %swap3A_39 : vector<1x16xf32> to vector<16xf32>
      %swap3A_41 = vector.shape_cast %broadcast_in_dim3A_5 : vector<16xf32> to vector<1x16xf32>
      tpu.vector_store %arg8[%swap3A_37, %swap3A_38], %swap3A_41 {strides = array<i32>} : memref<136x128xf32, #tpu.memory_space<vmem>>, vector<1x16xf32>,
      %swap3A_42 = arith.index_cast %scan3A_17 : i32 to index
      %swap3A_43 = arith.constant 80 : index
      %swap3A_44 = tpu.vector_load %arg8[%swap3A_42, %swap3A_43] {strides = array<i32>} : memref<136x128xf32, #tpu.memory_space<vmem>>, vector<1x16xf32>,
      %swap3A_45 = vector.shape_cast %swap3A_44 : vector<1x16xf32> to vector<16xf32>
      %swap3A_46 = vector.shape_cast %broadcast_in_dim3A_5 : vector<16xf32> to vector<1x16xf32>
      tpu.vector_store %arg8[%swap3A_42, %swap3A_43], %swap3A_46 {strides = array<i32>} : memref<136x128xf32, #tpu.memory_space<vmem>>, vector<1x16xf32>,
      %swap3A_47 = arith.index_cast %scan3A_17 : i32 to index
      %swap3A_48 = arith.constant 96 : index
      %swap3A_49 = tpu.vector_load %arg8[%swap3A_47, %swap3A_48] {strides = array<i32>} : memref<136x128xf32, #tpu.memory_space<vmem>>, vector<1x16xf32>,
      %swap3A_50 = vector.shape_cast %swap3A_49 : vector<1x16xf32> to vector<16xf32>
      %swap3A_51 = vector.shape_cast %broadcast_in_dim3A_5 : vector<16xf32> to vector<1x16xf32>
      tpu.vector_store %arg8[%swap3A_47, %swap3A_48], %swap3A_51 {strides = array<i32>} : memref<136x128xf32, #tpu.memory_space<vmem>>, vector<1x16xf32>,
      %swap3A_52 = arith.index_cast %scan3A_17 : i32 to index
      %swap3A_53 = arith.constant 112 : index
      %swap3A_54 = tpu.vector_load %arg8[%swap3A_52, %swap3A_53] {strides = array<i32>} : memref<136x128xf32, #tpu.memory_space<vmem>>, vector<1x16xf32>,
      %swap3A_55 = vector.shape_cast %swap3A_54 : vector<1x16xf32> to vector<16xf32>
      %swap3A_56 = vector.shape_cast %broadcast_in_dim3A_5 : vector<16xf32> to vector<1x16xf32>
      tpu.vector_store %arg8[%swap3A_52, %swap3A_53], %swap3A_56 {strides = array<i32>} : memref<136x128xf32, #tpu.memory_space<vmem>>, vector<1x16xf32>,
    }
    %scan3A_10 = arith.constant 136 : i32
    %scan3A_11 = arith.constant 0 : i32
    %scan3A_12 = arith.constant 0 : i32
    %scan3A_13 = arith.constant 2 : i32
    %scan3A_14 = arith.addi %scan3A_12, %scan3A_13 : i32
    %scan3A_15 = arith.constant 1 : i32
    scf.for %scan3A_17 = %scan3A_12 to %scan3A_14 step %scan3A_15  : i32 {
      %mul3A_18 = arith.constant 320 : i32
      %mul3A_19 = arith.muli %add3A, %mul3A_18 : i32
      %mul3A_20 = arith.constant 160 : i32
      %mul3A_21 = arith.muli %scan3A_17, %mul3A_20 : i32
      %add3A_22 = arith.addi %mul3A_19, %mul3A_21 : i32
      "tpu.region"() ({
        %run_scoped3A = tpu.sem_alloc : memref<!tpu.dma_semaphore, #tpu.memory_space<semaphore_mem>>
        %dma_start3A = arith.constant 0 : i32
        %dma_start3A_29 = tpu.memref_slice %arg2[%add3A_22, %dma_start3A] : memref<10240x128xf32, #tpu.memory_space<hbm>> -> memref<160x128xf32, #tpu.memory_space<hbm>>
        %dma_start3A_30 = arith.constant 0 : i32
        %dma_start3A_31 = tpu.memref_slice %arg2[%add3A_22, %dma_start3A_30] : memref<10240x128xf32, #tpu.memory_space<hbm>> -> memref<160x128xf32, #tpu.memory_space<hbm>>
        tpu.enqueue_dma source(%dma_start3A_31 : memref<160x128xf32, #tpu.memory_space<hbm>>) target(%arg9 : memref<160x128xf32, #tpu.memory_space<vmem>>) target_semaphore(%run_scoped3A : memref<!tpu.dma_semaphore, #tpu.memory_space<semaphore_mem>>)
        %dma_wait3A = arith.constant 0 : i32
        %dma_wait3A_32 = tpu.memref_slice %arg2[%add3A_22, %dma_wait3A] : memref<10240x128xf32, #tpu.memory_space<hbm>> -> memref<160x128xf32, #tpu.memory_space<hbm>>
        %dma_wait3A_33 = arith.constant 0 : i32
        %dma_wait3A_34 = tpu.memref_slice %arg2[%add3A_22, %dma_wait3A_33] : memref<10240x128xf32, #tpu.memory_space<hbm>> -> memref<160x128xf32, #tpu.memory_space<hbm>>
        tpu.wait_dma2 semaphore(%run_scoped3A : memref<!tpu.dma_semaphore, #tpu.memory_space<semaphore_mem>>) src(%dma_wait3A_34 : memref<160x128xf32, #tpu.memory_space<hbm>>) dst(%arg9 : memref<160x128xf32, #tpu.memory_space<vmem>>)
        tpu.yield
      }) : () -> ()
      "tpu.region"() ({
        %run_scoped3A = tpu.sem_alloc : memref<!tpu.dma_semaphore, #tpu.memory_space<semaphore_mem>>
        %dma_start3A = arith.constant 0 : i32
        %dma_start3A_29 = tpu.memref_slice %arg3[%add3A_22, %dma_start3A] : memref<10240x128xf32, #tpu.memory_space<hbm>> -> memref<160x128xf32, #tpu.memory_space<hbm>>
        %dma_start3A_30 = arith.constant 0 : i32
        %dma_start3A_31 = tpu.memref_slice %arg3[%add3A_22, %dma_start3A_30] : memref<10240x128xf32, #tpu.memory_space<hbm>> -> memref<160x128xf32, #tpu.memory_space<hbm>>
        tpu.enqueue_dma source(%dma_start3A_31 : memref<160x128xf32, #tpu.memory_space<hbm>>) target(%arg10 : memref<160x128xf32, #tpu.memory_space<vmem>>) target_semaphore(%run_scoped3A : memref<!tpu.dma_semaphore, #tpu.memory_space<semaphore_mem>>)
        %dma_wait3A = arith.constant 0 : i32
        %dma_wait3A_32 = tpu.memref_slice %arg3[%add3A_22, %dma_wait3A] : memref<10240x128xf32, #tpu.memory_space<hbm>> -> memref<160x128xf32, #tpu.memory_space<hbm>>
        %dma_wait3A_33 = arith.constant 0 : i32
        %dma_wait3A_34 = tpu.memref_slice %arg3[%add3A_22, %dma_wait3A_33] : memref<10240x128xf32, #tpu.memory_space<hbm>> -> memref<160x128xf32, #tpu.memory_space<hbm>>
        tpu.wait_dma2 semaphore(%run_scoped3A : memref<!tpu.dma_semaphore, #tpu.memory_space<semaphore_mem>>) src(%dma_wait3A_34 : memref<160x128xf32, #tpu.memory_space<hbm>>) dst(%arg10 : memref<160x128xf32, #tpu.memory_space<vmem>>)
        tpu.yield
      }) : () -> ()
      "tpu.region"() ({
        %run_scoped3A = tpu.sem_alloc : memref<!tpu.dma_semaphore, #tpu.memory_space<semaphore_mem>>
        %dma_start3A = arith.constant 0 : i32
        %dma_start3A_29 = tpu.memref_slice %arg4[%add3A_22, %dma_start3A] : memref<10240x128xf32, #tpu.memory_space<hbm>> -> memref<160x128xf32, #tpu.memory_space<hbm>>
        %dma_start3A_30 = arith.constant 0 : i32
        %dma_start3A_31 = tpu.memref_slice %arg4[%add3A_22, %dma_start3A_30] : memref<10240x128xf32, #tpu.memory_space<hbm>> -> memref<160x128xf32, #tpu.memory_space<hbm>>
        tpu.enqueue_dma source(%dma_start3A_31 : memref<160x128xf32, #tpu.memory_space<hbm>>) target(%arg11 : memref<160x128xf32, #tpu.memory_space<vmem>>) target_semaphore(%run_scoped3A : memref<!tpu.dma_semaphore, #tpu.memory_space<semaphore_mem>>)
        %dma_wait3A = arith.constant 0 : i32
        %dma_wait3A_32 = tpu.memref_slice %arg4[%add3A_22, %dma_wait3A] : memref<10240x128xf32, #tpu.memory_space<hbm>> -> memref<160x128xf32, #tpu.memory_space<hbm>>
        %dma_wait3A_33 = arith.constant 0 : i32
        %dma_wait3A_34 = tpu.memref_slice %arg4[%add3A_22, %dma_wait3A_33] : memref<10240x128xf32, #tpu.memory_space<hbm>> -> memref<160x128xf32, #tpu.memory_space<hbm>>
        tpu.wait_dma2 semaphore(%run_scoped3A : memref<!tpu.dma_semaphore, #tpu.memory_space<semaphore_mem>>) src(%dma_wait3A_34 : memref<160x128xf32, #tpu.memory_space<hbm>>) dst(%arg11 : memref<160x128xf32, #tpu.memory_space<vmem>>)
        tpu.yield
      }) : () -> ()
      %scan3A_23 = arith.constant 0 : i32
      %scan3A_24 = arith.constant 0 : i32
      %scan3A_25 = arith.constant 160 : i32
      %scan3A_26 = arith.addi %scan3A_24, %scan3A_25 : i32
      %scan3A_27 = arith.constant 1 : i32
      scf.for %scan3A_29 = %scan3A_24 to %scan3A_26 step %scan3A_27  : i32 {
        %mul3A_30 = arith.constant 160 : i32
        %mul3A_31 = arith.muli %scan3A_17, %mul3A_30 : i32
        %add3A_32 = arith.addi %mul3A_31, %scan3A_29 : i32
        %get3A = arith.index_cast %add3A_32 : i32 to index
        %get3A_33 = tpu.vector_load %arg13[%get3A] {strides = array<i32>} : memref<336xi32, #tpu.memory_space<vmem>>, vector<16xi32>,
        %get3A_34 = vector.shape_cast %get3A_33 : vector<16xi32> to vector<16xi32>
        %slice3A = vector.extract_strided_slice %get3A_34 {offsets = [0], sizes = [1], strides = [1]} : vector<16xi32> to vector<1xi32>
        %squeeze3A = vector.extract %slice3A[0] : i32 from vector<1xi32>
        %get3A_35 = arith.index_cast %add3A_32 : i32 to index
        %get3A_36 = tpu.vector_load %arg12[%get3A_35] {strides = array<i32>} : memref<336xf32, #tpu.memory_space<vmem>>, vector<16xf32>,
        %get3A_37 = vector.shape_cast %get3A_36 : vector<16xf32> to vector<16xf32>
        %slice3A_38 = vector.extract_strided_slice %get3A_37 {offsets = [0], sizes = [1], strides = [1]} : vector<16xf32> to vector<1xf32>
        %squeeze3A_39 = vector.extract %slice3A_38[0] : f32 from vector<1xf32>
        %get3A_40 = arith.index_cast %scan3A_29 : i32 to index
        %get3A_41 = arith.constant 0 : index
        %get3A_42 = tpu.vector_load %arg9[%get3A_40, %get3A_41] {strides = array<i32>} : memref<160x128xf32, #tpu.memory_space<vmem>>, vector<1x16xf32>,
        %get3A_43 = vector.shape_cast %get3A_42 : vector<1x16xf32> to vector<16xf32>
        %get3A_44 = arith.index_cast %scan3A_29 : i32 to index
        %get3A_45 = arith.constant 0 : index
        %get3A_46 = tpu.vector_load %arg10[%get3A_44, %get3A_45] {strides = array<i32>} : memref<160x128xf32, #tpu.memory_space<vmem>>, vector<1x16xf32>,
        %get3A_47 = vector.shape_cast %get3A_46 : vector<1x16xf32> to vector<16xf32>
        %add3A_48 = arith.addf %get3A_43, %get3A_47 : vector<16xf32>
        %get3A_49 = arith.index_cast %scan3A_29 : i32 to index
        %get3A_50 = arith.constant 0 : index
        %get3A_51 = tpu.vector_load %arg11[%get3A_49, %get3A_50] {strides = array<i32>} : memref<160x128xf32, #tpu.memory_space<vmem>>, vector<1x16xf32>,
        %get3A_52 = vector.shape_cast %get3A_51 : vector<1x16xf32> to vector<16xf32>
        %add3A_53 = arith.addf %add3A_48, %get3A_52 : vector<16xf32>
        %mul3A_54 = vector.broadcast %squeeze3A_39 : f32 to vector<16xf32>
        %mul3A_55 = arith.mulf %mul3A_54, %add3A_53 : vector<16xf32>
        %get3A_56 = arith.index_cast %squeeze3A : i32 to index
        %get3A_57 = arith.constant 0 : index
        %get3A_58 = tpu.vector_load %arg8[%get3A_56, %get3A_57] {strides = array<i32>} : memref<136x128xf32, #tpu.memory_space<vmem>>, vector<1x16xf32>,
        %get3A_59 = vector.shape_cast %get3A_58 : vector<1x16xf32> to vector<16xf32>
        %max3A = arith.maximumf %get3A_59, %mul3A_55 : vector<16xf32>
        %swap3A = arith.index_cast %squeeze3A : i32 to index
        %swap3A_60 = arith.constant 0 : index
        %swap3A_61 = tpu.vector_load %arg8[%swap3A, %swap3A_60] {strides = array<i32>} : memref<136x128xf32, #tpu.memory_space<vmem>>, vector<1x16xf32>,
        %swap3A_62 = vector.shape_cast %swap3A_61 : vector<1x16xf32> to vector<16xf32>
        %swap3A_63 = vector.shape_cast %max3A : vector<16xf32> to vector<1x16xf32>
        tpu.vector_store %arg8[%swap3A, %swap3A_60], %swap3A_63 {strides = array<i32>} : memref<136x128xf32, #tpu.memory_space<vmem>>, vector<1x16xf32>,
        %get3A_64 = arith.index_cast %scan3A_29 : i32 to index
        %get3A_65 = arith.constant 16 : index
        %get3A_66 = tpu.vector_load %arg9[%get3A_64, %get3A_65] {strides = array<i32>} : memref<160x128xf32, #tpu.memory_space<vmem>>, vector<1x16xf32>,
        %get3A_67 = vector.shape_cast %get3A_66 : vector<1x16xf32> to vector<16xf32>
        %get3A_68 = arith.index_cast %scan3A_29 : i32 to index
        %get3A_69 = arith.constant 16 : index
        %get3A_70 = tpu.vector_load %arg10[%get3A_68, %get3A_69] {strides = array<i32>} : memref<160x128xf32, #tpu.memory_space<vmem>>, vector<1x16xf32>,
        %get3A_71 = vector.shape_cast %get3A_70 : vector<1x16xf32> to vector<16xf32>
        %add3A_72 = arith.addf %get3A_67, %get3A_71 : vector<16xf32>
        %get3A_73 = arith.index_cast %scan3A_29 : i32 to index
        %get3A_74 = arith.constant 16 : index
        %get3A_75 = tpu.vector_load %arg11[%get3A_73, %get3A_74] {strides = array<i32>} : memref<160x128xf32, #tpu.memory_space<vmem>>, vector<1x16xf32>,
        %get3A_76 = vector.shape_cast %get3A_75 : vector<1x16xf32> to vector<16xf32>
        %add3A_77 = arith.addf %add3A_72, %get3A_76 : vector<16xf32>
        %mul3A_78 = vector.broadcast %squeeze3A_39 : f32 to vector<16xf32>
        %mul3A_79 = arith.mulf %mul3A_78, %add3A_77 : vector<16xf32>
        %get3A_80 = arith.index_cast %squeeze3A : i32 to index
        %get3A_81 = arith.constant 16 : index
        %get3A_82 = tpu.vector_load %arg8[%get3A_80, %get3A_81] {strides = array<i32>} : memref<136x128xf32, #tpu.memory_space<vmem>>, vector<1x16xf32>,
        %get3A_83 = vector.shape_cast %get3A_82 : vector<1x16xf32> to vector<16xf32>
        %max3A_84 = arith.maximumf %get3A_83, %mul3A_79 : vector<16xf32>
        %swap3A_85 = arith.index_cast %squeeze3A : i32 to index
        %swap3A_86 = arith.constant 16 : index
        %swap3A_87 = tpu.vector_load %arg8[%swap3A_85, %swap3A_86] {strides = array<i32>} : memref<136x128xf32, #tpu.memory_space<vmem>>, vector<1x16xf32>,
        %swap3A_88 = vector.shape_cast %swap3A_87 : vector<1x16xf32> to vector<16xf32>
        %swap3A_89 = vector.shape_cast %max3A_84 : vector<16xf32> to vector<1x16xf32>
        tpu.vector_store %arg8[%swap3A_85, %swap3A_86], %swap3A_89 {strides = array<i32>} : memref<136x128xf32, #tpu.memory_space<vmem>>, vector<1x16xf32>,
        %get3A_90 = arith.index_cast %scan3A_29 : i32 to index
        %get3A_91 = arith.constant 32 : index
        %get3A_92 = tpu.vector_load %arg9[%get3A_90, %get3A_91] {strides = array<i32>} : memref<160x128xf32, #tpu.memory_space<vmem>>, vector<1x16xf32>,
        %get3A_93 = vector.shape_cast %get3A_92 : vector<1x16xf32> to vector<16xf32>
        %get3A_94 = arith.index_cast %scan3A_29 : i32 to index
        %get3A_95 = arith.constant 32 : index
        %get3A_96 = tpu.vector_load %arg10[%get3A_94, %get3A_95] {strides = array<i32>} : memref<160x128xf32, #tpu.memory_space<vmem>>, vector<1x16xf32>,
        %get3A_97 = vector.shape_cast %get3A_96 : vector<1x16xf32> to vector<16xf32>
        %add3A_98 = arith.addf %get3A_93, %get3A_97 : vector<16xf32>
        %get3A_99 = arith.index_cast %scan3A_29 : i32 to index
        %get3A_100 = arith.constant 32 : index
        %get3A_101 = tpu.vector_load %arg11[%get3A_99, %get3A_100] {strides = array<i32>} : memref<160x128xf32, #tpu.memory_space<vmem>>, vector<1x16xf32>,
        %get3A_102 = vector.shape_cast %get3A_101 : vector<1x16xf32> to vector<16xf32>
        %add3A_103 = arith.addf %add3A_98, %get3A_102 : vector<16xf32>
        %mul3A_104 = vector.broadcast %squeeze3A_39 : f32 to vector<16xf32>
        %mul3A_105 = arith.mulf %mul3A_104, %add3A_103 : vector<16xf32>
        %get3A_106 = arith.index_cast %squeeze3A : i32 to index
        %get3A_107 = arith.constant 32 : index
        %get3A_108 = tpu.vector_load %arg8[%get3A_106, %get3A_107] {strides = array<i32>} : memref<136x128xf32, #tpu.memory_space<vmem>>, vector<1x16xf32>,
        %get3A_109 = vector.shape_cast %get3A_108 : vector<1x16xf32> to vector<16xf32>
        %max3A_110 = arith.maximumf %get3A_109, %mul3A_105 : vector<16xf32>
        %swap3A_111 = arith.index_cast %squeeze3A : i32 to index
        %swap3A_112 = arith.constant 32 : index
        %swap3A_113 = tpu.vector_load %arg8[%swap3A_111, %swap3A_112] {strides = array<i32>} : memref<136x128xf32, #tpu.memory_space<vmem>>, vector<1x16xf32>,
        %swap3A_114 = vector.shape_cast %swap3A_113 : vector<1x16xf32> to vector<16xf32>
        %swap3A_115 = vector.shape_cast %max3A_110 : vector<16xf32> to vector<1x16xf32>
        tpu.vector_store %arg8[%swap3A_111, %swap3A_112], %swap3A_115 {strides = array<i32>} : memref<136x128xf32, #tpu.memory_space<vmem>>, vector<1x16xf32>,
        %get3A_116 = arith.index_cast %scan3A_29 : i32 to index
        %get3A_117 = arith.constant 48 : index
        %get3A_118 = tpu.vector_load %arg9[%get3A_116, %get3A_117] {strides = array<i32>} : memref<160x128xf32, #tpu.memory_space<vmem>>, vector<1x16xf32>,
        %get3A_119 = vector.shape_cast %get3A_118 : vector<1x16xf32> to vector<16xf32>
        %get3A_120 = arith.index_cast %scan3A_29 : i32 to index
        %get3A_121 = arith.constant 48 : index
        %get3A_122 = tpu.vector_load %arg10[%get3A_120, %get3A_121] {strides = array<i32>} : memref<160x128xf32, #tpu.memory_space<vmem>>, vector<1x16xf32>,
        %get3A_123 = vector.shape_cast %get3A_122 : vector<1x16xf32> to vector<16xf32>
        %add3A_124 = arith.addf %get3A_119, %get3A_123 : vector<16xf32>
        %get3A_125 = arith.index_cast %scan3A_29 : i32 to index
        %get3A_126 = arith.constant 48 : index
        %get3A_127 = tpu.vector_load %arg11[%get3A_125, %get3A_126] {strides = array<i32>} : memref<160x128xf32, #tpu.memory_space<vmem>>, vector<1x16xf32>,
        %get3A_128 = vector.shape_cast %get3A_127 : vector<1x16xf32> to vector<16xf32>
        %add3A_129 = arith.addf %add3A_124, %get3A_128 : vector<16xf32>
        %mul3A_130 = vector.broadcast %squeeze3A_39 : f32 to vector<16xf32>
        %mul3A_131 = arith.mulf %mul3A_130, %add3A_129 : vector<16xf32>
        %get3A_132 = arith.index_cast %squeeze3A : i32 to index
        %get3A_133 = arith.constant 48 : index
        %get3A_134 = tpu.vector_load %arg8[%get3A_132, %get3A_133] {strides = array<i32>} : memref<136x128xf32, #tpu.memory_space<vmem>>, vector<1x16xf32>,
        %get3A_135 = vector.shape_cast %get3A_134 : vector<1x16xf32> to vector<16xf32>
        %max3A_136 = arith.maximumf %get3A_135, %mul3A_131 : vector<16xf32>
        %swap3A_137 = arith.index_cast %squeeze3A : i32 to index
        %swap3A_138 = arith.constant 48 : index
        %swap3A_139 = tpu.vector_load %arg8[%swap3A_137, %swap3A_138] {strides = array<i32>} : memref<136x128xf32, #tpu.memory_space<vmem>>, vector<1x16xf32>,
        %swap3A_140 = vector.shape_cast %swap3A_139 : vector<1x16xf32> to vector<16xf32>
        %swap3A_141 = vector.shape_cast %max3A_136 : vector<16xf32> to vector<1x16xf32>
        tpu.vector_store %arg8[%swap3A_137, %swap3A_138], %swap3A_141 {strides = array<i32>} : memref<136x128xf32, #tpu.memory_space<vmem>>, vector<1x16xf32>,
        %get3A_142 = arith.index_cast %scan3A_29 : i32 to index
        %get3A_143 = arith.constant 64 : index
        %get3A_144 = tpu.vector_load %arg9[%get3A_142, %get3A_143] {strides = array<i32>} : memref<160x128xf32, #tpu.memory_space<vmem>>, vector<1x16xf32>,
        %get3A_145 = vector.shape_cast %get3A_144 : vector<1x16xf32> to vector<16xf32>
        %get3A_146 = arith.index_cast %scan3A_29 : i32 to index
        %get3A_147 = arith.constant 64 : index
        %get3A_148 = tpu.vector_load %arg10[%get3A_146, %get3A_147] {strides = array<i32>} : memref<160x128xf32, #tpu.memory_space<vmem>>, vector<1x16xf32>,
        %get3A_149 = vector.shape_cast %get3A_148 : vector<1x16xf32> to vector<16xf32>
        %add3A_150 = arith.addf %get3A_145, %get3A_149 : vector<16xf32>
        %get3A_151 = arith.index_cast %scan3A_29 : i32 to index
        %get3A_152 = arith.constant 64 : index
        %get3A_153 = tpu.vector_load %arg11[%get3A_151, %get3A_152] {strides = array<i32>} : memref<160x128xf32, #tpu.memory_space<vmem>>, vector<1x16xf32>,
        %get3A_154 = vector.shape_cast %get3A_153 : vector<1x16xf32> to vector<16xf32>
        %add3A_155 = arith.addf %add3A_150, %get3A_154 : vector<16xf32>
        %mul3A_156 = vector.broadcast %squeeze3A_39 : f32 to vector<16xf32>
        %mul3A_157 = arith.mulf %mul3A_156, %add3A_155 : vector<16xf32>
        %get3A_158 = arith.index_cast %squeeze3A : i32 to index
        %get3A_159 = arith.constant 64 : index
        %get3A_160 = tpu.vector_load %arg8[%get3A_158, %get3A_159] {strides = array<i32>} : memref<136x128xf32, #tpu.memory_space<vmem>>, vector<1x16xf32>,
        %get3A_161 = vector.shape_cast %get3A_160 : vector<1x16xf32> to vector<16xf32>
        %max3A_162 = arith.maximumf %get3A_161, %mul3A_157 : vector<16xf32>
        %swap3A_163 = arith.index_cast %squeeze3A : i32 to index
        %swap3A_164 = arith.constant 64 : index
        %swap3A_165 = tpu.vector_load %arg8[%swap3A_163, %swap3A_164] {strides = array<i32>} : memref<136x128xf32, #tpu.memory_space<vmem>>, vector<1x16xf32>,
        %swap3A_166 = vector.shape_cast %swap3A_165 : vector<1x16xf32> to vector<16xf32>
        %swap3A_167 = vector.shape_cast %max3A_162 : vector<16xf32> to vector<1x16xf32>
        tpu.vector_store %arg8[%swap3A_163, %swap3A_164], %swap3A_167 {strides = array<i32>} : memref<136x128xf32, #tpu.memory_space<vmem>>, vector<1x16xf32>,
        %get3A_168 = arith.index_cast %scan3A_29 : i32 to index
        %get3A_169 = arith.constant 80 : index
        %get3A_170 = tpu.vector_load %arg9[%get3A_168, %get3A_169] {strides = array<i32>} : memref<160x128xf32, #tpu.memory_space<vmem>>, vector<1x16xf32>,
        %get3A_171 = vector.shape_cast %get3A_170 : vector<1x16xf32> to vector<16xf32>
        %get3A_172 = arith.index_cast %scan3A_29 : i32 to index
        %get3A_173 = arith.constant 80 : index
        %get3A_174 = tpu.vector_load %arg10[%get3A_172, %get3A_173] {strides = array<i32>} : memref<160x128xf32, #tpu.memory_space<vmem>>, vector<1x16xf32>,
        %get3A_175 = vector.shape_cast %get3A_174 : vector<1x16xf32> to vector<16xf32>
        %add3A_176 = arith.addf %get3A_171, %get3A_175 : vector<16xf32>
        %get3A_177 = arith.index_cast %scan3A_29 : i32 to index
        %get3A_178 = arith.constant 80 : index
        %get3A_179 = tpu.vector_load %arg11[%get3A_177, %get3A_178] {strides = array<i32>} : memref<160x128xf32, #tpu.memory_space<vmem>>, vector<1x16xf32>,
        %get3A_180 = vector.shape_cast %get3A_179 : vector<1x16xf32> to vector<16xf32>
        %add3A_181 = arith.addf %add3A_176, %get3A_180 : vector<16xf32>
        %mul3A_182 = vector.broadcast %squeeze3A_39 : f32 to vector<16xf32>
        %mul3A_183 = arith.mulf %mul3A_182, %add3A_181 : vector<16xf32>
        %get3A_184 = arith.index_cast %squeeze3A : i32 to index
        %get3A_185 = arith.constant 80 : index
        %get3A_186 = tpu.vector_load %arg8[%get3A_184, %get3A_185] {strides = array<i32>} : memref<136x128xf32, #tpu.memory_space<vmem>>, vector<1x16xf32>,
        %get3A_187 = vector.shape_cast %get3A_186 : vector<1x16xf32> to vector<16xf32>
        %max3A_188 = arith.maximumf %get3A_187, %mul3A_183 : vector<16xf32>
        %swap3A_189 = arith.index_cast %squeeze3A : i32 to index
        %swap3A_190 = arith.constant 80 : index
        %swap3A_191 = tpu.vector_load %arg8[%swap3A_189, %swap3A_190] {strides = array<i32>} : memref<136x128xf32, #tpu.memory_space<vmem>>, vector<1x16xf32>,
        %swap3A_192 = vector.shape_cast %swap3A_191 : vector<1x16xf32> to vector<16xf32>
        %swap3A_193 = vector.shape_cast %max3A_188 : vector<16xf32> to vector<1x16xf32>
        tpu.vector_store %arg8[%swap3A_189, %swap3A_190], %swap3A_193 {strides = array<i32>} : memref<136x128xf32, #tpu.memory_space<vmem>>, vector<1x16xf32>,
        %get3A_194 = arith.index_cast %scan3A_29 : i32 to index
        %get3A_195 = arith.constant 96 : index
        %get3A_196 = tpu.vector_load %arg9[%get3A_194, %get3A_195] {strides = array<i32>} : memref<160x128xf32, #tpu.memory_space<vmem>>, vector<1x16xf32>,
        %get3A_197 = vector.shape_cast %get3A_196 : vector<1x16xf32> to vector<16xf32>
        %get3A_198 = arith.index_cast %scan3A_29 : i32 to index
        %get3A_199 = arith.constant 96 : index
        %get3A_200 = tpu.vector_load %arg10[%get3A_198, %get3A_199] {strides = array<i32>} : memref<160x128xf32, #tpu.memory_space<vmem>>, vector<1x16xf32>,
        %get3A_201 = vector.shape_cast %get3A_200 : vector<1x16xf32> to vector<16xf32>
        %add3A_202 = arith.addf %get3A_197, %get3A_201 : vector<16xf32>
        %get3A_203 = arith.index_cast %scan3A_29 : i32 to index
        %get3A_204 = arith.constant 96 : index
        %get3A_205 = tpu.vector_load %arg11[%get3A_203, %get3A_204] {strides = array<i32>} : memref<160x128xf32, #tpu.memory_space<vmem>>, vector<1x16xf32>,
        %get3A_206 = vector.shape_cast %get3A_205 : vector<1x16xf32> to vector<16xf32>
        %add3A_207 = arith.addf %add3A_202, %get3A_206 : vector<16xf32>
        %mul3A_208 = vector.broadcast %squeeze3A_39 : f32 to vector<16xf32>
        %mul3A_209 = arith.mulf %mul3A_208, %add3A_207 : vector<16xf32>
        %get3A_210 = arith.index_cast %squeeze3A : i32 to index
        %get3A_211 = arith.constant 96 : index
        %get3A_212 = tpu.vector_load %arg8[%get3A_210, %get3A_211] {strides = array<i32>} : memref<136x128xf32, #tpu.memory_space<vmem>>, vector<1x16xf32>,
        %get3A_213 = vector.shape_cast %get3A_212 : vector<1x16xf32> to vector<16xf32>
        %max3A_214 = arith.maximumf %get3A_213, %mul3A_209 : vector<16xf32>
        %swap3A_215 = arith.index_cast %squeeze3A : i32 to index
        %swap3A_216 = arith.constant 96 : index
        %swap3A_217 = tpu.vector_load %arg8[%swap3A_215, %swap3A_216] {strides = array<i32>} : memref<136x128xf32, #tpu.memory_space<vmem>>, vector<1x16xf32>,
        %swap3A_218 = vector.shape_cast %swap3A_217 : vector<1x16xf32> to vector<16xf32>
        %swap3A_219 = vector.shape_cast %max3A_214 : vector<16xf32> to vector<1x16xf32>
        tpu.vector_store %arg8[%swap3A_215, %swap3A_216], %swap3A_219 {strides = array<i32>} : memref<136x128xf32, #tpu.memory_space<vmem>>, vector<1x16xf32>,
        %get3A_220 = arith.index_cast %scan3A_29 : i32 to index
        %get3A_221 = arith.constant 112 : index
        %get3A_222 = tpu.vector_load %arg9[%get3A_220, %get3A_221] {strides = array<i32>} : memref<160x128xf32, #tpu.memory_space<vmem>>, vector<1x16xf32>,
        %get3A_223 = vector.shape_cast %get3A_222 : vector<1x16xf32> to vector<16xf32>
        %get3A_224 = arith.index_cast %scan3A_29 : i32 to index
        %get3A_225 = arith.constant 112 : index
        %get3A_226 = tpu.vector_load %arg10[%get3A_224, %get3A_225] {strides = array<i32>} : memref<160x128xf32, #tpu.memory_space<vmem>>, vector<1x16xf32>,
        %get3A_227 = vector.shape_cast %get3A_226 : vector<1x16xf32> to vector<16xf32>
        %add3A_228 = arith.addf %get3A_223, %get3A_227 : vector<16xf32>
        %get3A_229 = arith.index_cast %scan3A_29 : i32 to index
        %get3A_230 = arith.constant 112 : index
        %get3A_231 = tpu.vector_load %arg11[%get3A_229, %get3A_230] {strides = array<i32>} : memref<160x128xf32, #tpu.memory_space<vmem>>, vector<1x16xf32>,
        %get3A_232 = vector.shape_cast %get3A_231 : vector<1x16xf32> to vector<16xf32>
        %add3A_233 = arith.addf %add3A_228, %get3A_232 : vector<16xf32>
        %mul3A_234 = vector.broadcast %squeeze3A_39 : f32 to vector<16xf32>
        %mul3A_235 = arith.mulf %mul3A_234, %add3A_233 : vector<16xf32>
        %get3A_236 = arith.index_cast %squeeze3A : i32 to index
        %get3A_237 = arith.constant 112 : index
        %get3A_238 = tpu.vector_load %arg8[%get3A_236, %get3A_237] {strides = array<i32>} : memref<136x128xf32, #tpu.memory_space<vmem>>, vector<1x16xf32>,
        %get3A_239 = vector.shape_cast %get3A_238 : vector<1x16xf32> to vector<16xf32>
        %max3A_240 = arith.maximumf %get3A_239, %mul3A_235 : vector<16xf32>
        %swap3A_241 = arith.index_cast %squeeze3A : i32 to index
        %swap3A_242 = arith.constant 112 : index
        %swap3A_243 = tpu.vector_load %arg8[%swap3A_241, %swap3A_242] {strides = array<i32>} : memref<136x128xf32, #tpu.memory_space<vmem>>, vector<1x16xf32>,
        %swap3A_244 = vector.shape_cast %swap3A_243 : vector<1x16xf32> to vector<16xf32>
        %swap3A_245 = vector.shape_cast %max3A_240 : vector<16xf32> to vector<1x16xf32>
        tpu.vector_store %arg8[%swap3A_241, %swap3A_242], %swap3A_245 {strides = array<i32>} : memref<136x128xf32, #tpu.memory_space<vmem>>, vector<1x16xf32>,
      }
      %scan3A_28 = arith.constant 160 : i32
    }
    %scan3A_16 = arith.constant 2 : i32
    "tpu.region"() ({
      %run_scoped3A = tpu.sem_alloc : memref<!tpu.dma_semaphore, #tpu.memory_space<semaphore_mem>>
      %dma_start3A = arith.constant 0 : i32
      %dma_start3A_17 = arith.constant 0 : i32
      %dma_start3A_18 = tpu.memref_slice %arg7[%add3A, %dma_start3A, %dma_start3A_17] : memref<32x136x128xf32, #tpu.memory_space<hbm>> -> memref<1x136x128xf32, #tpu.memory_space<hbm>>
      %dma_start3A_19 = tpu.memref_squeeze %dma_start3A_18 : memref<1x136x128xf32, #tpu.memory_space<hbm>> -> memref<136x128xf32, #tpu.memory_space<hbm>>
      %dma_start3A_20 = arith.constant 0 : i32
      %dma_start3A_21 = arith.constant 0 : i32
      %dma_start3A_22 = tpu.memref_slice %arg7[%add3A, %dma_start3A_20, %dma_start3A_21] : memref<32x136x128xf32, #tpu.memory_space<hbm>> -> memref<1x136x128xf32, #tpu.memory_space<hbm>>
      %dma_start3A_23 = tpu.memref_squeeze %dma_start3A_22 : memref<1x136x128xf32, #tpu.memory_space<hbm>> -> memref<136x128xf32, #tpu.memory_space<hbm>>
      tpu.enqueue_dma source(%arg8 : memref<136x128xf32, #tpu.memory_space<vmem>>) target(%dma_start3A_23 : memref<136x128xf32, #tpu.memory_space<hbm>>) target_semaphore(%run_scoped3A : memref<!tpu.dma_semaphore, #tpu.memory_space<semaphore_mem>>)
      %dma_wait3A = arith.constant 0 : i32
      %dma_wait3A_24 = arith.constant 0 : i32
      %dma_wait3A_25 = tpu.memref_slice %arg7[%add3A, %dma_wait3A, %dma_wait3A_24] : memref<32x136x128xf32, #tpu.memory_space<hbm>> -> memref<1x136x128xf32, #tpu.memory_space<hbm>>
      %dma_wait3A_26 = tpu.memref_squeeze %dma_wait3A_25 : memref<1x136x128xf32, #tpu.memory_space<hbm>> -> memref<136x128xf32, #tpu.memory_space<hbm>>
      %dma_wait3A_27 = arith.constant 0 : i32
      %dma_wait3A_28 = arith.constant 0 : i32
      %dma_wait3A_29 = tpu.memref_slice %arg7[%add3A, %dma_wait3A_27, %dma_wait3A_28] : memref<32x136x128xf32, #tpu.memory_space<hbm>> -> memref<1x136x128xf32, #tpu.memory_space<hbm>>
      %dma_wait3A_30 = tpu.memref_squeeze %dma_wait3A_29 : memref<1x136x128xf32, #tpu.memory_space<hbm>> -> memref<136x128xf32, #tpu.memory_space<hbm>>
      tpu.wait_dma2 semaphore(%run_scoped3A : memref<!tpu.dma_semaphore, #tpu.memory_space<semaphore_mem>>) src(%arg8 : memref<136x128xf32, #tpu.memory_space<vmem>>) dst(%dma_wait3A_30 : memref<136x128xf32, #tpu.memory_space<hbm>>)
      tpu.yield
    }) : () -> ()
    return
  }
}

#map = affine_map<(d0, d1) -> (0, 0)>
#map1 = affine_map<(d0, d1) -> (0, 0, 0)>
module attributes {stable_mosaic.version = 14 : i64} {
  func.func @agg_kernel(%arg0: i32, %arg1: i32, %arg2: memref<10240x128xf32, #tpu.memory_space<hbm>>, %arg3: memref<128x40x125xi32, #tpu.memory_space<hbm>>, %arg4: memref<128x40x125xi32, #tpu.memory_space<hbm>>, %arg5: memref<10240x128xf32, #tpu.memory_space<hbm>>, %arg6: memref<2x10240x128xf32, #tpu.memory_space<hbm>>, %arg7: memref<10240x128xf32, #tpu.memory_space<vmem_shared>>, %arg8: memref<40x125xi32, #tpu.memory_space<vmem>>, %arg9: memref<40x125xi32, #tpu.memory_space<vmem>>, %arg10: memref<125x128xf32, #tpu.memory_space<vmem>>, %arg11: memref<125x128xf32, #tpu.memory_space<vmem>>, %arg12: memref<!tpu.dma_semaphore, #tpu.memory_space<semaphore_mem>>, %arg13: memref<!tpu.dma_semaphore, #tpu.memory_space<semaphore_mem>>) attributes {dimension_semantics = [#tpu.dimension_semantics<core_parallel>, #tpu.dimension_semantics<subcore_parallel>], iteration_bounds = array<i64: 2, 16>, scalar_prefetch = 0 : i64, scratch_operands = 7 : i64, tpu.core_type = #tpu.core_type<sc_vector_subcore>, window_params = [{transform_indices = #map}, {transform_indices = #map1}, {transform_indices = #map1}, {transform_indices = #map}, {transform_indices = #map1}]} {
    %mul3A = arith.constant 16 : i32
    %mul3A_0 = arith.muli %arg0, %mul3A : i32
    %add3A = arith.addi %mul3A_0, %arg1 : i32
    %mul3A_1 = arith.constant 640 : i32
    %mul3A_2 = arith.muli %arg1, %mul3A_1 : i32
    %mul3A_3 = arith.constant 640 : i32
    %mul3A_4 = arith.muli %arg1, %mul3A_3 : i32
    "tpu.region"() ({
      %run_scoped3A = tpu.sem_alloc : memref<!tpu.dma_semaphore, #tpu.memory_space<semaphore_mem>>
      %dma_start3A = arith.constant 0 : i32
      %dma_start3A_15 = tpu.memref_slice %arg7[%mul3A_4, %dma_start3A] : memref<10240x128xf32, #tpu.memory_space<vmem_shared>> -> memref<640x128xf32, #tpu.memory_space<vmem_shared>>
      %dma_start3A_16 = arith.constant 0 : i32
      %dma_start3A_17 = tpu.memref_slice %arg5[%mul3A_2, %dma_start3A_16] : memref<10240x128xf32, #tpu.memory_space<hbm>> -> memref<640x128xf32, #tpu.memory_space<hbm>>
      tpu.enqueue_dma source(%dma_start3A_17 : memref<640x128xf32, #tpu.memory_space<hbm>>) target(%dma_start3A_15 : memref<640x128xf32, #tpu.memory_space<vmem_shared>>) target_semaphore(%run_scoped3A : memref<!tpu.dma_semaphore, #tpu.memory_space<semaphore_mem>>)
      %dma_wait3A = arith.constant 0 : i32
      %dma_wait3A_18 = tpu.memref_slice %arg7[%mul3A_4, %dma_wait3A] : memref<10240x128xf32, #tpu.memory_space<vmem_shared>> -> memref<640x128xf32, #tpu.memory_space<vmem_shared>>
      %dma_wait3A_19 = arith.constant 0 : i32
      %dma_wait3A_20 = tpu.memref_slice %arg5[%mul3A_2, %dma_wait3A_19] : memref<10240x128xf32, #tpu.memory_space<hbm>> -> memref<640x128xf32, #tpu.memory_space<hbm>>
      tpu.wait_dma2 semaphore(%run_scoped3A : memref<!tpu.dma_semaphore, #tpu.memory_space<semaphore_mem>>) src(%dma_wait3A_20 : memref<640x128xf32, #tpu.memory_space<hbm>>) dst(%dma_wait3A_18 : memref<640x128xf32, #tpu.memory_space<vmem_shared>>)
      tpu.yield
    }) : () -> ()
    %barrier3A = arith.constant 0 : index
    tpu.barrier barrier_id(%barrier3A)
    %scan3A = arith.constant 0 : i32
    %scan3A_5 = arith.constant 0 : i32
    %scan3A_6 = arith.constant 4 : i32
    %scan3A_7 = arith.addi %scan3A_5, %scan3A_6 : i32
    %scan3A_8 = arith.constant 1 : i32
    scf.for %scan3A_15 = %scan3A_5 to %scan3A_7 step %scan3A_8  : i32 {
      %mul3A_16 = arith.constant 4 : i32
      %mul3A_17 = arith.muli %add3A, %mul3A_16 : i32
      %add3A_18 = arith.addi %mul3A_17, %scan3A_15 : i32
      "tpu.region"() ({
        %run_scoped3A = tpu.sem_alloc : memref<!tpu.dma_semaphore, #tpu.memory_space<semaphore_mem>>
        %dma_start3A_34 = arith.constant 0 : i32
        %dma_start3A_35 = arith.constant 0 : i32
        %dma_start3A_36 = tpu.memref_slice %arg3[%add3A_18, %dma_start3A_34, %dma_start3A_35] : memref<128x40x125xi32, #tpu.memory_space<hbm>> -> memref<1x40x125xi32, #tpu.memory_space<hbm>>
        %dma_start3A_37 = tpu.memref_squeeze %dma_start3A_36 : memref<1x40x125xi32, #tpu.memory_space<hbm>> -> memref<40x125xi32, #tpu.memory_space<hbm>>
        %dma_start3A_38 = arith.constant 0 : i32
        %dma_start3A_39 = arith.constant 0 : i32
        %dma_start3A_40 = tpu.memref_slice %arg3[%add3A_18, %dma_start3A_38, %dma_start3A_39] : memref<128x40x125xi32, #tpu.memory_space<hbm>> -> memref<1x40x125xi32, #tpu.memory_space<hbm>>
        %dma_start3A_41 = tpu.memref_squeeze %dma_start3A_40 : memref<1x40x125xi32, #tpu.memory_space<hbm>> -> memref<40x125xi32, #tpu.memory_space<hbm>>
        tpu.enqueue_dma source(%dma_start3A_41 : memref<40x125xi32, #tpu.memory_space<hbm>>) target(%arg8 : memref<40x125xi32, #tpu.memory_space<vmem>>) target_semaphore(%run_scoped3A : memref<!tpu.dma_semaphore, #tpu.memory_space<semaphore_mem>>)
        %dma_wait3A = arith.constant 0 : i32
        %dma_wait3A_42 = arith.constant 0 : i32
        %dma_wait3A_43 = tpu.memref_slice %arg3[%add3A_18, %dma_wait3A, %dma_wait3A_42] : memref<128x40x125xi32, #tpu.memory_space<hbm>> -> memref<1x40x125xi32, #tpu.memory_space<hbm>>
        %dma_wait3A_44 = tpu.memref_squeeze %dma_wait3A_43 : memref<1x40x125xi32, #tpu.memory_space<hbm>> -> memref<40x125xi32, #tpu.memory_space<hbm>>
        %dma_wait3A_45 = arith.constant 0 : i32
        %dma_wait3A_46 = arith.constant 0 : i32
        %dma_wait3A_47 = tpu.memref_slice %arg3[%add3A_18, %dma_wait3A_45, %dma_wait3A_46] : memref<128x40x125xi32, #tpu.memory_space<hbm>> -> memref<1x40x125xi32, #tpu.memory_space<hbm>>
        %dma_wait3A_48 = tpu.memref_squeeze %dma_wait3A_47 : memref<1x40x125xi32, #tpu.memory_space<hbm>> -> memref<40x125xi32, #tpu.memory_space<hbm>>
        tpu.wait_dma2 semaphore(%run_scoped3A : memref<!tpu.dma_semaphore, #tpu.memory_space<semaphore_mem>>) src(%dma_wait3A_48 : memref<40x125xi32, #tpu.memory_space<hbm>>) dst(%arg8 : memref<40x125xi32, #tpu.memory_space<vmem>>)
        tpu.yield
      }) : () -> ()
      %mul3A_19 = arith.constant 4 : i32
      %mul3A_20 = arith.muli %add3A, %mul3A_19 : i32
      %add3A_21 = arith.addi %mul3A_20, %scan3A_15 : i32
      "tpu.region"() ({
        %run_scoped3A = tpu.sem_alloc : memref<!tpu.dma_semaphore, #tpu.memory_space<semaphore_mem>>
        %dma_start3A_34 = arith.constant 0 : i32
        %dma_start3A_35 = arith.constant 0 : i32
        %dma_start3A_36 = tpu.memref_slice %arg4[%add3A_21, %dma_start3A_34, %dma_start3A_35] : memref<128x40x125xi32, #tpu.memory_space<hbm>> -> memref<1x40x125xi32, #tpu.memory_space<hbm>>
        %dma_start3A_37 = tpu.memref_squeeze %dma_start3A_36 : memref<1x40x125xi32, #tpu.memory_space<hbm>> -> memref<40x125xi32, #tpu.memory_space<hbm>>
        %dma_start3A_38 = arith.constant 0 : i32
        %dma_start3A_39 = arith.constant 0 : i32
        %dma_start3A_40 = tpu.memref_slice %arg4[%add3A_21, %dma_start3A_38, %dma_start3A_39] : memref<128x40x125xi32, #tpu.memory_space<hbm>> -> memref<1x40x125xi32, #tpu.memory_space<hbm>>
        %dma_start3A_41 = tpu.memref_squeeze %dma_start3A_40 : memref<1x40x125xi32, #tpu.memory_space<hbm>> -> memref<40x125xi32, #tpu.memory_space<hbm>>
        tpu.enqueue_dma source(%dma_start3A_41 : memref<40x125xi32, #tpu.memory_space<hbm>>) target(%arg9 : memref<40x125xi32, #tpu.memory_space<vmem>>) target_semaphore(%run_scoped3A : memref<!tpu.dma_semaphore, #tpu.memory_space<semaphore_mem>>)
        %dma_wait3A = arith.constant 0 : i32
        %dma_wait3A_42 = arith.constant 0 : i32
        %dma_wait3A_43 = tpu.memref_slice %arg4[%add3A_21, %dma_wait3A, %dma_wait3A_42] : memref<128x40x125xi32, #tpu.memory_space<hbm>> -> memref<1x40x125xi32, #tpu.memory_space<hbm>>
        %dma_wait3A_44 = tpu.memref_squeeze %dma_wait3A_43 : memref<1x40x125xi32, #tpu.memory_space<hbm>> -> memref<40x125xi32, #tpu.memory_space<hbm>>
        %dma_wait3A_45 = arith.constant 0 : i32
        %dma_wait3A_46 = arith.constant 0 : i32
        %dma_wait3A_47 = tpu.memref_slice %arg4[%add3A_21, %dma_wait3A_45, %dma_wait3A_46] : memref<128x40x125xi32, #tpu.memory_space<hbm>> -> memref<1x40x125xi32, #tpu.memory_space<hbm>>
        %dma_wait3A_48 = tpu.memref_squeeze %dma_wait3A_47 : memref<1x40x125xi32, #tpu.memory_space<hbm>> -> memref<40x125xi32, #tpu.memory_space<hbm>>
        tpu.wait_dma2 semaphore(%run_scoped3A : memref<!tpu.dma_semaphore, #tpu.memory_space<semaphore_mem>>) src(%dma_wait3A_48 : memref<40x125xi32, #tpu.memory_space<hbm>>) dst(%arg9 : memref<40x125xi32, #tpu.memory_space<vmem>>)
        tpu.yield
      }) : () -> ()
      %dma_start3A = arith.constant 0 : i32
      %dma_start3A_22 = arith.constant 0 : i32
      %dma_start3A_23 = tpu.memref_slice %arg8[%dma_start3A, %dma_start3A_22] : memref<40x125xi32, #tpu.memory_space<vmem>> -> memref<1x125xi32, #tpu.memory_space<vmem>>
      %dma_start3A_24 = tpu.memref_squeeze %dma_start3A_23 : memref<1x125xi32, #tpu.memory_space<vmem>> -> memref<125xi32, #tpu.memory_space<vmem>>
      %dma_start3A_25 = arith.constant 0 : i32
      %dma_start3A_26 = arith.constant 0 : i32
      %dma_start3A_27 = tpu.memref_slice %arg2[%dma_start3A_25, %dma_start3A_26] : memref<10240x128xf32, #tpu.memory_space<hbm>> -> memref<10240x128xf32, #tpu.memory_space<hbm>>
      tpu.enqueue_indirect_dma source(%dma_start3A_27 : memref<10240x128xf32, #tpu.memory_space<hbm>>) target(%arg10 : memref<125x128xf32, #tpu.memory_space<vmem>>) offsets(%dma_start3A_24 : memref<125xi32, #tpu.memory_space<vmem>>) semaphore(%arg12 : memref<!tpu.dma_semaphore, #tpu.memory_space<semaphore_mem>>)
      %scan3A_28 = arith.constant 0 : i32
      %scan3A_29 = arith.constant 0 : i32
      %scan3A_30 = arith.constant 20 : i32
      %scan3A_31 = arith.addi %scan3A_29, %scan3A_30 : i32
      %scan3A_32 = arith.constant 1 : i32
      scf.for %scan3A_34 = %scan3A_29 to %scan3A_31 step %scan3A_32  : i32 {
        %mul3A_35 = arith.constant 2 : i32
        %mul3A_36 = arith.muli %mul3A_35, %scan3A_34 : i32
        %dma_wait3A = arith.constant 0 : i32
        %dma_wait3A_37 = tpu.memref_slice %arg8[%mul3A_36, %dma_wait3A] : memref<40x125xi32, #tpu.memory_space<vmem>> -> memref<1x125xi32, #tpu.memory_space<vmem>>
        %dma_wait3A_38 = tpu.memref_squeeze %dma_wait3A_37 : memref<1x125xi32, #tpu.memory_space<vmem>> -> memref<125xi32, #tpu.memory_space<vmem>>
        %dma_wait3A_39 = arith.constant 0 : i32
        %dma_wait3A_40 = arith.constant 0 : i32
        %dma_wait3A_41 = tpu.memref_slice %arg2[%dma_wait3A_39, %dma_wait3A_40] : memref<10240x128xf32, #tpu.memory_space<hbm>> -> memref<10240x128xf32, #tpu.memory_space<hbm>>
        tpu.wait_indirect_dma semaphore(%arg12 : memref<!tpu.dma_semaphore, #tpu.memory_space<semaphore_mem>>) src(%dma_wait3A_41 : memref<10240x128xf32, #tpu.memory_space<hbm>>) dst(%arg10 : memref<125x128xf32, #tpu.memory_space<vmem>>)
        %add3A_42 = arith.constant 1 : i32
        %add3A_43 = arith.addi %mul3A_36, %add3A_42 : i32
        %dma_start3A_44 = arith.constant 0 : i32
        %dma_start3A_45 = tpu.memref_slice %arg8[%add3A_43, %dma_start3A_44] : memref<40x125xi32, #tpu.memory_space<vmem>> -> memref<1x125xi32, #tpu.memory_space<vmem>>
        %dma_start3A_46 = tpu.memref_squeeze %dma_start3A_45 : memref<1x125xi32, #tpu.memory_space<vmem>> -> memref<125xi32, #tpu.memory_space<vmem>>
        %dma_start3A_47 = arith.constant 0 : i32
        %dma_start3A_48 = arith.constant 0 : i32
        %dma_start3A_49 = tpu.memref_slice %arg2[%dma_start3A_47, %dma_start3A_48] : memref<10240x128xf32, #tpu.memory_space<hbm>> -> memref<10240x128xf32, #tpu.memory_space<hbm>>
        tpu.enqueue_indirect_dma source(%dma_start3A_49 : memref<10240x128xf32, #tpu.memory_space<hbm>>) target(%arg11 : memref<125x128xf32, #tpu.memory_space<vmem>>) offsets(%dma_start3A_46 : memref<125xi32, #tpu.memory_space<vmem>>) semaphore(%arg13 : memref<!tpu.dma_semaphore, #tpu.memory_space<semaphore_mem>>)
        "tpu.region"() ({
          %run_scoped3A = tpu.sem_alloc : memref<!tpu.dma_semaphore, #tpu.memory_space<semaphore_mem>>
          %dma_start3A_62 = arith.constant 0 : i32
          %dma_start3A_63 = tpu.memref_slice %arg9[%mul3A_36, %dma_start3A_62] : memref<40x125xi32, #tpu.memory_space<vmem>> -> memref<1x125xi32, #tpu.memory_space<vmem>>
          %dma_start3A_64 = tpu.memref_squeeze %dma_start3A_63 : memref<1x125xi32, #tpu.memory_space<vmem>> -> memref<125xi32, #tpu.memory_space<vmem>>
          %dma_start3A_65 = arith.constant 0 : i32
          %dma_start3A_66 = arith.constant 0 : i32
          %dma_start3A_67 = tpu.memref_slice %arg7[%dma_start3A_65, %dma_start3A_66] : memref<10240x128xf32, #tpu.memory_space<vmem_shared>> -> memref<10240x128xf32, #tpu.memory_space<vmem_shared>>
          tpu.enqueue_indirect_dma source(%arg10 : memref<125x128xf32, #tpu.memory_space<vmem>>) target(%dma_start3A_67 : memref<10240x128xf32, #tpu.memory_space<vmem_shared>>) offsets(%dma_start3A_64 : memref<125xi32, #tpu.memory_space<vmem>>) semaphore(%run_scoped3A : memref<!tpu.dma_semaphore, #tpu.memory_space<semaphore_mem>>) {add = true}
          %dma_wait3A_68 = arith.constant 0 : i32
          %dma_wait3A_69 = tpu.memref_slice %arg9[%mul3A_36, %dma_wait3A_68] : memref<40x125xi32, #tpu.memory_space<vmem>> -> memref<1x125xi32, #tpu.memory_space<vmem>>
          %dma_wait3A_70 = tpu.memref_squeeze %dma_wait3A_69 : memref<1x125xi32, #tpu.memory_space<vmem>> -> memref<125xi32, #tpu.memory_space<vmem>>
          %dma_wait3A_71 = arith.constant 0 : i32
          %dma_wait3A_72 = arith.constant 0 : i32
          %dma_wait3A_73 = tpu.memref_slice %arg7[%dma_wait3A_71, %dma_wait3A_72] : memref<10240x128xf32, #tpu.memory_space<vmem_shared>> -> memref<10240x128xf32, #tpu.memory_space<vmem_shared>>
          tpu.wait_indirect_dma semaphore(%run_scoped3A : memref<!tpu.dma_semaphore, #tpu.memory_space<semaphore_mem>>) src(%arg10 : memref<125x128xf32, #tpu.memory_space<vmem>>) dst(%dma_wait3A_73 : memref<10240x128xf32, #tpu.memory_space<vmem_shared>>)
          tpu.yield
        }) : () -> ()
        %lt3A = arith.constant 19 : i32
        %lt3A_50 = arith.cmpi slt, %scan3A_34, %lt3A : i32
        %convert_element_type3A = arith.extui %lt3A_50 : i1 to i32
        %cond3A = arith.constant 0 : i32
        %cond3A_51 = arith.cmpi ne, %convert_element_type3A, %cond3A : i32
        scf.if %cond3A_51 {
          %add3A_62 = arith.constant 2 : i32
          %add3A_63 = arith.addi %mul3A_36, %add3A_62 : i32
          %dma_start3A_64 = arith.constant 0 : i32
          %dma_start3A_65 = tpu.memref_slice %arg8[%add3A_63, %dma_start3A_64] : memref<40x125xi32, #tpu.memory_space<vmem>> -> memref<1x125xi32, #tpu.memory_space<vmem>>
          %dma_start3A_66 = tpu.memref_squeeze %dma_start3A_65 : memref<1x125xi32, #tpu.memory_space<vmem>> -> memref<125xi32, #tpu.memory_space<vmem>>
          %dma_start3A_67 = arith.constant 0 : i32
          %dma_start3A_68 = arith.constant 0 : i32
          %dma_start3A_69 = tpu.memref_slice %arg2[%dma_start3A_67, %dma_start3A_68] : memref<10240x128xf32, #tpu.memory_space<hbm>> -> memref<10240x128xf32, #tpu.memory_space<hbm>>
          tpu.enqueue_indirect_dma source(%dma_start3A_69 : memref<10240x128xf32, #tpu.memory_space<hbm>>) target(%arg10 : memref<125x128xf32, #tpu.memory_space<vmem>>) offsets(%dma_start3A_66 : memref<125xi32, #tpu.memory_space<vmem>>) semaphore(%arg12 : memref<!tpu.dma_semaphore, #tpu.memory_space<semaphore_mem>>)
        } else {
        }
        %add3A_52 = arith.constant 1 : i32
        %add3A_53 = arith.addi %mul3A_36, %add3A_52 : i32
        %dma_wait3A_54 = arith.constant 0 : i32
        %dma_wait3A_55 = tpu.memref_slice %arg8[%add3A_53, %dma_wait3A_54] : memref<40x125xi32, #tpu.memory_space<vmem>> -> memref<1x125xi32, #tpu.memory_space<vmem>>
        %dma_wait3A_56 = tpu.memref_squeeze %dma_wait3A_55 : memref<1x125xi32, #tpu.memory_space<vmem>> -> memref<125xi32, #tpu.memory_space<vmem>>
        %dma_wait3A_57 = arith.constant 0 : i32
        %dma_wait3A_58 = arith.constant 0 : i32
        %dma_wait3A_59 = tpu.memref_slice %arg2[%dma_wait3A_57, %dma_wait3A_58] : memref<10240x128xf32, #tpu.memory_space<hbm>> -> memref<10240x128xf32, #tpu.memory_space<hbm>>
        tpu.wait_indirect_dma semaphore(%arg13 : memref<!tpu.dma_semaphore, #tpu.memory_space<semaphore_mem>>) src(%dma_wait3A_59 : memref<10240x128xf32, #tpu.memory_space<hbm>>) dst(%arg11 : memref<125x128xf32, #tpu.memory_space<vmem>>)
        %add3A_60 = arith.constant 1 : i32
        %add3A_61 = arith.addi %mul3A_36, %add3A_60 : i32
        "tpu.region"() ({
          %run_scoped3A = tpu.sem_alloc : memref<!tpu.dma_semaphore, #tpu.memory_space<semaphore_mem>>
          %dma_start3A_62 = arith.constant 0 : i32
          %dma_start3A_63 = tpu.memref_slice %arg9[%add3A_61, %dma_start3A_62] : memref<40x125xi32, #tpu.memory_space<vmem>> -> memref<1x125xi32, #tpu.memory_space<vmem>>
          %dma_start3A_64 = tpu.memref_squeeze %dma_start3A_63 : memref<1x125xi32, #tpu.memory_space<vmem>> -> memref<125xi32, #tpu.memory_space<vmem>>
          %dma_start3A_65 = arith.constant 0 : i32
          %dma_start3A_66 = arith.constant 0 : i32
          %dma_start3A_67 = tpu.memref_slice %arg7[%dma_start3A_65, %dma_start3A_66] : memref<10240x128xf32, #tpu.memory_space<vmem_shared>> -> memref<10240x128xf32, #tpu.memory_space<vmem_shared>>
          tpu.enqueue_indirect_dma source(%arg11 : memref<125x128xf32, #tpu.memory_space<vmem>>) target(%dma_start3A_67 : memref<10240x128xf32, #tpu.memory_space<vmem_shared>>) offsets(%dma_start3A_64 : memref<125xi32, #tpu.memory_space<vmem>>) semaphore(%run_scoped3A : memref<!tpu.dma_semaphore, #tpu.memory_space<semaphore_mem>>) {add = true}
          %dma_wait3A_68 = arith.constant 0 : i32
          %dma_wait3A_69 = tpu.memref_slice %arg9[%add3A_61, %dma_wait3A_68] : memref<40x125xi32, #tpu.memory_space<vmem>> -> memref<1x125xi32, #tpu.memory_space<vmem>>
          %dma_wait3A_70 = tpu.memref_squeeze %dma_wait3A_69 : memref<1x125xi32, #tpu.memory_space<vmem>> -> memref<125xi32, #tpu.memory_space<vmem>>
          %dma_wait3A_71 = arith.constant 0 : i32
          %dma_wait3A_72 = arith.constant 0 : i32
          %dma_wait3A_73 = tpu.memref_slice %arg7[%dma_wait3A_71, %dma_wait3A_72] : memref<10240x128xf32, #tpu.memory_space<vmem_shared>> -> memref<10240x128xf32, #tpu.memory_space<vmem_shared>>
          tpu.wait_indirect_dma semaphore(%run_scoped3A : memref<!tpu.dma_semaphore, #tpu.memory_space<semaphore_mem>>) src(%arg11 : memref<125x128xf32, #tpu.memory_space<vmem>>) dst(%dma_wait3A_73 : memref<10240x128xf32, #tpu.memory_space<vmem_shared>>)
          tpu.yield
        }) : () -> ()
      }
      %scan3A_33 = arith.constant 20 : i32
    }
    %scan3A_9 = arith.constant 4 : i32
    %barrier3A_10 = arith.constant 0 : index
    tpu.barrier barrier_id(%barrier3A_10)
    %mul3A_11 = arith.constant 640 : i32
    %mul3A_12 = arith.muli %arg1, %mul3A_11 : i32
    %mul3A_13 = arith.constant 640 : i32
    %mul3A_14 = arith.muli %arg1, %mul3A_13 : i32
    "tpu.region"() ({
      %run_scoped3A = tpu.sem_alloc : memref<!tpu.dma_semaphore, #tpu.memory_space<semaphore_mem>>
      %dma_start3A = arith.constant 0 : i32
      %dma_start3A_15 = tpu.memref_slice %arg6[%arg0, %mul3A_14, %dma_start3A] : memref<2x10240x128xf32, #tpu.memory_space<hbm>> -> memref<1x640x128xf32, #tpu.memory_space<hbm>>
      %dma_start3A_16 = tpu.memref_squeeze %dma_start3A_15 : memref<1x640x128xf32, #tpu.memory_space<hbm>> -> memref<640x128xf32, #tpu.memory_space<hbm>>
      %dma_start3A_17 = arith.constant 0 : i32
      %dma_start3A_18 = tpu.memref_slice %arg7[%mul3A_12, %dma_start3A_17] : memref<10240x128xf32, #tpu.memory_space<vmem_shared>> -> memref<640x128xf32, #tpu.memory_space<vmem_shared>>
      tpu.enqueue_dma source(%dma_start3A_18 : memref<640x128xf32, #tpu.memory_space<vmem_shared>>) target(%dma_start3A_16 : memref<640x128xf32, #tpu.memory_space<hbm>>) target_semaphore(%run_scoped3A : memref<!tpu.dma_semaphore, #tpu.memory_space<semaphore_mem>>)
      %dma_wait3A = arith.constant 0 : i32
      %dma_wait3A_19 = tpu.memref_slice %arg6[%arg0, %mul3A_14, %dma_wait3A] : memref<2x10240x128xf32, #tpu.memory_space<hbm>> -> memref<1x640x128xf32, #tpu.memory_space<hbm>>
      %dma_wait3A_20 = tpu.memref_squeeze %dma_wait3A_19 : memref<1x640x128xf32, #tpu.memory_space<hbm>> -> memref<640x128xf32, #tpu.memory_space<hbm>>
      %dma_wait3A_21 = arith.constant 0 : i32
      %dma_wait3A_22 = tpu.memref_slice %arg7[%mul3A_12, %dma_wait3A_21] : memref<10240x128xf32, #tpu.memory_space<vmem_shared>> -> memref<640x128xf32, #tpu.memory_space<vmem_shared>>
      tpu.wait_dma2 semaphore(%run_scoped3A : memref<!tpu.dma_semaphore, #tpu.memory_space<semaphore_mem>>) src(%dma_wait3A_22 : memref<640x128xf32, #tpu.memory_space<vmem_shared>>) dst(%dma_wait3A_20 : memref<640x128xf32, #tpu.memory_space<hbm>>)
      tpu.yield
    }) : () -> ()
    return
  }
}

#map = affine_map<(d0, d1) -> (0, 0, 0)>
#map1 = affine_map<(d0, d1) -> (0)>
#map2 = affine_map<(d0, d1) -> (0, 0)>
module attributes {stable_mosaic.version = 14 : i64} {
  func.func @deg_kernel(%arg0: i32, %arg1: i32, %arg2: memref<128x40x125xi32, #tpu.memory_space<hbm>>, %arg3: memref<10240xf32, #tpu.memory_space<hbm>>, %arg4: memref<2x10240xf32, #tpu.memory_space<hbm>>, %arg5: memref<10240xf32, #tpu.memory_space<vmem_shared>>, %arg6: memref<40x125xi32, #tpu.memory_space<vmem>>, %arg7: memref<128xf32, #tpu.memory_space<vmem>>, %arg8: memref<!tpu.dma_semaphore, #tpu.memory_space<semaphore_mem>>, %arg9: memref<!tpu.dma_semaphore, #tpu.memory_space<semaphore_mem>>) attributes {dimension_semantics = [#tpu.dimension_semantics<core_parallel>, #tpu.dimension_semantics<subcore_parallel>], iteration_bounds = array<i64: 2, 16>, scalar_prefetch = 0 : i64, scratch_operands = 5 : i64, tpu.core_type = #tpu.core_type<sc_vector_subcore>, window_params = [{transform_indices = #map}, {transform_indices = #map1}, {transform_indices = #map2}]} {
    %mul3A = arith.constant 16 : i32
    %mul3A_0 = arith.muli %arg0, %mul3A : i32
    %add3A = arith.addi %mul3A_0, %arg1 : i32
    %mul3A_1 = arith.constant 640 : i32
    %mul3A_2 = arith.muli %arg1, %mul3A_1 : i32
    %mul3A_3 = arith.constant 640 : i32
    %mul3A_4 = arith.muli %arg1, %mul3A_3 : i32
    "tpu.region"() ({
      %run_scoped3A = tpu.sem_alloc : memref<!tpu.dma_semaphore, #tpu.memory_space<semaphore_mem>>
      %dma_start3A = tpu.memref_slice %arg5[%mul3A_4] : memref<10240xf32, #tpu.memory_space<vmem_shared>> -> memref<640xf32, #tpu.memory_space<vmem_shared>>
      %dma_start3A_61 = tpu.memref_slice %arg3[%mul3A_2] : memref<10240xf32, #tpu.memory_space<hbm>> -> memref<640xf32, #tpu.memory_space<hbm>>
      tpu.enqueue_dma source(%dma_start3A_61 : memref<640xf32, #tpu.memory_space<hbm>>) target(%dma_start3A : memref<640xf32, #tpu.memory_space<vmem_shared>>) target_semaphore(%run_scoped3A : memref<!tpu.dma_semaphore, #tpu.memory_space<semaphore_mem>>)
      %dma_wait3A = tpu.memref_slice %arg5[%mul3A_4] : memref<10240xf32, #tpu.memory_space<vmem_shared>> -> memref<640xf32, #tpu.memory_space<vmem_shared>>
      %dma_wait3A_62 = tpu.memref_slice %arg3[%mul3A_2] : memref<10240xf32, #tpu.memory_space<hbm>> -> memref<640xf32, #tpu.memory_space<hbm>>
      tpu.wait_dma2 semaphore(%run_scoped3A : memref<!tpu.dma_semaphore, #tpu.memory_space<semaphore_mem>>) src(%dma_wait3A_62 : memref<640xf32, #tpu.memory_space<hbm>>) dst(%dma_wait3A : memref<640xf32, #tpu.memory_space<vmem_shared>>)
      tpu.yield
    }) : () -> ()
    %broadcast_in_dim3A = arith.constant 1.000000e+00 : f32
    %broadcast_in_dim3A_5 = vector.broadcast %broadcast_in_dim3A : f32 to vector<16xf32>
    %swap3A = arith.constant 0 : index
    %swap3A_6 = tpu.vector_load %arg7[%swap3A] {strides = array<i32>} : memref<128xf32, #tpu.memory_space<vmem>>, vector<16xf32>,
    %swap3A_7 = vector.shape_cast %swap3A_6 : vector<16xf32> to vector<16xf32>
    %swap3A_8 = vector.shape_cast %broadcast_in_dim3A_5 : vector<16xf32> to vector<16xf32>
    tpu.vector_store %arg7[%swap3A], %swap3A_8 {strides = array<i32>} : memref<128xf32, #tpu.memory_space<vmem>>, vector<16xf32>,
    %broadcast_in_dim3A_9 = arith.constant 1.000000e+00 : f32
    %broadcast_in_dim3A_10 = vector.broadcast %broadcast_in_dim3A_9 : f32 to vector<16xf32>
    %swap3A_11 = arith.constant 16 : index
    %swap3A_12 = tpu.vector_load %arg7[%swap3A_11] {strides = array<i32>} : memref<128xf32, #tpu.memory_space<vmem>>, vector<16xf32>,
    %swap3A_13 = vector.shape_cast %swap3A_12 : vector<16xf32> to vector<16xf32>
    %swap3A_14 = vector.shape_cast %broadcast_in_dim3A_10 : vector<16xf32> to vector<16xf32>
    tpu.vector_store %arg7[%swap3A_11], %swap3A_14 {strides = array<i32>} : memref<128xf32, #tpu.memory_space<vmem>>, vector<16xf32>,
    %broadcast_in_dim3A_15 = arith.constant 1.000000e+00 : f32
    %broadcast_in_dim3A_16 = vector.broadcast %broadcast_in_dim3A_15 : f32 to vector<16xf32>
    %swap3A_17 = arith.constant 32 : index
    %swap3A_18 = tpu.vector_load %arg7[%swap3A_17] {strides = array<i32>} : memref<128xf32, #tpu.memory_space<vmem>>, vector<16xf32>,
    %swap3A_19 = vector.shape_cast %swap3A_18 : vector<16xf32> to vector<16xf32>
    %swap3A_20 = vector.shape_cast %broadcast_in_dim3A_16 : vector<16xf32> to vector<16xf32>
    tpu.vector_store %arg7[%swap3A_17], %swap3A_20 {strides = array<i32>} : memref<128xf32, #tpu.memory_space<vmem>>, vector<16xf32>,
    %broadcast_in_dim3A_21 = arith.constant 1.000000e+00 : f32
    %broadcast_in_dim3A_22 = vector.broadcast %broadcast_in_dim3A_21 : f32 to vector<16xf32>
    %swap3A_23 = arith.constant 48 : index
    %swap3A_24 = tpu.vector_load %arg7[%swap3A_23] {strides = array<i32>} : memref<128xf32, #tpu.memory_space<vmem>>, vector<16xf32>,
    %swap3A_25 = vector.shape_cast %swap3A_24 : vector<16xf32> to vector<16xf32>
    %swap3A_26 = vector.shape_cast %broadcast_in_dim3A_22 : vector<16xf32> to vector<16xf32>
    tpu.vector_store %arg7[%swap3A_23], %swap3A_26 {strides = array<i32>} : memref<128xf32, #tpu.memory_space<vmem>>, vector<16xf32>,
    %broadcast_in_dim3A_27 = arith.constant 1.000000e+00 : f32
    %broadcast_in_dim3A_28 = vector.broadcast %broadcast_in_dim3A_27 : f32 to vector<16xf32>
    %swap3A_29 = arith.constant 64 : index
    %swap3A_30 = tpu.vector_load %arg7[%swap3A_29] {strides = array<i32>} : memref<128xf32, #tpu.memory_space<vmem>>, vector<16xf32>,
    %swap3A_31 = vector.shape_cast %swap3A_30 : vector<16xf32> to vector<16xf32>
    %swap3A_32 = vector.shape_cast %broadcast_in_dim3A_28 : vector<16xf32> to vector<16xf32>
    tpu.vector_store %arg7[%swap3A_29], %swap3A_32 {strides = array<i32>} : memref<128xf32, #tpu.memory_space<vmem>>, vector<16xf32>,
    %broadcast_in_dim3A_33 = arith.constant 1.000000e+00 : f32
    %broadcast_in_dim3A_34 = vector.broadcast %broadcast_in_dim3A_33 : f32 to vector<16xf32>
    %swap3A_35 = arith.constant 80 : index
    %swap3A_36 = tpu.vector_load %arg7[%swap3A_35] {strides = array<i32>} : memref<128xf32, #tpu.memory_space<vmem>>, vector<16xf32>,
    %swap3A_37 = vector.shape_cast %swap3A_36 : vector<16xf32> to vector<16xf32>
    %swap3A_38 = vector.shape_cast %broadcast_in_dim3A_34 : vector<16xf32> to vector<16xf32>
    tpu.vector_store %arg7[%swap3A_35], %swap3A_38 {strides = array<i32>} : memref<128xf32, #tpu.memory_space<vmem>>, vector<16xf32>,
    %broadcast_in_dim3A_39 = arith.constant 1.000000e+00 : f32
    %broadcast_in_dim3A_40 = vector.broadcast %broadcast_in_dim3A_39 : f32 to vector<16xf32>
    %swap3A_41 = arith.constant 96 : index
    %swap3A_42 = tpu.vector_load %arg7[%swap3A_41] {strides = array<i32>} : memref<128xf32, #tpu.memory_space<vmem>>, vector<16xf32>,
    %swap3A_43 = vector.shape_cast %swap3A_42 : vector<16xf32> to vector<16xf32>
    %swap3A_44 = vector.shape_cast %broadcast_in_dim3A_40 : vector<16xf32> to vector<16xf32>
    tpu.vector_store %arg7[%swap3A_41], %swap3A_44 {strides = array<i32>} : memref<128xf32, #tpu.memory_space<vmem>>, vector<16xf32>,
    %broadcast_in_dim3A_45 = arith.constant 1.000000e+00 : f32
    %broadcast_in_dim3A_46 = vector.broadcast %broadcast_in_dim3A_45 : f32 to vector<16xf32>
    %swap3A_47 = arith.constant 112 : index
    %swap3A_48 = tpu.vector_load %arg7[%swap3A_47] {strides = array<i32>} : memref<128xf32, #tpu.memory_space<vmem>>, vector<16xf32>,
    %swap3A_49 = vector.shape_cast %swap3A_48 : vector<16xf32> to vector<16xf32>
    %swap3A_50 = vector.shape_cast %broadcast_in_dim3A_46 : vector<16xf32> to vector<16xf32>
    tpu.vector_store %arg7[%swap3A_47], %swap3A_50 {strides = array<i32>} : memref<128xf32, #tpu.memory_space<vmem>>, vector<16xf32>,
    %barrier3A = arith.constant 0 : index
    tpu.barrier barrier_id(%barrier3A)
    %scan3A = arith.constant 0 : i32
    %scan3A_51 = arith.constant 0 : i32
    %scan3A_52 = arith.constant 4 : i32
    %scan3A_53 = arith.addi %scan3A_51, %scan3A_52 : i32
    %scan3A_54 = arith.constant 1 : i32
    scf.for %scan3A_61 = %scan3A_51 to %scan3A_53 step %scan3A_54  : i32 {
      %mul3A_62 = arith.constant 4 : i32
      %mul3A_63 = arith.muli %add3A, %mul3A_62 : i32
      %add3A_64 = arith.addi %mul3A_63, %scan3A_61 : i32
      "tpu.region"() ({
        %run_scoped3A = tpu.sem_alloc : memref<!tpu.dma_semaphore, #tpu.memory_space<semaphore_mem>>
        %dma_start3A = arith.constant 0 : i32
        %dma_start3A_71 = arith.constant 0 : i32
        %dma_start3A_72 = tpu.memref_slice %arg2[%add3A_64, %dma_start3A, %dma_start3A_71] : memref<128x40x125xi32, #tpu.memory_space<hbm>> -> memref<1x40x125xi32, #tpu.memory_space<hbm>>
        %dma_start3A_73 = tpu.memref_squeeze %dma_start3A_72 : memref<1x40x125xi32, #tpu.memory_space<hbm>> -> memref<40x125xi32, #tpu.memory_space<hbm>>
        %dma_start3A_74 = arith.constant 0 : i32
        %dma_start3A_75 = arith.constant 0 : i32
        %dma_start3A_76 = tpu.memref_slice %arg2[%add3A_64, %dma_start3A_74, %dma_start3A_75] : memref<128x40x125xi32, #tpu.memory_space<hbm>> -> memref<1x40x125xi32, #tpu.memory_space<hbm>>
        %dma_start3A_77 = tpu.memref_squeeze %dma_start3A_76 : memref<1x40x125xi32, #tpu.memory_space<hbm>> -> memref<40x125xi32, #tpu.memory_space<hbm>>
        tpu.enqueue_dma source(%dma_start3A_77 : memref<40x125xi32, #tpu.memory_space<hbm>>) target(%arg6 : memref<40x125xi32, #tpu.memory_space<vmem>>) target_semaphore(%run_scoped3A : memref<!tpu.dma_semaphore, #tpu.memory_space<semaphore_mem>>)
        %dma_wait3A = arith.constant 0 : i32
        %dma_wait3A_78 = arith.constant 0 : i32
        %dma_wait3A_79 = tpu.memref_slice %arg2[%add3A_64, %dma_wait3A, %dma_wait3A_78] : memref<128x40x125xi32, #tpu.memory_space<hbm>> -> memref<1x40x125xi32, #tpu.memory_space<hbm>>
        %dma_wait3A_80 = tpu.memref_squeeze %dma_wait3A_79 : memref<1x40x125xi32, #tpu.memory_space<hbm>> -> memref<40x125xi32, #tpu.memory_space<hbm>>
        %dma_wait3A_81 = arith.constant 0 : i32
        %dma_wait3A_82 = arith.constant 0 : i32
        %dma_wait3A_83 = tpu.memref_slice %arg2[%add3A_64, %dma_wait3A_81, %dma_wait3A_82] : memref<128x40x125xi32, #tpu.memory_space<hbm>> -> memref<1x40x125xi32, #tpu.memory_space<hbm>>
        %dma_wait3A_84 = tpu.memref_squeeze %dma_wait3A_83 : memref<1x40x125xi32, #tpu.memory_space<hbm>> -> memref<40x125xi32, #tpu.memory_space<hbm>>
        tpu.wait_dma2 semaphore(%run_scoped3A : memref<!tpu.dma_semaphore, #tpu.memory_space<semaphore_mem>>) src(%dma_wait3A_84 : memref<40x125xi32, #tpu.memory_space<hbm>>) dst(%arg6 : memref<40x125xi32, #tpu.memory_space<vmem>>)
        tpu.yield
      }) : () -> ()
      %scan3A_65 = arith.constant 0 : i32
      %scan3A_66 = arith.constant 0 : i32
      %scan3A_67 = arith.constant 20 : i32
      %scan3A_68 = arith.addi %scan3A_66, %scan3A_67 : i32
      %scan3A_69 = arith.constant 1 : i32
      scf.for %scan3A_71 = %scan3A_66 to %scan3A_68 step %scan3A_69  : i32 {
        %mul3A_72 = arith.constant 2 : i32
        %mul3A_73 = arith.muli %mul3A_72, %scan3A_71 : i32
        %dma_start3A = arith.constant 0 : i32
        %dma_start3A_74 = tpu.memref_slice %arg7[%dma_start3A] : memref<128xf32, #tpu.memory_space<vmem>> -> memref<125xf32, #tpu.memory_space<vmem>>
        %dma_start3A_75 = arith.constant 0 : i32
        %dma_start3A_76 = tpu.memref_slice %arg6[%mul3A_73, %dma_start3A_75] : memref<40x125xi32, #tpu.memory_space<vmem>> -> memref<1x125xi32, #tpu.memory_space<vmem>>
        %dma_start3A_77 = tpu.memref_squeeze %dma_start3A_76 : memref<1x125xi32, #tpu.memory_space<vmem>> -> memref<125xi32, #tpu.memory_space<vmem>>
        %dma_start3A_78 = arith.constant 0 : i32
        %dma_start3A_79 = tpu.memref_slice %arg5[%dma_start3A_78] : memref<10240xf32, #tpu.memory_space<vmem_shared>> -> memref<10240xf32, #tpu.memory_space<vmem_shared>>
        tpu.enqueue_indirect_dma source(%dma_start3A_74 : memref<125xf32, #tpu.memory_space<vmem>>) target(%dma_start3A_79 : memref<10240xf32, #tpu.memory_space<vmem_shared>>) offsets(%dma_start3A_77 : memref<125xi32, #tpu.memory_space<vmem>>) semaphore(%arg8 : memref<!tpu.dma_semaphore, #tpu.memory_space<semaphore_mem>>) {add = true}
        %add3A_80 = arith.constant 1 : i32
        %add3A_81 = arith.addi %mul3A_73, %add3A_80 : i32
        %dma_start3A_82 = arith.constant 0 : i32
        %dma_start3A_83 = tpu.memref_slice %arg7[%dma_start3A_82] : memref<128xf32, #tpu.memory_space<vmem>> -> memref<125xf32, #tpu.memory_space<vmem>>
        %dma_start3A_84 = arith.constant 0 : i32
        %dma_start3A_85 = tpu.memref_slice %arg6[%add3A_81, %dma_start3A_84] : memref<40x125xi32, #tpu.memory_space<vmem>> -> memref<1x125xi32, #tpu.memory_space<vmem>>
        %dma_start3A_86 = tpu.memref_squeeze %dma_start3A_85 : memref<1x125xi32, #tpu.memory_space<vmem>> -> memref<125xi32, #tpu.memory_space<vmem>>
        %dma_start3A_87 = arith.constant 0 : i32
        %dma_start3A_88 = tpu.memref_slice %arg5[%dma_start3A_87] : memref<10240xf32, #tpu.memory_space<vmem_shared>> -> memref<10240xf32, #tpu.memory_space<vmem_shared>>
        tpu.enqueue_indirect_dma source(%dma_start3A_83 : memref<125xf32, #tpu.memory_space<vmem>>) target(%dma_start3A_88 : memref<10240xf32, #tpu.memory_space<vmem_shared>>) offsets(%dma_start3A_86 : memref<125xi32, #tpu.memory_space<vmem>>) semaphore(%arg9 : memref<!tpu.dma_semaphore, #tpu.memory_space<semaphore_mem>>) {add = true}
        %dma_wait3A = arith.constant 0 : i32
        %dma_wait3A_89 = tpu.memref_slice %arg7[%dma_wait3A] : memref<128xf32, #tpu.memory_space<vmem>> -> memref<125xf32, #tpu.memory_space<vmem>>
        %dma_wait3A_90 = arith.constant 0 : i32
        %dma_wait3A_91 = tpu.memref_slice %arg6[%mul3A_73, %dma_wait3A_90] : memref<40x125xi32, #tpu.memory_space<vmem>> -> memref<1x125xi32, #tpu.memory_space<vmem>>
        %dma_wait3A_92 = tpu.memref_squeeze %dma_wait3A_91 : memref<1x125xi32, #tpu.memory_space<vmem>> -> memref<125xi32, #tpu.memory_space<vmem>>
        %dma_wait3A_93 = arith.constant 0 : i32
        %dma_wait3A_94 = tpu.memref_slice %arg5[%dma_wait3A_93] : memref<10240xf32, #tpu.memory_space<vmem_shared>> -> memref<10240xf32, #tpu.memory_space<vmem_shared>>
        tpu.wait_indirect_dma semaphore(%arg8 : memref<!tpu.dma_semaphore, #tpu.memory_space<semaphore_mem>>) src(%dma_wait3A_89 : memref<125xf32, #tpu.memory_space<vmem>>) dst(%dma_wait3A_94 : memref<10240xf32, #tpu.memory_space<vmem_shared>>)
        %add3A_95 = arith.constant 1 : i32
        %add3A_96 = arith.addi %mul3A_73, %add3A_95 : i32
        %dma_wait3A_97 = arith.constant 0 : i32
        %dma_wait3A_98 = tpu.memref_slice %arg7[%dma_wait3A_97] : memref<128xf32, #tpu.memory_space<vmem>> -> memref<125xf32, #tpu.memory_space<vmem>>
        %dma_wait3A_99 = arith.constant 0 : i32
        %dma_wait3A_100 = tpu.memref_slice %arg6[%add3A_96, %dma_wait3A_99] : memref<40x125xi32, #tpu.memory_space<vmem>> -> memref<1x125xi32, #tpu.memory_space<vmem>>
        %dma_wait3A_101 = tpu.memref_squeeze %dma_wait3A_100 : memref<1x125xi32, #tpu.memory_space<vmem>> -> memref<125xi32, #tpu.memory_space<vmem>>
        %dma_wait3A_102 = arith.constant 0 : i32
        %dma_wait3A_103 = tpu.memref_slice %arg5[%dma_wait3A_102] : memref<10240xf32, #tpu.memory_space<vmem_shared>> -> memref<10240xf32, #tpu.memory_space<vmem_shared>>
        tpu.wait_indirect_dma semaphore(%arg9 : memref<!tpu.dma_semaphore, #tpu.memory_space<semaphore_mem>>) src(%dma_wait3A_98 : memref<125xf32, #tpu.memory_space<vmem>>) dst(%dma_wait3A_103 : memref<10240xf32, #tpu.memory_space<vmem_shared>>)
      }
      %scan3A_70 = arith.constant 20 : i32
    }
    %scan3A_55 = arith.constant 4 : i32
    %barrier3A_56 = arith.constant 0 : index
    tpu.barrier barrier_id(%barrier3A_56)
    %mul3A_57 = arith.constant 640 : i32
    %mul3A_58 = arith.muli %arg1, %mul3A_57 : i32
    %mul3A_59 = arith.constant 640 : i32
    %mul3A_60 = arith.muli %arg1, %mul3A_59 : i32
    "tpu.region"() ({
      %run_scoped3A = tpu.sem_alloc : memref<!tpu.dma_semaphore, #tpu.memory_space<semaphore_mem>>
      %dma_start3A = tpu.memref_slice %arg4[%arg0, %mul3A_60] : memref<2x10240xf32, #tpu.memory_space<hbm>> -> memref<1x640xf32, #tpu.memory_space<hbm>>
      %dma_start3A_61 = tpu.memref_squeeze %dma_start3A : memref<1x640xf32, #tpu.memory_space<hbm>> -> memref<640xf32, #tpu.memory_space<hbm>>
      %dma_start3A_62 = tpu.memref_slice %arg5[%mul3A_58] : memref<10240xf32, #tpu.memory_space<vmem_shared>> -> memref<640xf32, #tpu.memory_space<vmem_shared>>
      tpu.enqueue_dma source(%dma_start3A_62 : memref<640xf32, #tpu.memory_space<vmem_shared>>) target(%dma_start3A_61 : memref<640xf32, #tpu.memory_space<hbm>>) target_semaphore(%run_scoped3A : memref<!tpu.dma_semaphore, #tpu.memory_space<semaphore_mem>>)
      %dma_wait3A = tpu.memref_slice %arg4[%arg0, %mul3A_60] : memref<2x10240xf32, #tpu.memory_space<hbm>> -> memref<1x640xf32, #tpu.memory_space<hbm>>
      %dma_wait3A_63 = tpu.memref_squeeze %dma_wait3A : memref<1x640xf32, #tpu.memory_space<hbm>> -> memref<640xf32, #tpu.memory_space<hbm>>
      %dma_wait3A_64 = tpu.memref_slice %arg5[%mul3A_58] : memref<10240xf32, #tpu.memory_space<vmem_shared>> -> memref<640xf32, #tpu.memory_space<vmem_shared>>
      tpu.wait_dma2 semaphore(%run_scoped3A : memref<!tpu.dma_semaphore, #tpu.memory_space<semaphore_mem>>) src(%dma_wait3A_64 : memref<640xf32, #tpu.memory_space<vmem_shared>>) dst(%dma_wait3A_63 : memref<640xf32, #tpu.memory_space<hbm>>)
      tpu.yield
    }) : () -> ()
    return
  }
}

#map = affine_map<(d0, d1) -> (0, 0, 0)>
#map1 = affine_map<(d0, d1) -> (0, 0)>
module attributes {stable_mosaic.version = 14 : i64} {
  func.func @aggc_kernel(%arg0: i32, %arg1: i32, %arg2: memref<2x10240x128xf32, #tpu.memory_space<hbm>>, %arg3: memref<128x40x125xi32, #tpu.memory_space<hbm>>, %arg4: memref<128x40x125xi32, #tpu.memory_space<hbm>>, %arg5: memref<10240x128xf32, #tpu.memory_space<hbm>>, %arg6: memref<2x10240x128xf32, #tpu.memory_space<hbm>>, %arg7: memref<10240x128xf32, #tpu.memory_space<vmem_shared>>, %arg8: memref<40x125xi32, #tpu.memory_space<vmem>>, %arg9: memref<40x125xi32, #tpu.memory_space<vmem>>, %arg10: memref<125x128xf32, #tpu.memory_space<vmem>>, %arg11: memref<125x128xf32, #tpu.memory_space<vmem>>, %arg12: memref<!tpu.dma_semaphore, #tpu.memory_space<semaphore_mem>>, %arg13: memref<!tpu.dma_semaphore, #tpu.memory_space<semaphore_mem>>) attributes {dimension_semantics = [#tpu.dimension_semantics<core_parallel>, #tpu.dimension_semantics<subcore_parallel>], iteration_bounds = array<i64: 2, 16>, scalar_prefetch = 0 : i64, scratch_operands = 7 : i64, tpu.core_type = #tpu.core_type<sc_vector_subcore>, window_params = [{transform_indices = #map}, {transform_indices = #map}, {transform_indices = #map}, {transform_indices = #map1}, {transform_indices = #map}]} {
    %mul3A = arith.constant 640 : i32
    %mul3A_0 = arith.muli %arg1, %mul3A : i32
    %mul3A_1 = arith.constant 640 : i32
    %mul3A_2 = arith.muli %arg1, %mul3A_1 : i32
    "tpu.region"() ({
      %run_scoped3A = tpu.sem_alloc : memref<!tpu.dma_semaphore, #tpu.memory_space<semaphore_mem>>
      %dma_start3A = arith.constant 0 : i32
      %dma_start3A_13 = tpu.memref_slice %arg7[%mul3A_2, %dma_start3A] : memref<10240x128xf32, #tpu.memory_space<vmem_shared>> -> memref<640x128xf32, #tpu.memory_space<vmem_shared>>
      %dma_start3A_14 = arith.constant 0 : i32
      %dma_start3A_15 = tpu.memref_slice %arg5[%mul3A_0, %dma_start3A_14] : memref<10240x128xf32, #tpu.memory_space<hbm>> -> memref<640x128xf32, #tpu.memory_space<hbm>>
      tpu.enqueue_dma source(%dma_start3A_15 : memref<640x128xf32, #tpu.memory_space<hbm>>) target(%dma_start3A_13 : memref<640x128xf32, #tpu.memory_space<vmem_shared>>) target_semaphore(%run_scoped3A : memref<!tpu.dma_semaphore, #tpu.memory_space<semaphore_mem>>)
      %dma_wait3A = arith.constant 0 : i32
      %dma_wait3A_16 = tpu.memref_slice %arg7[%mul3A_2, %dma_wait3A] : memref<10240x128xf32, #tpu.memory_space<vmem_shared>> -> memref<640x128xf32, #tpu.memory_space<vmem_shared>>
      %dma_wait3A_17 = arith.constant 0 : i32
      %dma_wait3A_18 = tpu.memref_slice %arg5[%mul3A_0, %dma_wait3A_17] : memref<10240x128xf32, #tpu.memory_space<hbm>> -> memref<640x128xf32, #tpu.memory_space<hbm>>
      tpu.wait_dma2 semaphore(%run_scoped3A : memref<!tpu.dma_semaphore, #tpu.memory_space<semaphore_mem>>) src(%dma_wait3A_18 : memref<640x128xf32, #tpu.memory_space<hbm>>) dst(%dma_wait3A_16 : memref<640x128xf32, #tpu.memory_space<vmem_shared>>)
      tpu.yield
    }) : () -> ()
    %barrier3A = arith.constant 0 : index
    tpu.barrier barrier_id(%barrier3A)
    %scan3A = arith.constant 0 : i32
    %scan3A_3 = arith.constant 0 : i32
    %scan3A_4 = arith.constant 8 : i32
    %scan3A_5 = arith.addi %scan3A_3, %scan3A_4 : i32
    %scan3A_6 = arith.constant 1 : i32
    scf.for %scan3A_13 = %scan3A_3 to %scan3A_5 step %scan3A_6  : i32 {
      %mul3A_14 = arith.constant 8 : i32
      %mul3A_15 = arith.muli %arg1, %mul3A_14 : i32
      %add3A = arith.addi %mul3A_15, %scan3A_13 : i32
      "tpu.region"() ({
        %run_scoped3A = tpu.sem_alloc : memref<!tpu.dma_semaphore, #tpu.memory_space<semaphore_mem>>
        %dma_start3A_35 = arith.constant 0 : i32
        %dma_start3A_36 = arith.constant 0 : i32
        %dma_start3A_37 = tpu.memref_slice %arg3[%add3A, %dma_start3A_35, %dma_start3A_36] : memref<128x40x125xi32, #tpu.memory_space<hbm>> -> memref<1x40x125xi32, #tpu.memory_space<hbm>>
        %dma_start3A_38 = tpu.memref_squeeze %dma_start3A_37 : memref<1x40x125xi32, #tpu.memory_space<hbm>> -> memref<40x125xi32, #tpu.memory_space<hbm>>
        %dma_start3A_39 = arith.constant 0 : i32
        %dma_start3A_40 = arith.constant 0 : i32
        %dma_start3A_41 = tpu.memref_slice %arg3[%add3A, %dma_start3A_39, %dma_start3A_40] : memref<128x40x125xi32, #tpu.memory_space<hbm>> -> memref<1x40x125xi32, #tpu.memory_space<hbm>>
        %dma_start3A_42 = tpu.memref_squeeze %dma_start3A_41 : memref<1x40x125xi32, #tpu.memory_space<hbm>> -> memref<40x125xi32, #tpu.memory_space<hbm>>
        tpu.enqueue_dma source(%dma_start3A_42 : memref<40x125xi32, #tpu.memory_space<hbm>>) target(%arg8 : memref<40x125xi32, #tpu.memory_space<vmem>>) target_semaphore(%run_scoped3A : memref<!tpu.dma_semaphore, #tpu.memory_space<semaphore_mem>>)
        %dma_wait3A = arith.constant 0 : i32
        %dma_wait3A_43 = arith.constant 0 : i32
        %dma_wait3A_44 = tpu.memref_slice %arg3[%add3A, %dma_wait3A, %dma_wait3A_43] : memref<128x40x125xi32, #tpu.memory_space<hbm>> -> memref<1x40x125xi32, #tpu.memory_space<hbm>>
        %dma_wait3A_45 = tpu.memref_squeeze %dma_wait3A_44 : memref<1x40x125xi32, #tpu.memory_space<hbm>> -> memref<40x125xi32, #tpu.memory_space<hbm>>
        %dma_wait3A_46 = arith.constant 0 : i32
        %dma_wait3A_47 = arith.constant 0 : i32
        %dma_wait3A_48 = tpu.memref_slice %arg3[%add3A, %dma_wait3A_46, %dma_wait3A_47] : memref<128x40x125xi32, #tpu.memory_space<hbm>> -> memref<1x40x125xi32, #tpu.memory_space<hbm>>
        %dma_wait3A_49 = tpu.memref_squeeze %dma_wait3A_48 : memref<1x40x125xi32, #tpu.memory_space<hbm>> -> memref<40x125xi32, #tpu.memory_space<hbm>>
        tpu.wait_dma2 semaphore(%run_scoped3A : memref<!tpu.dma_semaphore, #tpu.memory_space<semaphore_mem>>) src(%dma_wait3A_49 : memref<40x125xi32, #tpu.memory_space<hbm>>) dst(%arg8 : memref<40x125xi32, #tpu.memory_space<vmem>>)
        tpu.yield
      }) : () -> ()
      %mul3A_16 = arith.constant 8 : i32
      %mul3A_17 = arith.muli %arg1, %mul3A_16 : i32
      %add3A_18 = arith.addi %mul3A_17, %scan3A_13 : i32
      "tpu.region"() ({
        %run_scoped3A = tpu.sem_alloc : memref<!tpu.dma_semaphore, #tpu.memory_space<semaphore_mem>>
        %dma_start3A_35 = arith.constant 0 : i32
        %dma_start3A_36 = arith.constant 0 : i32
        %dma_start3A_37 = tpu.memref_slice %arg4[%add3A_18, %dma_start3A_35, %dma_start3A_36] : memref<128x40x125xi32, #tpu.memory_space<hbm>> -> memref<1x40x125xi32, #tpu.memory_space<hbm>>
        %dma_start3A_38 = tpu.memref_squeeze %dma_start3A_37 : memref<1x40x125xi32, #tpu.memory_space<hbm>> -> memref<40x125xi32, #tpu.memory_space<hbm>>
        %dma_start3A_39 = arith.constant 0 : i32
        %dma_start3A_40 = arith.constant 0 : i32
        %dma_start3A_41 = tpu.memref_slice %arg4[%add3A_18, %dma_start3A_39, %dma_start3A_40] : memref<128x40x125xi32, #tpu.memory_space<hbm>> -> memref<1x40x125xi32, #tpu.memory_space<hbm>>
        %dma_start3A_42 = tpu.memref_squeeze %dma_start3A_41 : memref<1x40x125xi32, #tpu.memory_space<hbm>> -> memref<40x125xi32, #tpu.memory_space<hbm>>
        tpu.enqueue_dma source(%dma_start3A_42 : memref<40x125xi32, #tpu.memory_space<hbm>>) target(%arg9 : memref<40x125xi32, #tpu.memory_space<vmem>>) target_semaphore(%run_scoped3A : memref<!tpu.dma_semaphore, #tpu.memory_space<semaphore_mem>>)
        %dma_wait3A = arith.constant 0 : i32
        %dma_wait3A_43 = arith.constant 0 : i32
        %dma_wait3A_44 = tpu.memref_slice %arg4[%add3A_18, %dma_wait3A, %dma_wait3A_43] : memref<128x40x125xi32, #tpu.memory_space<hbm>> -> memref<1x40x125xi32, #tpu.memory_space<hbm>>
        %dma_wait3A_45 = tpu.memref_squeeze %dma_wait3A_44 : memref<1x40x125xi32, #tpu.memory_space<hbm>> -> memref<40x125xi32, #tpu.memory_space<hbm>>
        %dma_wait3A_46 = arith.constant 0 : i32
        %dma_wait3A_47 = arith.constant 0 : i32
        %dma_wait3A_48 = tpu.memref_slice %arg4[%add3A_18, %dma_wait3A_46, %dma_wait3A_47] : memref<128x40x125xi32, #tpu.memory_space<hbm>> -> memref<1x40x125xi32, #tpu.memory_space<hbm>>
        %dma_wait3A_49 = tpu.memref_squeeze %dma_wait3A_48 : memref<1x40x125xi32, #tpu.memory_space<hbm>> -> memref<40x125xi32, #tpu.memory_space<hbm>>
        tpu.wait_dma2 semaphore(%run_scoped3A : memref<!tpu.dma_semaphore, #tpu.memory_space<semaphore_mem>>) src(%dma_wait3A_49 : memref<40x125xi32, #tpu.memory_space<hbm>>) dst(%arg9 : memref<40x125xi32, #tpu.memory_space<vmem>>)
        tpu.yield
      }) : () -> ()
      %dma_start3A = arith.constant 0 : i32
      %dma_start3A_19 = arith.constant 0 : i32
      %dma_start3A_20 = tpu.memref_slice %arg8[%dma_start3A, %dma_start3A_19] : memref<40x125xi32, #tpu.memory_space<vmem>> -> memref<1x125xi32, #tpu.memory_space<vmem>>
      %dma_start3A_21 = tpu.memref_squeeze %dma_start3A_20 : memref<1x125xi32, #tpu.memory_space<vmem>> -> memref<125xi32, #tpu.memory_space<vmem>>
      %dma_start3A_22 = arith.constant 0 : i32
      %dma_start3A_23 = arith.constant 0 : i32
      %dma_start3A_24 = tpu.memref_slice %arg2[%arg0, %dma_start3A_22, %dma_start3A_23] : memref<2x10240x128xf32, #tpu.memory_space<hbm>> -> memref<1x10240x128xf32, #tpu.memory_space<hbm>>
      %dma_start3A_25 = tpu.memref_squeeze %dma_start3A_24 : memref<1x10240x128xf32, #tpu.memory_space<hbm>> -> memref<10240x128xf32, #tpu.memory_space<hbm>>
      %dma_start3A_26 = arith.constant 0 : i32
      %dma_start3A_27 = arith.constant 0 : i32
      %dma_start3A_28 = tpu.memref_slice %dma_start3A_25[%dma_start3A_26, %dma_start3A_27] : memref<10240x128xf32, #tpu.memory_space<hbm>> -> memref<10240x128xf32, #tpu.memory_space<hbm>>
      tpu.enqueue_indirect_dma source(%dma_start3A_28 : memref<10240x128xf32, #tpu.memory_space<hbm>>) target(%arg10 : memref<125x128xf32, #tpu.memory_space<vmem>>) offsets(%dma_start3A_21 : memref<125xi32, #tpu.memory_space<vmem>>) semaphore(%arg12 : memref<!tpu.dma_semaphore, #tpu.memory_space<semaphore_mem>>)
      %scan3A_29 = arith.constant 0 : i32
      %scan3A_30 = arith.constant 0 : i32
      %scan3A_31 = arith.constant 20 : i32
      %scan3A_32 = arith.addi %scan3A_30, %scan3A_31 : i32
      %scan3A_33 = arith.constant 1 : i32
      scf.for %scan3A_35 = %scan3A_30 to %scan3A_32 step %scan3A_33  : i32 {
        %mul3A_36 = arith.constant 2 : i32
        %mul3A_37 = arith.muli %mul3A_36, %scan3A_35 : i32
        %dma_wait3A = arith.constant 0 : i32
        %dma_wait3A_38 = tpu.memref_slice %arg8[%mul3A_37, %dma_wait3A] : memref<40x125xi32, #tpu.memory_space<vmem>> -> memref<1x125xi32, #tpu.memory_space<vmem>>
        %dma_wait3A_39 = tpu.memref_squeeze %dma_wait3A_38 : memref<1x125xi32, #tpu.memory_space<vmem>> -> memref<125xi32, #tpu.memory_space<vmem>>
        %dma_wait3A_40 = arith.constant 0 : i32
        %dma_wait3A_41 = arith.constant 0 : i32
        %dma_wait3A_42 = tpu.memref_slice %arg2[%arg0, %dma_wait3A_40, %dma_wait3A_41] : memref<2x10240x128xf32, #tpu.memory_space<hbm>> -> memref<1x10240x128xf32, #tpu.memory_space<hbm>>
        %dma_wait3A_43 = tpu.memref_squeeze %dma_wait3A_42 : memref<1x10240x128xf32, #tpu.memory_space<hbm>> -> memref<10240x128xf32, #tpu.memory_space<hbm>>
        %dma_wait3A_44 = arith.constant 0 : i32
        %dma_wait3A_45 = arith.constant 0 : i32
        %dma_wait3A_46 = tpu.memref_slice %dma_wait3A_43[%dma_wait3A_44, %dma_wait3A_45] : memref<10240x128xf32, #tpu.memory_space<hbm>> -> memref<10240x128xf32, #tpu.memory_space<hbm>>
        tpu.wait_indirect_dma semaphore(%arg12 : memref<!tpu.dma_semaphore, #tpu.memory_space<semaphore_mem>>) src(%dma_wait3A_46 : memref<10240x128xf32, #tpu.memory_space<hbm>>) dst(%arg10 : memref<125x128xf32, #tpu.memory_space<vmem>>)
        %add3A_47 = arith.constant 1 : i32
        %add3A_48 = arith.addi %mul3A_37, %add3A_47 : i32
        %dma_start3A_49 = arith.constant 0 : i32
        %dma_start3A_50 = tpu.memref_slice %arg8[%add3A_48, %dma_start3A_49] : memref<40x125xi32, #tpu.memory_space<vmem>> -> memref<1x125xi32, #tpu.memory_space<vmem>>
        %dma_start3A_51 = tpu.memref_squeeze %dma_start3A_50 : memref<1x125xi32, #tpu.memory_space<vmem>> -> memref<125xi32, #tpu.memory_space<vmem>>
        %dma_start3A_52 = arith.constant 0 : i32
        %dma_start3A_53 = arith.constant 0 : i32
        %dma_start3A_54 = tpu.memref_slice %arg2[%arg0, %dma_start3A_52, %dma_start3A_53] : memref<2x10240x128xf32, #tpu.memory_space<hbm>> -> memref<1x10240x128xf32, #tpu.memory_space<hbm>>
        %dma_start3A_55 = tpu.memref_squeeze %dma_start3A_54 : memref<1x10240x128xf32, #tpu.memory_space<hbm>> -> memref<10240x128xf32, #tpu.memory_space<hbm>>
        %dma_start3A_56 = arith.constant 0 : i32
        %dma_start3A_57 = arith.constant 0 : i32
        %dma_start3A_58 = tpu.memref_slice %dma_start3A_55[%dma_start3A_56, %dma_start3A_57] : memref<10240x128xf32, #tpu.memory_space<hbm>> -> memref<10240x128xf32, #tpu.memory_space<hbm>>
        tpu.enqueue_indirect_dma source(%dma_start3A_58 : memref<10240x128xf32, #tpu.memory_space<hbm>>) target(%arg11 : memref<125x128xf32, #tpu.memory_space<vmem>>) offsets(%dma_start3A_51 : memref<125xi32, #tpu.memory_space<vmem>>) semaphore(%arg13 : memref<!tpu.dma_semaphore, #tpu.memory_space<semaphore_mem>>)
        "tpu.region"() ({
          %run_scoped3A = tpu.sem_alloc : memref<!tpu.dma_semaphore, #tpu.memory_space<semaphore_mem>>
          %dma_start3A_75 = arith.constant 0 : i32
          %dma_start3A_76 = tpu.memref_slice %arg9[%mul3A_37, %dma_start3A_75] : memref<40x125xi32, #tpu.memory_space<vmem>> -> memref<1x125xi32, #tpu.memory_space<vmem>>
          %dma_start3A_77 = tpu.memref_squeeze %dma_start3A_76 : memref<1x125xi32, #tpu.memory_space<vmem>> -> memref<125xi32, #tpu.memory_space<vmem>>
          %dma_start3A_78 = arith.constant 0 : i32
          %dma_start3A_79 = arith.constant 0 : i32
          %dma_start3A_80 = tpu.memref_slice %arg7[%dma_start3A_78, %dma_start3A_79] : memref<10240x128xf32, #tpu.memory_space<vmem_shared>> -> memref<10240x128xf32, #tpu.memory_space<vmem_shared>>
          tpu.enqueue_indirect_dma source(%arg10 : memref<125x128xf32, #tpu.memory_space<vmem>>) target(%dma_start3A_80 : memref<10240x128xf32, #tpu.memory_space<vmem_shared>>) offsets(%dma_start3A_77 : memref<125xi32, #tpu.memory_space<vmem>>) semaphore(%run_scoped3A : memref<!tpu.dma_semaphore, #tpu.memory_space<semaphore_mem>>) {add = true}
          %dma_wait3A_81 = arith.constant 0 : i32
          %dma_wait3A_82 = tpu.memref_slice %arg9[%mul3A_37, %dma_wait3A_81] : memref<40x125xi32, #tpu.memory_space<vmem>> -> memref<1x125xi32, #tpu.memory_space<vmem>>
          %dma_wait3A_83 = tpu.memref_squeeze %dma_wait3A_82 : memref<1x125xi32, #tpu.memory_space<vmem>> -> memref<125xi32, #tpu.memory_space<vmem>>
          %dma_wait3A_84 = arith.constant 0 : i32
          %dma_wait3A_85 = arith.constant 0 : i32
          %dma_wait3A_86 = tpu.memref_slice %arg7[%dma_wait3A_84, %dma_wait3A_85] : memref<10240x128xf32, #tpu.memory_space<vmem_shared>> -> memref<10240x128xf32, #tpu.memory_space<vmem_shared>>
          tpu.wait_indirect_dma semaphore(%run_scoped3A : memref<!tpu.dma_semaphore, #tpu.memory_space<semaphore_mem>>) src(%arg10 : memref<125x128xf32, #tpu.memory_space<vmem>>) dst(%dma_wait3A_86 : memref<10240x128xf32, #tpu.memory_space<vmem_shared>>)
          tpu.yield
        }) : () -> ()
        %lt3A = arith.constant 19 : i32
        %lt3A_59 = arith.cmpi slt, %scan3A_35, %lt3A : i32
        %convert_element_type3A = arith.extui %lt3A_59 : i1 to i32
        %cond3A = arith.constant 0 : i32
        %cond3A_60 = arith.cmpi ne, %convert_element_type3A, %cond3A : i32
        scf.if %cond3A_60 {
          %add3A_75 = arith.constant 2 : i32
          %add3A_76 = arith.addi %mul3A_37, %add3A_75 : i32
          %dma_start3A_77 = arith.constant 0 : i32
          %dma_start3A_78 = tpu.memref_slice %arg8[%add3A_76, %dma_start3A_77] : memref<40x125xi32, #tpu.memory_space<vmem>> -> memref<1x125xi32, #tpu.memory_space<vmem>>
          %dma_start3A_79 = tpu.memref_squeeze %dma_start3A_78 : memref<1x125xi32, #tpu.memory_space<vmem>> -> memref<125xi32, #tpu.memory_space<vmem>>
          %dma_start3A_80 = arith.constant 0 : i32
          %dma_start3A_81 = arith.constant 0 : i32
          %dma_start3A_82 = tpu.memref_slice %arg2[%arg0, %dma_start3A_80, %dma_start3A_81] : memref<2x10240x128xf32, #tpu.memory_space<hbm>> -> memref<1x10240x128xf32, #tpu.memory_space<hbm>>
          %dma_start3A_83 = tpu.memref_squeeze %dma_start3A_82 : memref<1x10240x128xf32, #tpu.memory_space<hbm>> -> memref<10240x128xf32, #tpu.memory_space<hbm>>
          %dma_start3A_84 = arith.constant 0 : i32
          %dma_start3A_85 = arith.constant 0 : i32
          %dma_start3A_86 = tpu.memref_slice %dma_start3A_83[%dma_start3A_84, %dma_start3A_85] : memref<10240x128xf32, #tpu.memory_space<hbm>> -> memref<10240x128xf32, #tpu.memory_space<hbm>>
          tpu.enqueue_indirect_dma source(%dma_start3A_86 : memref<10240x128xf32, #tpu.memory_space<hbm>>) target(%arg10 : memref<125x128xf32, #tpu.memory_space<vmem>>) offsets(%dma_start3A_79 : memref<125xi32, #tpu.memory_space<vmem>>) semaphore(%arg12 : memref<!tpu.dma_semaphore, #tpu.memory_space<semaphore_mem>>)
        } else {
        }
        %add3A_61 = arith.constant 1 : i32
        %add3A_62 = arith.addi %mul3A_37, %add3A_61 : i32
        %dma_wait3A_63 = arith.constant 0 : i32
        %dma_wait3A_64 = tpu.memref_slice %arg8[%add3A_62, %dma_wait3A_63] : memref<40x125xi32, #tpu.memory_space<vmem>> -> memref<1x125xi32, #tpu.memory_space<vmem>>
        %dma_wait3A_65 = tpu.memref_squeeze %dma_wait3A_64 : memref<1x125xi32, #tpu.memory_space<vmem>> -> memref<125xi32, #tpu.memory_space<vmem>>
        %dma_wait3A_66 = arith.constant 0 : i32
        %dma_wait3A_67 = arith.constant 0 : i32
        %dma_wait3A_68 = tpu.memref_slice %arg2[%arg0, %dma_wait3A_66, %dma_wait3A_67] : memref<2x10240x128xf32, #tpu.memory_space<hbm>> -> memref<1x10240x128xf32, #tpu.memory_space<hbm>>
        %dma_wait3A_69 = tpu.memref_squeeze %dma_wait3A_68 : memref<1x10240x128xf32, #tpu.memory_space<hbm>> -> memref<10240x128xf32, #tpu.memory_space<hbm>>
        %dma_wait3A_70 = arith.constant 0 : i32
        %dma_wait3A_71 = arith.constant 0 : i32
        %dma_wait3A_72 = tpu.memref_slice %dma_wait3A_69[%dma_wait3A_70, %dma_wait3A_71] : memref<10240x128xf32, #tpu.memory_space<hbm>> -> memref<10240x128xf32, #tpu.memory_space<hbm>>
        tpu.wait_indirect_dma semaphore(%arg13 : memref<!tpu.dma_semaphore, #tpu.memory_space<semaphore_mem>>) src(%dma_wait3A_72 : memref<10240x128xf32, #tpu.memory_space<hbm>>) dst(%arg11 : memref<125x128xf32, #tpu.memory_space<vmem>>)
        %add3A_73 = arith.constant 1 : i32
        %add3A_74 = arith.addi %mul3A_37, %add3A_73 : i32
        "tpu.region"() ({
          %run_scoped3A = tpu.sem_alloc : memref<!tpu.dma_semaphore, #tpu.memory_space<semaphore_mem>>
          %dma_start3A_75 = arith.constant 0 : i32
          %dma_start3A_76 = tpu.memref_slice %arg9[%add3A_74, %dma_start3A_75] : memref<40x125xi32, #tpu.memory_space<vmem>> -> memref<1x125xi32, #tpu.memory_space<vmem>>
          %dma_start3A_77 = tpu.memref_squeeze %dma_start3A_76 : memref<1x125xi32, #tpu.memory_space<vmem>> -> memref<125xi32, #tpu.memory_space<vmem>>
          %dma_start3A_78 = arith.constant 0 : i32
          %dma_start3A_79 = arith.constant 0 : i32
          %dma_start3A_80 = tpu.memref_slice %arg7[%dma_start3A_78, %dma_start3A_79] : memref<10240x128xf32, #tpu.memory_space<vmem_shared>> -> memref<10240x128xf32, #tpu.memory_space<vmem_shared>>
          tpu.enqueue_indirect_dma source(%arg11 : memref<125x128xf32, #tpu.memory_space<vmem>>) target(%dma_start3A_80 : memref<10240x128xf32, #tpu.memory_space<vmem_shared>>) offsets(%dma_start3A_77 : memref<125xi32, #tpu.memory_space<vmem>>) semaphore(%run_scoped3A : memref<!tpu.dma_semaphore, #tpu.memory_space<semaphore_mem>>) {add = true}
          %dma_wait3A_81 = arith.constant 0 : i32
          %dma_wait3A_82 = tpu.memref_slice %arg9[%add3A_74, %dma_wait3A_81] : memref<40x125xi32, #tpu.memory_space<vmem>> -> memref<1x125xi32, #tpu.memory_space<vmem>>
          %dma_wait3A_83 = tpu.memref_squeeze %dma_wait3A_82 : memref<1x125xi32, #tpu.memory_space<vmem>> -> memref<125xi32, #tpu.memory_space<vmem>>
          %dma_wait3A_84 = arith.constant 0 : i32
          %dma_wait3A_85 = arith.constant 0 : i32
          %dma_wait3A_86 = tpu.memref_slice %arg7[%dma_wait3A_84, %dma_wait3A_85] : memref<10240x128xf32, #tpu.memory_space<vmem_shared>> -> memref<10240x128xf32, #tpu.memory_space<vmem_shared>>
          tpu.wait_indirect_dma semaphore(%run_scoped3A : memref<!tpu.dma_semaphore, #tpu.memory_space<semaphore_mem>>) src(%arg11 : memref<125x128xf32, #tpu.memory_space<vmem>>) dst(%dma_wait3A_86 : memref<10240x128xf32, #tpu.memory_space<vmem_shared>>)
          tpu.yield
        }) : () -> ()
      }
      %scan3A_34 = arith.constant 20 : i32
    }
    %scan3A_7 = arith.constant 8 : i32
    %barrier3A_8 = arith.constant 0 : index
    tpu.barrier barrier_id(%barrier3A_8)
    %mul3A_9 = arith.constant 640 : i32
    %mul3A_10 = arith.muli %arg1, %mul3A_9 : i32
    %mul3A_11 = arith.constant 640 : i32
    %mul3A_12 = arith.muli %arg1, %mul3A_11 : i32
    "tpu.region"() ({
      %run_scoped3A = tpu.sem_alloc : memref<!tpu.dma_semaphore, #tpu.memory_space<semaphore_mem>>
      %dma_start3A = arith.constant 0 : i32
      %dma_start3A_13 = tpu.memref_slice %arg6[%arg0, %mul3A_12, %dma_start3A] : memref<2x10240x128xf32, #tpu.memory_space<hbm>> -> memref<1x640x128xf32, #tpu.memory_space<hbm>>
      %dma_start3A_14 = tpu.memref_squeeze %dma_start3A_13 : memref<1x640x128xf32, #tpu.memory_space<hbm>> -> memref<640x128xf32, #tpu.memory_space<hbm>>
      %dma_start3A_15 = arith.constant 0 : i32
      %dma_start3A_16 = tpu.memref_slice %arg7[%mul3A_10, %dma_start3A_15] : memref<10240x128xf32, #tpu.memory_space<vmem_shared>> -> memref<640x128xf32, #tpu.memory_space<vmem_shared>>
      tpu.enqueue_dma source(%dma_start3A_16 : memref<640x128xf32, #tpu.memory_space<vmem_shared>>) target(%dma_start3A_14 : memref<640x128xf32, #tpu.memory_space<hbm>>) target_semaphore(%run_scoped3A : memref<!tpu.dma_semaphore, #tpu.memory_space<semaphore_mem>>)
      %dma_wait3A = arith.constant 0 : i32
      %dma_wait3A_17 = tpu.memref_slice %arg6[%arg0, %mul3A_12, %dma_wait3A] : memref<2x10240x128xf32, #tpu.memory_space<hbm>> -> memref<1x640x128xf32, #tpu.memory_space<hbm>>
      %dma_wait3A_18 = tpu.memref_squeeze %dma_wait3A_17 : memref<1x640x128xf32, #tpu.memory_space<hbm>> -> memref<640x128xf32, #tpu.memory_space<hbm>>
      %dma_wait3A_19 = arith.constant 0 : i32
      %dma_wait3A_20 = tpu.memref_slice %arg7[%mul3A_10, %dma_wait3A_19] : memref<10240x128xf32, #tpu.memory_space<vmem_shared>> -> memref<640x128xf32, #tpu.memory_space<vmem_shared>>
      tpu.wait_dma2 semaphore(%run_scoped3A : memref<!tpu.dma_semaphore, #tpu.memory_space<semaphore_mem>>) src(%dma_wait3A_20 : memref<640x128xf32, #tpu.memory_space<vmem_shared>>) dst(%dma_wait3A_18 : memref<640x128xf32, #tpu.memory_space<hbm>>)
      tpu.yield
    }) : () -> ()
    return
  }
}

module attributes {stable_mosaic.version = 14 : i64} {
  func.func @body(%arg0: i32, %arg1: memref<640x2xf32, #tpu.memory_space<vmem>>, %arg2: memref<640x128xf32, #tpu.memory_space<vmem>>, %arg3: memref<128x256xf32, #tpu.memory_space<vmem>>, %arg4: memref<640x1xf32, #tpu.memory_space<vmem>>, %arg5: memref<640x256xf32, #tpu.memory_space<vmem>>) attributes {dimension_semantics = [#tpu.dimension_semantics<arbitrary>], iteration_bounds = array<i64: 16>, scalar_prefetch = 0 : i64, scratch_operands = 0 : i64, tpu.core_type = #tpu.core_type<tc>, window_params = [{transform_indices = @transform_0, window_bounds = array<i64: 640, 2>}, {transform_indices = @transform_1, window_bounds = array<i64: 640, 128>}, {pipeline_mode = #tpu.pipeline_mode<synchronous>, transform_indices = @transform_2, window_bounds = array<i64: 128, 256>}, {transform_indices = @transform_3, window_bounds = array<i64: 640, 1>}, {transform_indices = @transform_4, window_bounds = array<i64: 640, 256>}]} {
    %get3A = arith.constant 0 : index
    %get3A_0 = arith.constant 0 : index
    %get3A_1 = vector.load %arg1[%get3A, %get3A_0] : memref<640x2xf32, #tpu.memory_space<vmem>>, vector<640x1xf32>
    %add3A = arith.constant 1.000000e+00 : f32
    %add3A_2 = vector.broadcast %add3A : f32 to vector<640x1xf32>
    %add3A_3 = arith.addf %add3A_2, %get3A_1 : vector<640x1xf32>
    %get3A_4 = arith.constant 0 : index
    %get3A_5 = arith.constant 1 : index
    %get3A_6 = vector.load %arg1[%get3A_4, %get3A_5] : memref<640x2xf32, #tpu.memory_space<vmem>>, vector<640x1xf32>
    %add3A_7 = arith.addf %add3A_3, %get3A_6 : vector<640x1xf32>
    %rsqrt3A = math.rsqrt %add3A_7 : vector<640x1xf32>
    %mul3A = arith.constant 5.000000e-01 : f32
    %mul3A_8 = vector.broadcast %mul3A : f32 to vector<640x1xf32>
    %mul3A_9 = arith.mulf %mul3A_8, %add3A_7 : vector<640x1xf32>
    %mul3A_10 = arith.mulf %mul3A_9, %rsqrt3A : vector<640x1xf32>
    %mul3A_11 = arith.mulf %mul3A_10, %rsqrt3A : vector<640x1xf32>
    %sub3A = arith.constant 1.500000e+00 : f32
    %sub3A_12 = vector.broadcast %sub3A : f32 to vector<640x1xf32>
    %sub3A_13 = arith.subf %sub3A_12, %mul3A_11 : vector<640x1xf32>
    %mul3A_14 = arith.mulf %rsqrt3A, %sub3A_13 : vector<640x1xf32>
    %swap3A = arith.constant 0 : index
    %swap3A_15 = arith.constant 0 : index
    %swap3A_16 = vector.load %arg4[%swap3A, %swap3A_15] : memref<640x1xf32, #tpu.memory_space<vmem>>, vector<640x1xf32>
    tpu.vector_store %arg4[%swap3A, %swap3A_15], %mul3A_14 {strides = array<i32>} : memref<640x1xf32, #tpu.memory_space<vmem>>, vector<640x1xf32>,
    %get3A_17 = arith.constant 0 : index
    %get3A_18 = arith.constant 0 : index
    %get3A_19 = vector.load %arg2[%get3A_17, %get3A_18] : memref<640x128xf32, #tpu.memory_space<vmem>>, vector<640x128xf32>
    %get3A_20 = arith.constant 0 : index
    %get3A_21 = arith.constant 0 : index
    %get3A_22 = vector.load %arg3[%get3A_20, %get3A_21] : memref<128x256xf32, #tpu.memory_space<vmem>>, vector<128x256xf32>
    %dot_general3A = arith.constant dense<0.000000e+00> : vector<640x256xf32>
    %dot_general3A_23 = tpu.matmul %get3A_19, %get3A_22, %dot_general3A {dimension_numbers = #tpu.dot_dimension_numbers<[1], [0], [0], [1], [0, 0, 1, 1], [], []>, transpose_lhs_hint = false} : vector<640x128xf32>, vector<128x256xf32>, vector<640x256xf32> -> vector<640x256xf32>
    %mul3A_24 = vector.broadcast %mul3A_14 : vector<640x1xf32> to vector<640x256xf32>
    %mul3A_25 = arith.mulf %mul3A_24, %dot_general3A_23 : vector<640x256xf32>
    %swap3A_26 = arith.constant 0 : index
    %swap3A_27 = arith.constant 0 : index
    %swap3A_28 = vector.load %arg5[%swap3A_26, %swap3A_27] : memref<640x256xf32, #tpu.memory_space<vmem>>, vector<640x256xf32>
    tpu.vector_store %arg5[%swap3A_26, %swap3A_27], %mul3A_25 {strides = array<i32>} : memref<640x256xf32, #tpu.memory_space<vmem>>, vector<640x256xf32>,
    return
  }
  func.func @transform_0(%arg0: i32) -> (i32, i32) {
    %c0_i32 = arith.constant 0 : i32
    %c0_i32_0 = arith.constant 0 : i32
    return %arg0, %c0_i32 : i32, i32
  }
  func.func @transform_1(%arg0: i32) -> (i32, i32) {
    %c0_i32 = arith.constant 0 : i32
    %c0_i32_0 = arith.constant 0 : i32
    return %arg0, %c0_i32 : i32, i32
  }
  func.func @transform_2(%arg0: i32) -> (i32, i32) {
    %c0_i32 = arith.constant 0 : i32
    %c0_i32_0 = arith.constant 0 : i32
    %c0_i32_1 = arith.constant 0 : i32
    return %c0_i32, %c0_i32_0 : i32, i32
  }
  func.func @transform_3(%arg0: i32) -> (i32, i32) {
    %c0_i32 = arith.constant 0 : i32
    %c0_i32_0 = arith.constant 0 : i32
    return %arg0, %c0_i32 : i32, i32
  }
  func.func @transform_4(%arg0: i32) -> (i32, i32) {
    %c0_i32 = arith.constant 0 : i32
    %c0_i32_0 = arith.constant 0 : i32
    return %arg0, %c0_i32 : i32, i32
  }
}

module attributes {stable_mosaic.version = 14 : i64} {
  func.func @body(%arg0: i32, %arg1: memref<640x128xf32, #tpu.memory_space<vmem>>, %arg2: memref<640x128xf32, #tpu.memory_space<vmem>>, %arg3: memref<640x128xf32, #tpu.memory_space<vmem>>, %arg4: memref<640x128xf32, #tpu.memory_space<vmem>>, %arg5: memref<640x1xf32, #tpu.memory_space<vmem>>, %arg6: memref<1x256xf32, #tpu.memory_space<vmem>>, %arg7: memref<256x128xf32, #tpu.memory_space<vmem>>, %arg8: memref<640x128xf32, #tpu.memory_space<vmem>>) attributes {dimension_semantics = [#tpu.dimension_semantics<arbitrary>], iteration_bounds = array<i64: 16>, scalar_prefetch = 0 : i64, scratch_operands = 0 : i64, tpu.core_type = #tpu.core_type<tc>, window_params = [{transform_indices = @transform_0, window_bounds = array<i64: 640, 128>}, {transform_indices = @transform_1, window_bounds = array<i64: 640, 128>}, {transform_indices = @transform_2, window_bounds = array<i64: 640, 128>}, {transform_indices = @transform_3, window_bounds = array<i64: 640, 128>}, {transform_indices = @transform_4, window_bounds = array<i64: 640, 1>}, {pipeline_mode = #tpu.pipeline_mode<synchronous>, transform_indices = @transform_5, window_bounds = array<i64: 1, 256>}, {pipeline_mode = #tpu.pipeline_mode<synchronous>, transform_indices = @transform_6, window_bounds = array<i64: 256, 128>}, {transform_indices = @transform_7, window_bounds = array<i64: 640, 128>}]} {
    %get3A = arith.constant 0 : index
    %get3A_0 = arith.constant 0 : index
    %get3A_1 = vector.load %arg5[%get3A, %get3A_0] : memref<640x1xf32, #tpu.memory_space<vmem>>, vector<640x1xf32>
    %get3A_2 = arith.constant 0 : index
    %get3A_3 = arith.constant 0 : index
    %get3A_4 = vector.load %arg1[%get3A_2, %get3A_3] : memref<640x128xf32, #tpu.memory_space<vmem>>, vector<640x128xf32>
    %get3A_5 = arith.constant 0 : index
    %get3A_6 = arith.constant 0 : index
    %get3A_7 = vector.load %arg3[%get3A_5, %get3A_6] : memref<640x128xf32, #tpu.memory_space<vmem>>, vector<640x128xf32>
    %add3A = arith.addf %get3A_4, %get3A_7 : vector<640x128xf32>
    %mul3A = vector.broadcast %get3A_1 : vector<640x1xf32> to vector<640x128xf32>
    %mul3A_8 = arith.mulf %mul3A, %add3A : vector<640x128xf32>
    %get3A_9 = arith.constant 0 : index
    %get3A_10 = arith.constant 0 : index
    %get3A_11 = vector.load %arg2[%get3A_9, %get3A_10] : memref<640x128xf32, #tpu.memory_space<vmem>>, vector<640x128xf32>
    %get3A_12 = arith.constant 0 : index
    %get3A_13 = arith.constant 0 : index
    %get3A_14 = vector.load %arg4[%get3A_12, %get3A_13] : memref<640x128xf32, #tpu.memory_space<vmem>>, vector<640x128xf32>
    %add3A_15 = arith.addf %get3A_11, %get3A_14 : vector<640x128xf32>
    %mul3A_16 = vector.broadcast %get3A_1 : vector<640x1xf32> to vector<640x128xf32>
    %mul3A_17 = arith.mulf %mul3A_16, %add3A_15 : vector<640x128xf32>
    %concatenate3A = tpu.concatenate %mul3A_8, %mul3A_17 in 1 : vector<640x128xf32>, vector<640x128xf32> -> vector<640x256xf32>
    %get3A_18 = arith.constant 0 : index
    %get3A_19 = arith.constant 0 : index
    %get3A_20 = vector.load %arg6[%get3A_18, %get3A_19] : memref<1x256xf32, #tpu.memory_space<vmem>>, vector<1x256xf32>
    %add3A_21 = vector.broadcast %get3A_20 : vector<1x256xf32> to vector<640x256xf32>
    %add3A_22 = arith.addf %concatenate3A, %add3A_21 : vector<640x256xf32>
    %max3A = arith.constant 0.000000e+00 : f32
    %max3A_23 = vector.broadcast %max3A : f32 to vector<640x256xf32>
    %max3A_24 = arith.maximumf %add3A_22, %max3A_23 : vector<640x256xf32>
    %get3A_25 = arith.constant 0 : index
    %get3A_26 = arith.constant 0 : index
    %get3A_27 = vector.load %arg7[%get3A_25, %get3A_26] : memref<256x128xf32, #tpu.memory_space<vmem>>, vector<256x128xf32>
    %dot_general3A = arith.constant dense<0.000000e+00> : vector<640x128xf32>
    %dot_general3A_28 = tpu.matmul %max3A_24, %get3A_27, %dot_general3A {dimension_numbers = #tpu.dot_dimension_numbers<[1], [0], [0], [1], [0, 0, 1, 1], [], []>, transpose_lhs_hint = false} : vector<640x256xf32>, vector<256x128xf32>, vector<640x128xf32> -> vector<640x128xf32>
    %mul3A_29 = vector.broadcast %get3A_1 : vector<640x1xf32> to vector<640x128xf32>
    %mul3A_30 = arith.mulf %mul3A_29, %dot_general3A_28 : vector<640x128xf32>
    %swap3A = arith.constant 0 : index
    %swap3A_31 = arith.constant 0 : index
    %swap3A_32 = vector.load %arg8[%swap3A, %swap3A_31] : memref<640x128xf32, #tpu.memory_space<vmem>>, vector<640x128xf32>
    tpu.vector_store %arg8[%swap3A, %swap3A_31], %mul3A_30 {strides = array<i32>} : memref<640x128xf32, #tpu.memory_space<vmem>>, vector<640x128xf32>,
    return
  }
  func.func @transform_0(%arg0: i32) -> (i32, i32) {
    %c0_i32 = arith.constant 0 : i32
    %c0_i32_0 = arith.constant 0 : i32
    return %arg0, %c0_i32 : i32, i32
  }
  func.func @transform_1(%arg0: i32) -> (i32, i32) {
    %c0_i32 = arith.constant 0 : i32
    %c0_i32_0 = arith.constant 0 : i32
    return %arg0, %c0_i32 : i32, i32
  }
  func.func @transform_2(%arg0: i32) -> (i32, i32) {
    %c0_i32 = arith.constant 0 : i32
    %c0_i32_0 = arith.constant 0 : i32
    return %arg0, %c0_i32 : i32, i32
  }
  func.func @transform_3(%arg0: i32) -> (i32, i32) {
    %c0_i32 = arith.constant 0 : i32
    %c0_i32_0 = arith.constant 0 : i32
    return %arg0, %c0_i32 : i32, i32
  }
  func.func @transform_4(%arg0: i32) -> (i32, i32) {
    %c0_i32 = arith.constant 0 : i32
    %c0_i32_0 = arith.constant 0 : i32
    return %arg0, %c0_i32 : i32, i32
  }
  func.func @transform_5(%arg0: i32) -> (i32, i32) {
    %c0_i32 = arith.constant 0 : i32
    %c0_i32_0 = arith.constant 0 : i32
    %c0_i32_1 = arith.constant 0 : i32
    return %c0_i32, %c0_i32_0 : i32, i32
  }
  func.func @transform_6(%arg0: i32) -> (i32, i32) {
    %c0_i32 = arith.constant 0 : i32
    %c0_i32_0 = arith.constant 0 : i32
    %c0_i32_1 = arith.constant 0 : i32
    return %c0_i32, %c0_i32_0 : i32, i32
  }
  func.func @transform_7(%arg0: i32) -> (i32, i32) {
    %c0_i32 = arith.constant 0 : i32
    %c0_i32_0 = arith.constant 0 : i32
    return %arg0, %c0_i32 : i32, i32
  }
}

module attributes {stable_mosaic.version = 14 : i64} {
  func.func @body(%arg0: memref<32x128x128xf32, #tpu.memory_space<vmem>>, %arg1: memref<1x128xf32, #tpu.memory_space<vmem>>, %arg2: memref<128x128xf32, #tpu.memory_space<vmem>>, %arg3: memref<1x128xf32, #tpu.memory_space<vmem>>, %arg4: memref<128x128xf32, #tpu.memory_space<vmem>>, %arg5: memref<1x128xf32, #tpu.memory_space<vmem>>, %arg6: memref<128x128xf32, #tpu.memory_space<vmem>>, %arg7: memref<1x128xf32, #tpu.memory_space<vmem>>, %arg8: memref<128x128xf32, #tpu.memory_space<vmem>>) attributes {dimension_semantics = [], scalar_prefetch = 0 : i64, scratch_operands = 0 : i64, tpu.core_type = #tpu.core_type<tc>} {
    %get3A = arith.constant 0 : index
    %get3A_0 = arith.constant 0 : index
    %get3A_1 = arith.constant 0 : index
    %get3A_2 = vector.load %arg0[%get3A, %get3A_0, %get3A_1] : memref<32x128x128xf32, #tpu.memory_space<vmem>>, vector<1x128x128xf32>
    %get3A_3 = vector.shape_cast %get3A_2 : vector<1x128x128xf32> to vector<128x128xf32>
    %get3A_4 = arith.constant 1 : index
    %get3A_5 = arith.constant 0 : index
    %get3A_6 = arith.constant 0 : index
    %get3A_7 = vector.load %arg0[%get3A_4, %get3A_5, %get3A_6] : memref<32x128x128xf32, #tpu.memory_space<vmem>>, vector<1x128x128xf32>
    %get3A_8 = vector.shape_cast %get3A_7 : vector<1x128x128xf32> to vector<128x128xf32>
    %max3A = arith.maximumf %get3A_3, %get3A_8 : vector<128x128xf32>
    %get3A_9 = arith.constant 2 : index
    %get3A_10 = arith.constant 0 : index
    %get3A_11 = arith.constant 0 : index
    %get3A_12 = vector.load %arg0[%get3A_9, %get3A_10, %get3A_11] : memref<32x128x128xf32, #tpu.memory_space<vmem>>, vector<1x128x128xf32>
    %get3A_13 = vector.shape_cast %get3A_12 : vector<1x128x128xf32> to vector<128x128xf32>
    %max3A_14 = arith.maximumf %max3A, %get3A_13 : vector<128x128xf32>
    %get3A_15 = arith.constant 3 : index
    %get3A_16 = arith.constant 0 : index
    %get3A_17 = arith.constant 0 : index
    %get3A_18 = vector.load %arg0[%get3A_15, %get3A_16, %get3A_17] : memref<32x128x128xf32, #tpu.memory_space<vmem>>, vector<1x128x128xf32>
    %get3A_19 = vector.shape_cast %get3A_18 : vector<1x128x128xf32> to vector<128x128xf32>
    %max3A_20 = arith.maximumf %max3A_14, %get3A_19 : vector<128x128xf32>
    %get3A_21 = arith.constant 4 : index
    %get3A_22 = arith.constant 0 : index
    %get3A_23 = arith.constant 0 : index
    %get3A_24 = vector.load %arg0[%get3A_21, %get3A_22, %get3A_23] : memref<32x128x128xf32, #tpu.memory_space<vmem>>, vector<1x128x128xf32>
    %get3A_25 = vector.shape_cast %get3A_24 : vector<1x128x128xf32> to vector<128x128xf32>
    %max3A_26 = arith.maximumf %max3A_20, %get3A_25 : vector<128x128xf32>
    %get3A_27 = arith.constant 5 : index
    %get3A_28 = arith.constant 0 : index
    %get3A_29 = arith.constant 0 : index
    %get3A_30 = vector.load %arg0[%get3A_27, %get3A_28, %get3A_29] : memref<32x128x128xf32, #tpu.memory_space<vmem>>, vector<1x128x128xf32>
    %get3A_31 = vector.shape_cast %get3A_30 : vector<1x128x128xf32> to vector<128x128xf32>
    %max3A_32 = arith.maximumf %max3A_26, %get3A_31 : vector<128x128xf32>
    %get3A_33 = arith.constant 6 : index
    %get3A_34 = arith.constant 0 : index
    %get3A_35 = arith.constant 0 : index
    %get3A_36 = vector.load %arg0[%get3A_33, %get3A_34, %get3A_35] : memref<32x128x128xf32, #tpu.memory_space<vmem>>, vector<1x128x128xf32>
    %get3A_37 = vector.shape_cast %get3A_36 : vector<1x128x128xf32> to vector<128x128xf32>
    %max3A_38 = arith.maximumf %max3A_32, %get3A_37 : vector<128x128xf32>
    %get3A_39 = arith.constant 7 : index
    %get3A_40 = arith.constant 0 : index
    %get3A_41 = arith.constant 0 : index
    %get3A_42 = vector.load %arg0[%get3A_39, %get3A_40, %get3A_41] : memref<32x128x128xf32, #tpu.memory_space<vmem>>, vector<1x128x128xf32>
    %get3A_43 = vector.shape_cast %get3A_42 : vector<1x128x128xf32> to vector<128x128xf32>
    %max3A_44 = arith.maximumf %max3A_38, %get3A_43 : vector<128x128xf32>
    %get3A_45 = arith.constant 8 : index
    %get3A_46 = arith.constant 0 : index
    %get3A_47 = arith.constant 0 : index
    %get3A_48 = vector.load %arg0[%get3A_45, %get3A_46, %get3A_47] : memref<32x128x128xf32, #tpu.memory_space<vmem>>, vector<1x128x128xf32>
    %get3A_49 = vector.shape_cast %get3A_48 : vector<1x128x128xf32> to vector<128x128xf32>
    %max3A_50 = arith.maximumf %max3A_44, %get3A_49 : vector<128x128xf32>
    %get3A_51 = arith.constant 9 : index
    %get3A_52 = arith.constant 0 : index
    %get3A_53 = arith.constant 0 : index
    %get3A_54 = vector.load %arg0[%get3A_51, %get3A_52, %get3A_53] : memref<32x128x128xf32, #tpu.memory_space<vmem>>, vector<1x128x128xf32>
    %get3A_55 = vector.shape_cast %get3A_54 : vector<1x128x128xf32> to vector<128x128xf32>
    %max3A_56 = arith.maximumf %max3A_50, %get3A_55 : vector<128x128xf32>
    %get3A_57 = arith.constant 10 : index
    %get3A_58 = arith.constant 0 : index
    %get3A_59 = arith.constant 0 : index
    %get3A_60 = vector.load %arg0[%get3A_57, %get3A_58, %get3A_59] : memref<32x128x128xf32, #tpu.memory_space<vmem>>, vector<1x128x128xf32>
    %get3A_61 = vector.shape_cast %get3A_60 : vector<1x128x128xf32> to vector<128x128xf32>
    %max3A_62 = arith.maximumf %max3A_56, %get3A_61 : vector<128x128xf32>
    %get3A_63 = arith.constant 11 : index
    %get3A_64 = arith.constant 0 : index
    %get3A_65 = arith.constant 0 : index
    %get3A_66 = vector.load %arg0[%get3A_63, %get3A_64, %get3A_65] : memref<32x128x128xf32, #tpu.memory_space<vmem>>, vector<1x128x128xf32>
    %get3A_67 = vector.shape_cast %get3A_66 : vector<1x128x128xf32> to vector<128x128xf32>
    %max3A_68 = arith.maximumf %max3A_62, %get3A_67 : vector<128x128xf32>
    %get3A_69 = arith.constant 12 : index
    %get3A_70 = arith.constant 0 : index
    %get3A_71 = arith.constant 0 : index
    %get3A_72 = vector.load %arg0[%get3A_69, %get3A_70, %get3A_71] : memref<32x128x128xf32, #tpu.memory_space<vmem>>, vector<1x128x128xf32>
    %get3A_73 = vector.shape_cast %get3A_72 : vector<1x128x128xf32> to vector<128x128xf32>
    %max3A_74 = arith.maximumf %max3A_68, %get3A_73 : vector<128x128xf32>
    %get3A_75 = arith.constant 13 : index
    %get3A_76 = arith.constant 0 : index
    %get3A_77 = arith.constant 0 : index
    %get3A_78 = vector.load %arg0[%get3A_75, %get3A_76, %get3A_77] : memref<32x128x128xf32, #tpu.memory_space<vmem>>, vector<1x128x128xf32>
    %get3A_79 = vector.shape_cast %get3A_78 : vector<1x128x128xf32> to vector<128x128xf32>
    %max3A_80 = arith.maximumf %max3A_74, %get3A_79 : vector<128x128xf32>
    %get3A_81 = arith.constant 14 : index
    %get3A_82 = arith.constant 0 : index
    %get3A_83 = arith.constant 0 : index
    %get3A_84 = vector.load %arg0[%get3A_81, %get3A_82, %get3A_83] : memref<32x128x128xf32, #tpu.memory_space<vmem>>, vector<1x128x128xf32>
    %get3A_85 = vector.shape_cast %get3A_84 : vector<1x128x128xf32> to vector<128x128xf32>
    %max3A_86 = arith.maximumf %max3A_80, %get3A_85 : vector<128x128xf32>
    %get3A_87 = arith.constant 15 : index
    %get3A_88 = arith.constant 0 : index
    %get3A_89 = arith.constant 0 : index
    %get3A_90 = vector.load %arg0[%get3A_87, %get3A_88, %get3A_89] : memref<32x128x128xf32, #tpu.memory_space<vmem>>, vector<1x128x128xf32>
    %get3A_91 = vector.shape_cast %get3A_90 : vector<1x128x128xf32> to vector<128x128xf32>
    %max3A_92 = arith.maximumf %max3A_86, %get3A_91 : vector<128x128xf32>
    %get3A_93 = arith.constant 16 : index
    %get3A_94 = arith.constant 0 : index
    %get3A_95 = arith.constant 0 : index
    %get3A_96 = vector.load %arg0[%get3A_93, %get3A_94, %get3A_95] : memref<32x128x128xf32, #tpu.memory_space<vmem>>, vector<1x128x128xf32>
    %get3A_97 = vector.shape_cast %get3A_96 : vector<1x128x128xf32> to vector<128x128xf32>
    %max3A_98 = arith.maximumf %max3A_92, %get3A_97 : vector<128x128xf32>
    %get3A_99 = arith.constant 17 : index
    %get3A_100 = arith.constant 0 : index
    %get3A_101 = arith.constant 0 : index
    %get3A_102 = vector.load %arg0[%get3A_99, %get3A_100, %get3A_101] : memref<32x128x128xf32, #tpu.memory_space<vmem>>, vector<1x128x128xf32>
    %get3A_103 = vector.shape_cast %get3A_102 : vector<1x128x128xf32> to vector<128x128xf32>
    %max3A_104 = arith.maximumf %max3A_98, %get3A_103 : vector<128x128xf32>
    %get3A_105 = arith.constant 18 : index
    %get3A_106 = arith.constant 0 : index
    %get3A_107 = arith.constant 0 : index
    %get3A_108 = vector.load %arg0[%get3A_105, %get3A_106, %get3A_107] : memref<32x128x128xf32, #tpu.memory_space<vmem>>, vector<1x128x128xf32>
    %get3A_109 = vector.shape_cast %get3A_108 : vector<1x128x128xf32> to vector<128x128xf32>
    %max3A_110 = arith.maximumf %max3A_104, %get3A_109 : vector<128x128xf32>
    %get3A_111 = arith.constant 19 : index
    %get3A_112 = arith.constant 0 : index
    %get3A_113 = arith.constant 0 : index
    %get3A_114 = vector.load %arg0[%get3A_111, %get3A_112, %get3A_113] : memref<32x128x128xf32, #tpu.memory_space<vmem>>, vector<1x128x128xf32>
    %get3A_115 = vector.shape_cast %get3A_114 : vector<1x128x128xf32> to vector<128x128xf32>
    %max3A_116 = arith.maximumf %max3A_110, %get3A_115 : vector<128x128xf32>
    %get3A_117 = arith.constant 20 : index
    %get3A_118 = arith.constant 0 : index
    %get3A_119 = arith.constant 0 : index
    %get3A_120 = vector.load %arg0[%get3A_117, %get3A_118, %get3A_119] : memref<32x128x128xf32, #tpu.memory_space<vmem>>, vector<1x128x128xf32>
    %get3A_121 = vector.shape_cast %get3A_120 : vector<1x128x128xf32> to vector<128x128xf32>
    %max3A_122 = arith.maximumf %max3A_116, %get3A_121 : vector<128x128xf32>
    %get3A_123 = arith.constant 21 : index
    %get3A_124 = arith.constant 0 : index
    %get3A_125 = arith.constant 0 : index
    %get3A_126 = vector.load %arg0[%get3A_123, %get3A_124, %get3A_125] : memref<32x128x128xf32, #tpu.memory_space<vmem>>, vector<1x128x128xf32>
    %get3A_127 = vector.shape_cast %get3A_126 : vector<1x128x128xf32> to vector<128x128xf32>
    %max3A_128 = arith.maximumf %max3A_122, %get3A_127 : vector<128x128xf32>
    %get3A_129 = arith.constant 22 : index
    %get3A_130 = arith.constant 0 : index
    %get3A_131 = arith.constant 0 : index
    %get3A_132 = vector.load %arg0[%get3A_129, %get3A_130, %get3A_131] : memref<32x128x128xf32, #tpu.memory_space<vmem>>, vector<1x128x128xf32>
    %get3A_133 = vector.shape_cast %get3A_132 : vector<1x128x128xf32> to vector<128x128xf32>
    %max3A_134 = arith.maximumf %max3A_128, %get3A_133 : vector<128x128xf32>
    %get3A_135 = arith.constant 23 : index
    %get3A_136 = arith.constant 0 : index
    %get3A_137 = arith.constant 0 : index
    %get3A_138 = vector.load %arg0[%get3A_135, %get3A_136, %get3A_137] : memref<32x128x128xf32, #tpu.memory_space<vmem>>, vector<1x128x128xf32>
    %get3A_139 = vector.shape_cast %get3A_138 : vector<1x128x128xf32> to vector<128x128xf32>
    %max3A_140 = arith.maximumf %max3A_134, %get3A_139 : vector<128x128xf32>
    %get3A_141 = arith.constant 24 : index
    %get3A_142 = arith.constant 0 : index
    %get3A_143 = arith.constant 0 : index
    %get3A_144 = vector.load %arg0[%get3A_141, %get3A_142, %get3A_143] : memref<32x128x128xf32, #tpu.memory_space<vmem>>, vector<1x128x128xf32>
    %get3A_145 = vector.shape_cast %get3A_144 : vector<1x128x128xf32> to vector<128x128xf32>
    %max3A_146 = arith.maximumf %max3A_140, %get3A_145 : vector<128x128xf32>
    %get3A_147 = arith.constant 25 : index
    %get3A_148 = arith.constant 0 : index
    %get3A_149 = arith.constant 0 : index
    %get3A_150 = vector.load %arg0[%get3A_147, %get3A_148, %get3A_149] : memref<32x128x128xf32, #tpu.memory_space<vmem>>, vector<1x128x128xf32>
    %get3A_151 = vector.shape_cast %get3A_150 : vector<1x128x128xf32> to vector<128x128xf32>
    %max3A_152 = arith.maximumf %max3A_146, %get3A_151 : vector<128x128xf32>
    %get3A_153 = arith.constant 26 : index
    %get3A_154 = arith.constant 0 : index
    %get3A_155 = arith.constant 0 : index
    %get3A_156 = vector.load %arg0[%get3A_153, %get3A_154, %get3A_155] : memref<32x128x128xf32, #tpu.memory_space<vmem>>, vector<1x128x128xf32>
    %get3A_157 = vector.shape_cast %get3A_156 : vector<1x128x128xf32> to vector<128x128xf32>
    %max3A_158 = arith.maximumf %max3A_152, %get3A_157 : vector<128x128xf32>
    %get3A_159 = arith.constant 27 : index
    %get3A_160 = arith.constant 0 : index
    %get3A_161 = arith.constant 0 : index
    %get3A_162 = vector.load %arg0[%get3A_159, %get3A_160, %get3A_161] : memref<32x128x128xf32, #tpu.memory_space<vmem>>, vector<1x128x128xf32>
    %get3A_163 = vector.shape_cast %get3A_162 : vector<1x128x128xf32> to vector<128x128xf32>
    %max3A_164 = arith.maximumf %max3A_158, %get3A_163 : vector<128x128xf32>
    %get3A_165 = arith.constant 28 : index
    %get3A_166 = arith.constant 0 : index
    %get3A_167 = arith.constant 0 : index
    %get3A_168 = vector.load %arg0[%get3A_165, %get3A_166, %get3A_167] : memref<32x128x128xf32, #tpu.memory_space<vmem>>, vector<1x128x128xf32>
    %get3A_169 = vector.shape_cast %get3A_168 : vector<1x128x128xf32> to vector<128x128xf32>
    %max3A_170 = arith.maximumf %max3A_164, %get3A_169 : vector<128x128xf32>
    %get3A_171 = arith.constant 29 : index
    %get3A_172 = arith.constant 0 : index
    %get3A_173 = arith.constant 0 : index
    %get3A_174 = vector.load %arg0[%get3A_171, %get3A_172, %get3A_173] : memref<32x128x128xf32, #tpu.memory_space<vmem>>, vector<1x128x128xf32>
    %get3A_175 = vector.shape_cast %get3A_174 : vector<1x128x128xf32> to vector<128x128xf32>
    %max3A_176 = arith.maximumf %max3A_170, %get3A_175 : vector<128x128xf32>
    %get3A_177 = arith.constant 30 : index
    %get3A_178 = arith.constant 0 : index
    %get3A_179 = arith.constant 0 : index
    %get3A_180 = vector.load %arg0[%get3A_177, %get3A_178, %get3A_179] : memref<32x128x128xf32, #tpu.memory_space<vmem>>, vector<1x128x128xf32>
    %get3A_181 = vector.shape_cast %get3A_180 : vector<1x128x128xf32> to vector<128x128xf32>
    %max3A_182 = arith.maximumf %max3A_176, %get3A_181 : vector<128x128xf32>
    %get3A_183 = arith.constant 31 : index
    %get3A_184 = arith.constant 0 : index
    %get3A_185 = arith.constant 0 : index
    %get3A_186 = vector.load %arg0[%get3A_183, %get3A_184, %get3A_185] : memref<32x128x128xf32, #tpu.memory_space<vmem>>, vector<1x128x128xf32>
    %get3A_187 = vector.shape_cast %get3A_186 : vector<1x128x128xf32> to vector<128x128xf32>
    %max3A_188 = arith.maximumf %max3A_182, %get3A_187 : vector<128x128xf32>
    %get3A_189 = arith.constant 0 : index
    %get3A_190 = arith.constant 0 : index
    %get3A_191 = vector.load %arg1[%get3A_189, %get3A_190] : memref<1x128xf32, #tpu.memory_space<vmem>>, vector<1x128xf32>
    %add3A = vector.broadcast %get3A_191 : vector<1x128xf32> to vector<128x128xf32>
    %add3A_192 = arith.addf %max3A_188, %add3A : vector<128x128xf32>
    %max3A_193 = arith.constant 0.000000e+00 : f32
    %max3A_194 = vector.broadcast %max3A_193 : f32 to vector<128x128xf32>
    %max3A_195 = arith.maximumf %add3A_192, %max3A_194 : vector<128x128xf32>
    %get3A_196 = arith.constant 0 : index
    %get3A_197 = arith.constant 0 : index
    %get3A_198 = vector.load %arg2[%get3A_196, %get3A_197] : memref<128x128xf32, #tpu.memory_space<vmem>>, vector<128x128xf32>
    %dot_general3A = arith.constant dense<0.000000e+00> : vector<128x128xf32>
    %dot_general3A_199 = tpu.matmul %max3A_195, %get3A_198, %dot_general3A {dimension_numbers = #tpu.dot_dimension_numbers<[1], [0], [0], [1], [0, 0, 1, 1], [], []>, transpose_lhs_hint = false} : vector<128x128xf32>, vector<128x128xf32>, vector<128x128xf32> -> vector<128x128xf32>
    %get3A_200 = arith.constant 0 : index
    %get3A_201 = arith.constant 0 : index
    %get3A_202 = vector.load %arg3[%get3A_200, %get3A_201] : memref<1x128xf32, #tpu.memory_space<vmem>>, vector<1x128xf32>
    %add3A_203 = vector.broadcast %get3A_202 : vector<1x128xf32> to vector<128x128xf32>
    %add3A_204 = arith.addf %dot_general3A_199, %add3A_203 : vector<128x128xf32>
    %max3A_205 = arith.constant 0.000000e+00 : f32
    %max3A_206 = vector.broadcast %max3A_205 : f32 to vector<128x128xf32>
    %max3A_207 = arith.maximumf %add3A_204, %max3A_206 : vector<128x128xf32>
    %get3A_208 = arith.constant 0 : index
    %get3A_209 = arith.constant 0 : index
    %get3A_210 = vector.load %arg4[%get3A_208, %get3A_209] : memref<128x128xf32, #tpu.memory_space<vmem>>, vector<128x128xf32>
    %dot_general3A_211 = arith.constant dense<0.000000e+00> : vector<128x128xf32>
    %dot_general3A_212 = tpu.matmul %max3A_207, %get3A_210, %dot_general3A_211 {dimension_numbers = #tpu.dot_dimension_numbers<[1], [0], [0], [1], [0, 0, 1, 1], [], []>, transpose_lhs_hint = false} : vector<128x128xf32>, vector<128x128xf32>, vector<128x128xf32> -> vector<128x128xf32>
    %get3A_213 = arith.constant 0 : index
    %get3A_214 = arith.constant 0 : index
    %get3A_215 = vector.load %arg5[%get3A_213, %get3A_214] : memref<1x128xf32, #tpu.memory_space<vmem>>, vector<1x128xf32>
    %add3A_216 = vector.broadcast %get3A_215 : vector<1x128xf32> to vector<128x128xf32>
    %add3A_217 = arith.addf %dot_general3A_212, %add3A_216 : vector<128x128xf32>
    %max3A_218 = arith.constant 0.000000e+00 : f32
    %max3A_219 = vector.broadcast %max3A_218 : f32 to vector<128x128xf32>
    %max3A_220 = arith.maximumf %add3A_217, %max3A_219 : vector<128x128xf32>
    %get3A_221 = arith.constant 0 : index
    %get3A_222 = arith.constant 0 : index
    %get3A_223 = vector.load %arg6[%get3A_221, %get3A_222] : memref<128x128xf32, #tpu.memory_space<vmem>>, vector<128x128xf32>
    %dot_general3A_224 = arith.constant dense<0.000000e+00> : vector<128x128xf32>
    %dot_general3A_225 = tpu.matmul %max3A_220, %get3A_223, %dot_general3A_224 {dimension_numbers = #tpu.dot_dimension_numbers<[1], [0], [0], [1], [0, 0, 1, 1], [], []>, transpose_lhs_hint = false} : vector<128x128xf32>, vector<128x128xf32>, vector<128x128xf32> -> vector<128x128xf32>
    %get3A_226 = arith.constant 0 : index
    %get3A_227 = arith.constant 0 : index
    %get3A_228 = vector.load %arg7[%get3A_226, %get3A_227] : memref<1x128xf32, #tpu.memory_space<vmem>>, vector<1x128xf32>
    %add3A_229 = vector.broadcast %get3A_228 : vector<1x128xf32> to vector<128x128xf32>
    %add3A_230 = arith.addf %dot_general3A_225, %add3A_229 : vector<128x128xf32>
    %swap3A = arith.constant 0 : index
    %swap3A_231 = arith.constant 0 : index
    %swap3A_232 = vector.load %arg8[%swap3A, %swap3A_231] : memref<128x128xf32, #tpu.memory_space<vmem>>, vector<128x128xf32>
    tpu.vector_store %arg8[%swap3A, %swap3A_231], %add3A_230 {strides = array<i32>} : memref<128x128xf32, #tpu.memory_space<vmem>>, vector<128x128xf32>,
    return
  }
}

</mosaic_0001>

<sc_bundles>
// kernel: kernel.12.cloned.1.call-start
scs
__scs_entry_jumppad:
0x0: {  	(pc) =	sbr.rel $0x88, $3  }
0x1: {  	(tag) =	ssettag $0x0;
	lr =	simm.s32 $0x1  }
0x2: {  	[smem:$0x3F94] =	sst lr;
	_ =	strace $0xD0000000  }
0x3: {  	_ = 	snop  }
0x4: {  	_ = 	snop  }
0x5: {  	_ = 	snop  }
0x6: {  	_ = 	snop  }
0x7: {  	_ = 	snop  }
__scs_overlays_trampoline_lowered:
0x8: {  	[smem:$0x3FA3] =	sst s0  }
0x9: {  	[smem:$0x3FA4] =	sst s1  }
0xa: {  	[smem:$0x3FA5] =	sst s2  }
0xb: {  	[smem:$0x3FA6] =	sst s3  }
0xc: {  	[smem:$0x3FA7] =	sst s4  }
0xd: {  	[smem:$0x3FA8] =	sst s5  }
0xe: {  	[smem:$0x3FA9] =	sst s6  }
0xf: {  	[smem:$0x3FAA] =	sst s7  }
0x10: {  	[smem:$0x3FAB] =	sst s8  }
0x11: {  	[smem:$0x3FAC] =	sst s9;
	s0 =	simm.s32 @!p0 $0x0  }
0x12: {  	s1 =	sld [smem:$0x3F92];
	s0 =	simm.s32 @p0 $0x1  }
0x13: {  	[smem:$0x3FAD] =	sst s0;
	s0 =	simm.s32 @!p1 $0x0  }
0x14: {  	s2 =	sld [smem:$0x3F91];
	s0 =	simm.s32 @p1 $0x1  }
0x15: {  	[smem:$0x3FAE] =	sst s0;
	s0 =	simm.s32 @!p2 $0x0  }
0x16: {  	s3 =	sld [smem:$0x3FDB];
	s0 =	simm.s32 @p2 $0x1  }
0x17: {  	s4 =	simm.s32 $0x1BF5;
	[smem:$0x3FB0] =	sst s0  }
0x18: {  	s0 =	sld [smem:$0x3F93];
	_ =	swait.ge [sflag:s4], $0x0  }
0x19: {  	s7 =	sld [smem:$0x3F94]  }
0x1a: {  	s8 =	sadd.s32 $0xFFFFE003, lr  }
0x1b: {  	s9 =	sadd.s32 $0xFFFFFEF7, lr;
	s5 =	simm.s32 $0xFFFFFFFF;
	p2 =	slt.u32 s8, $0xFFFFF086  }
0x1c: {  	p1 =	slt.u32 s9, $0xF7A;
	s5 =	simm.s32 @!p2 $0x0  }
0x1d: {  	s5 =	simm.s32 @p1 $0x1;
	p0 =	seq.s32 s7, s2  }
0x1e: {  	s7 =	smul.u32 @!p0 $0xF7A, s2;
	p2 =	seq.s32 @!p0 s5, $0x0  }
0x1f: {  	s9 =	smul.u32 $0xF7A, s1;
	s8 =	simm.s32 @!p0 $0x1BF5;
	p2 =	por !p2, p0  }
0x20: {  	[sflag:s8] =	ssyncset.s32 @!p0 $0xFFFFF086;
	s6 =	sadd.s32 @!p0 s3, s7;
	s7 =	simm.s32 @!p0 $0x108  }
0x21: {  	s3 =	sadd.s32 s3, s9;
	s6 =	sadd.s32 @!p0 $0x88, s6;
	s7 =	simm.s32 @p2 $0x1082  }
0x22: {  	[simem:s7], [sflag:s8] =	dma.local @!p0 [hbm:s6], $0xF7A  }
0x23: {  	s9 =	sor.u32 $0xD0000000, s2;
	s6 =	simm.s32 $0x108;
	_ =	swait.ge @!p0 [sflag:s8], $0x0  }
0x24: {  	s3 =	sadd.s32 $0x88, s3;
	s6 =	simm.s32 @!p1 $0x1082;
	[sflag:s4] =	ssyncset.s32 $0xFFFFF086  }
0x25: {  	[simem:s6], [sflag:s4] =	dma.local [hbm:s3], $0xF7A  }
0x26: {  	[smem:$0x3F94] =	sst s1;
	(tag) =	ssettag s2;
	_ =	strace s9  }
0x27: {  	s1 =	sld [smem:$0x3FA4]  }
0x28: {  	s2 =	sld [smem:$0x3FA5]  }
0x29: {  	s4 =	sld [smem:$0x3FA7]  }
0x2a: {  	p0 =	seq.s32 s5, $0x0;
	s5 =	sld [smem:$0x3FA8]  }
0x2b: {  	s6 =	sld [smem:$0x3FA9]  }
0x2c: {  	s7 =	sld [smem:$0x3FAA]  }
0x2d: {  	s3 =	simm.s32 $0x108;
	s8 =	sld [smem:$0x3FAB]  }
0x2e: {  	s3 =	simm.s32 @!p0 $0x1082;
	s9 =	sld [smem:$0x3FAC]  }
0x2f: {  	lr =	sadd.s32 s0, s3;
	s0 =	sld [smem:$0x3FA3]  }
0x30: {  	s3 =	sld [smem:$0x3FA6]  }
0x31: {  	[smem:$0x3FAF] =	sst s10  }
0x32: {  	s10 =	sld [smem:$0x3FAD];
	_ =	sdelay $0x3  }
0x33: {  	p0 =	seq.s32 s10, $0x1;
	s10 =	sld [smem:$0x3FAF];
	_ =	sdelay $0x3  }
0x34: {  	[smem:$0x3FAF] =	sst s10  }
0x35: {  	s10 =	sld [smem:$0x3FAE];
	_ =	sdelay $0x3  }
0x36: {  	p1 =	seq.s32 s10, $0x1;
	s10 =	sld [smem:$0x3FAF];
	_ =	sdelay $0x3  }
0x37: {  	[smem:$0x3FAF] =	sst s10  }
0x38: {  	s10 =	sld [smem:$0x3FB0]  }
0x39: {  	_ = 	snop;
	(pc) =	sbr.ind lr, $3  }
0x3a: {  	_ = 	snop  }
0x3b: {  	_ = 	snop  }
0x3c: {  	p2 =	seq.s32 s10, $0x1;
	s10 =	sld [smem:$0x3FAF]  }
0x3d: {  	_ =	shalt  }
0x3e: {  	_ =	shalt  }
0x3f: {  	_ =	shalt  }
0x40: {  	_ =	shalt  }
0x41: {  	_ =	shalt  }
0x42: {  	_ =	shalt  }
0x43: {  	_ =	shalt  }
0x44: {  	_ =	shalt  }
0x45: {  	_ =	shalt  }
0x46: {  	_ =	shalt  }
0x47: {  	_ =	shalt  }
0x48: {  	_ =	shalt  }
0x49: {  	_ =	shalt  }
0x4a: {  	_ =	shalt  }
0x4b: {  	_ =	shalt  }
0x4c: {  	_ =	shalt  }
0x4d: {  	_ =	shalt  }
0x4e: {  	_ =	shalt  }
0x4f: {  	_ =	shalt  }
0x50: {  	_ =	shalt  }
0x51: {  	_ =	shalt  }
0x52: {  	_ =	shalt  }
0x53: {  	_ =	shalt  }
0x54: {  	_ =	shalt  }
0x55: {  	_ =	shalt  }
0x56: {  	_ =	shalt  }
0x57: {  	_ =	shalt  }
0x58: {  	_ =	shalt  }
0x59: {  	_ =	shalt  }
0x5a: {  	_ =	shalt  }
0x5b: {  	_ =	shalt  }
0x5c: {  	_ =	shalt  }
0x5d: {  	_ =	shalt  }
0x5e: {  	_ =	shalt  }
0x5f: {  	_ =	shalt  }
0x60: {  	_ =	shalt  }
0x61: {  	_ =	shalt  }
0x62: {  	_ =	shalt  }
0x63: {  	_ =	shalt  }
0x64: {  	_ =	shalt  }
0x65: {  	_ =	shalt  }
0x66: {  	_ =	shalt  }
0x67: {  	_ =	shalt  }
0x68: {  	_ =	shalt  }
0x69: {  	_ =	shalt  }
0x6a: {  	_ =	shalt  }
0x6b: {  	_ =	shalt  }
0x6c: {  	_ =	shalt  }
0x6d: {  	_ =	shalt  }
0x6e: {  	_ =	shalt  }
0x6f: {  	_ =	shalt  }
0x70: {  	_ =	shalt  }
0x71: {  	_ =	shalt  }
0x72: {  	_ =	shalt  }
0x73: {  	_ =	shalt  }
0x74: {  	_ =	shalt  }
0x75: {  	_ =	shalt  }
0x76: {  	_ =	shalt  }
0x77: {  	_ =	shalt  }
0x78: {  	_ =	shalt  }
0x79: {  	_ =	shalt  }
0x7a: {  	_ =	shalt  }
0x7b: {  	_ =	shalt  }
0x7c: {  	_ =	shalt  }
0x7d: {  	_ =	shalt  }
0x7e: {  	_ =	shalt  }
0x7f: {  	_ =	shalt  }
0x80: {  	_ =	shalt  }
0x81: {  	_ =	shalt  }
0x82: {  	_ =	shalt  }
0x83: {  	_ =	shalt  }
0x84: {  	_ =	shalt  }
0x85: {  	_ =	shalt  }
0x86: {  	_ =	shalt  }
0x87: {  	_ =	shalt  }
.Lfunc_end0:
.L_simem_size_0:
called_computation.1_lowered:
.L_overlay_start_0:
0x88: {  	s2 =	sld [smem:$0x3FD9]  }
0x89: {  	s3 =	sld [smem:$0x3FFE];
	_ =	sdelay $0x1  }
0x8a: {  	s1 =	srdreg.scid  }
0x8b: {  	s0 =	sand.u32 $0x1, s1  }
0x8c: {  	s16 =	sshll.u32 s0, $0xA;
	s2 =	sadd.s32 s3, s2  }
0x8d: {  	s2 =	sadd.s32 s2, s16  }
0x8e: {  	[smem:$0x3FBB] =	sst s2  }
0x8f: {  	_ = 	snop  }
0x90: {  	(tm) =	ssettm $0x1  }
0x91: {  	s17 =	sld [smem:$0x3FFB];
	_ =	sdelay $0x3  }
0x92: {  	_ =	strace s17  }
0x93: {  	s2 =	sld [smem:$0x3FFC];
	_ =	sdelay $0x3  }
0x94: {  	_ =	strace s2  }
0x95: {  	s2 =	sld [smem:$0x3FFD];
	_ =	sdelay $0x3  }
0x96: {  	_ =	strace s2  }
0x97: {  	_ =	strace $0x8FFFFFFF  }
0x98: {  	s18 =	sld [smem:$0x3FDB];
	_ =	sdelay $0x1  }
0x99: {  	s19 =	simm.s32 $_scs_section_size  }
0x9a: {  	s4 =	simm.s32 $_size__tile_overlayer_lowered;
	s5 =	simm.s32 $_tile_overlayer_lowered  }
0x9b: {  	s22 =	simm.s32 $0x1BFF;
	s21 =	sshll.u32 s5, $0x1;
	s2 =	sadd.s32 s19, s18  }
0x9c: {  	s6 =	simm.s32 $0x0;
	s20 =	sshll.u32 s4, $0x1;
	s4 =	sadd.s32 s21, s2  }
0x9d: {  	[timem:s6], [sflag:s22] =	dma.local [hbm:s4], s20  }
0x9e: {  	_ =	swait.ge [sflag:s22], s20  }
0x9f: {  	s3 =	ssub.s32 $0x0, s20;
	[sflag:s22] =	ssyncset.done $0x0  }
0xa0: {  	[sflag:s22] =	ssyncadd.s32 s3;
	_ =	sdelay $0x1  }
0xa1: {  	s23 =	simm.s32 $0x1B8B  }
0xa2: {  	_ =	swait.ge [sflag:s23], $0x1  }
0xa3: {  	[sflag:s23] =	ssyncset.done $0x0  }
0xa4: {  	s25 =	simm.s32 $0x1B8E;
	s24 =	sld [smem:$0x3FFE];
	[sflag:s23] =	ssyncadd.s32 $0xFFFFFFFF  }
0xa5: {  	s26 =	simm.s32 $execute0_lowered;
	[smem:$0x3FD2] =	sst s25  }
0xa6: {  	s4 =	sshll.u32 s26, $0x1;
	_ =	strace $0x80000049;
	[dreg:$0x1] =	wrdreg $0xFFFFFFFF  }
0xa7: {  	s28 =	simm.s32 $_size_execute0_lowered;
	s2 =	sadd.s32 s2, s4;
	[dreg:$0x0] =	wrdreg $0x0  }
0xa8: {  	s4 =	sshll.u32 s28, $0x1;
	[dreg:$0x2] =	wrdreg s2  }
0xa9: {  	[dreg:$0x3] =	wrdreg s4  }
0xaa: {  	[dreg:$0x4] =	wrdreg $0xC0  }
0xab: {  	_ =	task [dreg:s6], $0x5FFFF  }
0xac: {  	[dreg:$0x1] =	wrdreg $0xFFFFFFFF  }
0xad: {  	[dreg:$0x0] =	wrdreg $0x60  }
0xae: {  	[dreg:$0x2] =	wrdreg s24  }
0xaf: {  	[dreg:$0x3] =	wrdreg $0x0  }
0xb0: {  	[dreg:$0x4] =	wrdreg $0x9  }
0xb1: {  	_ =	task.clear_ibuf [dreg:s6], $0x5FFFF;
	_ =	strace $0x90000049  }
0xb2: {  	s29 =	simm.s32 $0x9;
	_ =	strace $0x8000004B  }
0xb3: {  	_ =	swait.ge [sflag:s29], $0x1  }
0xb4: {  	[sflag:s29] =	ssyncadd.s32 $0xFFFFFFFF  }
0xb5: {  	_ =	strace $0x9000004B  }
0xb6: {  	_ =	sfence  }
0xb7: {  	s30 =	sld [smem:$0x0];
	_ =	sdelay $0x2  }
0xb8: {  	s31 =	sshll.u32 s1, $0xD;
	s1 =	sshrl.u32 s1, $0x2  }
0xb9: {  	s3 =	sand.u32 $0x4000, s31;
	s1 =	sadd.s32 s1, s30  }
0xba: {  	s0 =	sor.u32 s3, s0;
	s1 =	sshll.u32 s1, $0x11  }
0xbb: {  	s0 =	sor.u32 s1, s0  }
0xbc: {  	s0 =	sadd.s32 $0x8F2B, s0  }
0xbd: {  	[sflag:s0] =	ssyncadd.remote.s32 $0x1  }
0xbe: {  	_ =	sfence.sel $0xFFFF  }
0xbf: {  	[dreg:$0x0] =	wrdreg $0xFFFFFFFF;
	(pc) =	sbr.abs _section_cstart, $3  }
0xc0: {  	[dreg:$0x1] =	wrdreg $0xFFFFFFFF  }
0xc1: {  	_ =	task.clear_ibuf [dreg:s6], $0x2FFFF;
	_ =	strace $0x9FFFFFFF  }
0xc2: {  	(tm) =	ssettm $0x7FFFFFFF  }
0xc3: {  	_ =	shalt  }
tec
execute0_lowered:
.L_overlay_start_1:
0x0: {  	(tag) =	ssettag $0x1  }
0x1: {  	s6 =	rddreg [dreg:$0x0]  }
0x2: {  	s1 =	rddreg [dreg:$0x1];
	s2 =	srdreg.scid  }
0x3: {  	s0 =	rddreg [dreg:$0x2];
	s3 =	simm.s32 $0x0;
	s15 =	simm.s32 $0x15400  }
0x4: {  	s16 =	simm.s32 $0x7D;
	s17 =	simm.s32 $0x16800;
	s18 =	simm.s32 $0x1  }
0x5: {  	s19 =	simm.s32 $0x1A800;
	s20 =	simm.s32 $0x2;
	s7 =	sand.u32 $0x1, s2  }
0x6: {  	s21 =	simm.s32 $0x15380;
	s2 =	stileid.u32;
	s4 =	smul.u32 $0x28000, s7  }
0x7: {  	s22 =	simm.s32 $0x16700;
	s23 =	simm.s32 $0x16780;
	s8 =	smul.u32 $0x14000, s2  }
0x8: {  	[smem:$0x7FF] =	sst s3;
	s5 =	sadd.s32 $0x3600, s6;
	s9 =	smul.u32 $0x140000, s7  }
0x9: {  	_ =	strace $0x8000004A;
	s28 =	smul.u32 $0x50000, s2;
	s7 =	ssub.s32 $0x2, s7  }
0xa: {  	s31 =	sshll.u32 s2, $0x6;
	s29 =	sshrl.u32 s7, $0x1;
	s10 =	sadd.s32 s4, s6  }
0xb: {  	s4 =	sadd.s32 $0x18600, s6;
	s11 =	sshrl.u32 s8, $0x3;
	s8 =	sadd.s32 s8, s9  }
0xc: {  	s30 =	sshrl.u32 s28, $0x2;
	s13 =	ssub.s32 s7, s29;
	s7 =	sor.u32 $0x1C03, s31  }
0xd: {  	s11 =	sadd.s32 s11, s6;
	s8 =	sshrl.u32 s8, $0x3;
	s14 =	sadd.s32 s30, s1  }
0xe: {  	s9 =	sadd.s32 $0x2C600, s10;
	s12 =	sadd.s32 s8, s6;
	s6 =	sadd.s32 $0xA4600, s11  }
0xf: {  	s8 =	sshll.u32 s2, $0x3;
	s11 =	smax.u32 s13, $0x1;
	s13 =	simm.s32 $0x3  }
0x10: {  	s10 =	sadd.s32 $0xCC600, s12;
	s12 =	sshrl.u32 s14, $0x3;
	s14 =	simm.s32 $0x14000  }
.LBB2_1:
0x11: {  	[spmem:s12], [sflag:s7] =	dma.local [hbm:s6], $0x2800  }
0x12: {  	_ =	swait.ge [sflag:s13], $0x2800  }
0x13: {  	[sflag:s13] =	ssyncset.done $0x0  }
0x14: {  	[sflag:s13] =	ssyncadd.s32 $0xFFFFD800  }
0x15: {  	s24 =	simm.s32 $0x0;
	[bflag:$0x0] =	sbarrier.arrive $0xFFFF  }
.LBB2_2:
0x16: {  	s25 =	sadd.s32 s8, s24  }
0x17: {  	s25 =	smul.u32 $0x280, s25;
	_ =	sdelay $0x1  }
0x18: {  	s28 =	simm.s32 $0x0;
	s26 =	sadd.s32 s4, s25  }
0x19: {  	[tilespmem:s14], [sflag:$0x3] =	stream.linear.gather [hbm4b:s26+s28], $0x1400, $0x38;
	[tilespmem:$0x1E800] =	vst v63  }
0x1a: {  	_ =	swait.ge [sflag:s13], $0x1400  }
0x1b: {  	[sflag:s13] =	ssyncset.done $0x0  }
0x1c: {  	s25 =	sadd.s32 s5, s25;
	[sflag:s13] =	ssyncadd.s32 $0xFFFFEC00  }
0x1d: {  	[tilespmem:s15], [sflag:$0x3] =	stream.linear.gather [hbm4b:s25+s28], $0x1400, $0x38;
	[tilespmem:$0x1E800] =	vst v63  }
0x1e: {  	_ =	swait.ge [sflag:s13], $0x1400  }
0x1f: {  	[sflag:s13] =	ssyncset.done $0x0  }
0x20: {  	[sflag:s13] =	ssyncadd.s32 $0xFFFFEC00  }
0x21: {  	[tilespmem:s17], [sflag:$0x1] =	stream.indirect.gather [hbm4b:s9+s16], $0x80, s14, s16, $0xb8;
	[tilespmem:$0x1E800] =	vst v63  }
0x22: {  	_ =	swait.ge [sflag:s18], $0x3E80  }
0x23: {  	[sflag:s18] =	ssyncset.done $0x0  }
0x24: {  	s28 =	simm.s32 $0x14080;
	[sflag:s18] =	ssyncadd.s32 $0xFFFFC180  }
0x25: {  	[tilespmem:s19], [sflag:$0x2] =	stream.indirect.gather [hbm4b:s9+s16], $0x80, s28, s16, $0xb8;
	[tilespmem:$0x1E800] =	vst v63  }
0x26: {  	s29 =	simm.s32 $0x15400  }
0x27: {  	[spmem:s1] =	stream.indirect.scatter.add.f32 [tilespmem:s17], [sflag:$0x3], $0x80, s29, s16, $0xb8;
	[tilespmem:$0x1E800] =	vst v63  }
0x28: {  	_ =	swait.ge [sflag:s13], $0x3E80  }
0x29: {  	[sflag:s13] =	ssyncset.done $0x0  }
0x2a: {  	s30 =	simm.s32 $0x14100;
	[sflag:s13] =	ssyncadd.s32 $0xFFFFC180  }
0x2b: {  	[tilespmem:s17], [sflag:$0x1] =	stream.indirect.gather [hbm4b:s9+s16], $0x80, s30, s16, $0xb8;
	[tilespmem:$0x1E800] =	vst v63  }
0x2c: {  	_ =	swait.ge [sflag:s20], $0x3E80  }
0x2d: {  	[sflag:s20] =	ssyncset.done $0x0  }
0x2e: {  	s31 =	simm.s32 $0x15480;
	[sflag:s20] =	ssyncadd.s32 $0xFFFFC180  }
0x2f: {  	[spmem:s1] =	stream.indirect.scatter.add.f32 [tilespmem:s19], [sflag:$0x3], $0x80, s31, s16, $0xb8;
	[tilespmem:$0x1E800] =	vst v63  }
0x30: {  	_ =	swait.ge [sflag:s13], $0x3E80  }
0x31: {  	s25 =	simm.s32 $0x400;
	[sflag:s13] =	ssyncset.done $0x0  }
.LBB2_3:
0x32: {  	p0 =	sne.s32 s25, $0x4800  }
0x33: {  	[sflag:s13] =	ssyncadd.s32 $0xFFFFC180;
	s26 =	smov.u32 s25;
	s25 =	sadd.s32 $0x400, s25  }
0x34: {  	_ =	swait.ge [sflag:s18], $0x3E80  }
0x35: {  	s26 =	sshra.s32 s26, $0x2;
	[sflag:s18] =	ssyncset.done $0x0  }
0x36: {  	s28 =	sadd.s32 $0x14080, s26;
	[sflag:s18] =	ssyncadd.s32 $0xFFFFC180  }
0x37: {  	[tilespmem:s19], [sflag:$0x2] =	stream.indirect.gather [hbm4b:s9+s16], $0x80, s28, s16, $0xb8;
	[tilespmem:$0x1E800] =	vst v63  }
0x38: {  	s28 =	sadd.s32 $0x15400, s26  }
0x39: {  	[spmem:s1] =	stream.indirect.scatter.add.f32 [tilespmem:s17], [sflag:$0x3], $0x80, s28, s16, $0xb8;
	[tilespmem:$0x1E800] =	vst v63  }
0x3a: {  	_ =	swait.ge [sflag:s13], $0x3E80  }
0x3b: {  	[sflag:s13] =	ssyncset.done $0x0  }
0x3c: {  	s28 =	sadd.s32 $0x14100, s26;
	[sflag:s13] =	ssyncadd.s32 $0xFFFFC180  }
0x3d: {  	[tilespmem:s17], [sflag:$0x1] =	stream.indirect.gather [hbm4b:s9+s16], $0x80, s28, s16, $0xb8;
	[tilespmem:$0x1E800] =	vst v63  }
0x3e: {  	_ =	swait.ge [sflag:s20], $0x3E80  }
.Ltmp0:
0x3f: {  	[sflag:s20] =	ssyncset.done $0x0;
	(pc) =	sbr.rel @p0 .LBB2_3-.Ltmp0, $4  }
0x40: {  	s26 =	sadd.s32 $0x15480, s26;
	[sflag:s20] =	ssyncadd.s32 $0xFFFFC180  }
0x41: {  	[spmem:s1] =	stream.indirect.scatter.add.f32 [tilespmem:s19], [sflag:$0x3], $0x80, s26, s16, $0xb8;
	[tilespmem:$0x1E800] =	vst v63  }
0x42: {  	_ =	swait.ge [sflag:s13], $0x3E80  }
0x43: {  	[sflag:s13] =	ssyncset.done $0x0  }
0x44: {  	[sflag:s13] =	ssyncadd.s32 $0xFFFFC180  }
0x45: {  	_ =	swait.ge [sflag:s18], $0x3E80  }
0x46: {  	[sflag:s18] =	ssyncset.done $0x0  }
0x47: {  	[sflag:s18] =	ssyncadd.s32 $0xFFFFC180  }
0x48: {  	[tilespmem:s19], [sflag:$0x2] =	stream.indirect.gather [hbm4b:s9+s16], $0x80, s21, s16, $0xb8;
	[tilespmem:$0x1E800] =	vst v63  }
0x49: {  	_ = 	snop  }
0x4a: {  	[spmem:s1] =	stream.indirect.scatter.add.f32 [tilespmem:s17], [sflag:$0x3], $0x80, s22, s16, $0xb8;
	[tilespmem:$0x1E800] =	vst v63  }
0x4b: {  	_ =	swait.ge [sflag:s13], $0x3E80  }
0x4c: {  	[sflag:s13] =	ssyncset.done $0x0  }
0x4d: {  	[sflag:s13] =	ssyncadd.s32 $0xFFFFC180  }
0x4e: {  	s24 =	sadd.s32 $0x1, s24;
	_ =	swait.ge [sflag:s20], $0x3E80  }
0x4f: {  	p0 =	sne.s32 s24, $0x8;
	[sflag:s20] =	ssyncset.done $0x0  }
.Ltmp1:
0x50: {  	[sflag:s20] =	ssyncadd.s32 $0xFFFFC180;
	(pc) =	sbr.rel @p0 .LBB2_2-.Ltmp1, $4  }
0x51: {  	[spmem:s1] =	stream.indirect.scatter.add.f32 [tilespmem:s19], [sflag:$0x3], $0x80, s23, s16, $0xb8;
	[tilespmem:$0x1E800] =	vst v63  }
0x52: {  	_ =	swait.ge [sflag:s13], $0x3E80  }
0x53: {  	[sflag:s13] =	ssyncset.done $0x0  }
0x54: {  	[sflag:s13] =	ssyncadd.s32 $0xFFFFC180  }
0x55: {  	s3 =	sadd.s32 $0x1, s3  }
0x56: {  	p0 =	sne.s32 s3, s11  }
.Ltmp2:
0x57: {  	[bflag:$0x0] =	sbarrier.arrive $0xFFFF;
	(pc) =	sbr.rel @p0 .LBB2_1-.Ltmp2, $4  }
0x58: {  	[hbm:s10], [sflag:s7] =	dma.local [spmem:s12], $0x2800  }
0x59: {  	_ =	swait.ge [sflag:s13], $0x2800  }
0x5a: {  	[sflag:s13] =	ssyncset.done $0x0  }
0x5b: {  	[sflag:s13] =	ssyncadd.s32 $0xFFFFD800  }
0x5c: {  	_ =	sfence.sel $0x180000  }
0x5d: {  	[bflag:$0x0] =	sbarrier.arrive $0xFFFF  }
0x5e: {  	p0 =	sne.s32 s2, $0x0;
	_ =	strace $0x9000004A  }
0x5f: {  	s0 =	sadd.s32 @!p0 $0x100000, s0;
	[bflag:$0x2] =	sbarrier.arrive $0xFFFF  }
0x60: {  	[sflag:s0] =	ssyncadd.tile.s32 @!p0 $0x1;
	_ =	shalt  }
.Lfunc_end2:
_tile_overlayer_lowered:
.L_overlay_start_2:
0x61: {  	(tag) =	ssettag $0x2  }
0x62: {  	s0 =	rddreg [dreg:$0x0];
	s2 =	stileid.u32  }
0x63: {  	s1 =	rddreg [dreg:$0x1];
	p0 =	sne.s32 s2, $0x0  }
0x64: {  	s3 =	rddreg [dreg:$0x2];
	[bflag:$0x3] =	sbarrier.arrive $0xFFFF;
	s2 =	simm.s32 @!p0 $0x1C03  }
0x65: {  	[timem:s3], [sflag:s2] =	dma.local @!p0 [hbm:s0], s1  }
0x66: {  	s0 =	simm.s32 @!p0 $0x3  }
0x67: {  	_ =	swait.ge @!p0 [sflag:s0], s1  }
0x68: {  	s1 =	ssub.s32 @!p0 $0x0, s1;
	[sflag:s0] =	ssyncset.done @!p0 $0x0  }
0x69: {  	[sflag:s0] =	ssyncadd.s32 @!p0 s1  }
0x6a: {  	[bflag:$0x3] =	sbarrier.arrive $0xFFFF  }
0x6b: {  	_ =	shalt  }

// kernel: kernel.15.cloned.1.call-start
scs
__scs_entry_jumppad:
0x0: {  	(pc) =	sbr.rel $0x88, $3  }
0x1: {  	(tag) =	ssettag $0x0;
	lr =	simm.s32 $0x1  }
0x2: {  	[smem:$0x3F94] =	sst lr;
	_ =	strace $0xD0000000  }
0x3: {  	_ = 	snop  }
0x4: {  	_ = 	snop  }
0x5: {  	_ = 	snop  }
0x6: {  	_ = 	snop  }
0x7: {  	_ = 	snop  }
__scs_overlays_trampoline_lowered:
0x8: {  	[smem:$0x3FA3] =	sst s0  }
0x9: {  	[smem:$0x3FA4] =	sst s1  }
0xa: {  	[smem:$0x3FA5] =	sst s2  }
0xb: {  	[smem:$0x3FA6] =	sst s3  }
0xc: {  	[smem:$0x3FA7] =	sst s4  }
0xd: {  	[smem:$0x3FA8] =	sst s5  }
0xe: {  	[smem:$0x3FA9] =	sst s6  }
0xf: {  	[smem:$0x3FAA] =	sst s7  }
0x10: {  	[smem:$0x3FAB] =	sst s8  }
0x11: {  	[smem:$0x3FAC] =	sst s9;
	s0 =	simm.s32 @!p0 $0x0  }
0x12: {  	s1 =	sld [smem:$0x3F92];
	s0 =	simm.s32 @p0 $0x1  }
0x13: {  	[smem:$0x3FAD] =	sst s0;
	s0 =	simm.s32 @!p1 $0x0  }
0x14: {  	s2 =	sld [smem:$0x3F91];
	s0 =	simm.s32 @p1 $0x1  }
0x15: {  	[smem:$0x3FAE] =	sst s0;
	s0 =	simm.s32 @!p2 $0x0  }
0x16: {  	s3 =	sld [smem:$0x3FDB];
	s0 =	simm.s32 @p2 $0x1  }
0x17: {  	s4 =	simm.s32 $0x1BF5;
	[smem:$0x3FB0] =	sst s0  }
0x18: {  	s0 =	sld [smem:$0x3F93];
	_ =	swait.ge [sflag:s4], $0x0  }
0x19: {  	s7 =	sld [smem:$0x3F94]  }
0x1a: {  	s8 =	sadd.s32 $0xFFFFE003, lr  }
0x1b: {  	s9 =	sadd.s32 $0xFFFFFEF7, lr;
	s5 =	simm.s32 $0xFFFFFFFF;
	p2 =	slt.u32 s8, $0xFFFFF086  }
0x1c: {  	p1 =	slt.u32 s9, $0xF7A;
	s5 =	simm.s32 @!p2 $0x0  }
0x1d: {  	s5 =	simm.s32 @p1 $0x1;
	p0 =	seq.s32 s7, s2  }
0x1e: {  	s7 =	smul.u32 @!p0 $0xF7A, s2;
	p2 =	seq.s32 @!p0 s5, $0x0  }
0x1f: {  	s9 =	smul.u32 $0xF7A, s1;
	s8 =	simm.s32 @!p0 $0x1BF5;
	p2 =	por !p2, p0  }
0x20: {  	[sflag:s8] =	ssyncset.s32 @!p0 $0xFFFFF086;
	s6 =	sadd.s32 @!p0 s3, s7;
	s7 =	simm.s32 @!p0 $0x108  }
0x21: {  	s3 =	sadd.s32 s3, s9;
	s6 =	sadd.s32 @!p0 $0x88, s6;
	s7 =	simm.s32 @p2 $0x1082  }
0x22: {  	[simem:s7], [sflag:s8] =	dma.local @!p0 [hbm:s6], $0xF7A  }
0x23: {  	s9 =	sor.u32 $0xD0000000, s2;
	s6 =	simm.s32 $0x108;
	_ =	swait.ge @!p0 [sflag:s8], $0x0  }
0x24: {  	s3 =	sadd.s32 $0x88, s3;
	s6 =	simm.s32 @!p1 $0x1082;
	[sflag:s4] =	ssyncset.s32 $0xFFFFF086  }
0x25: {  	[simem:s6], [sflag:s4] =	dma.local [hbm:s3], $0xF7A  }
0x26: {  	[smem:$0x3F94] =	sst s1;
	(tag) =	ssettag s2;
	_ =	strace s9  }
0x27: {  	s1 =	sld [smem:$0x3FA4]  }
0x28: {  	s2 =	sld [smem:$0x3FA5]  }
0x29: {  	s4 =	sld [smem:$0x3FA7]  }
0x2a: {  	p0 =	seq.s32 s5, $0x0;
	s5 =	sld [smem:$0x3FA8]  }
0x2b: {  	s6 =	sld [smem:$0x3FA9]  }
0x2c: {  	s7 =	sld [smem:$0x3FAA]  }
0x2d: {  	s3 =	simm.s32 $0x108;
	s8 =	sld [smem:$0x3FAB]  }
0x2e: {  	s3 =	simm.s32 @!p0 $0x1082;
	s9 =	sld [smem:$0x3FAC]  }
0x2f: {  	lr =	sadd.s32 s0, s3;
	s0 =	sld [smem:$0x3FA3]  }
0x30: {  	s3 =	sld [smem:$0x3FA6]  }
0x31: {  	[smem:$0x3FAF] =	sst s10  }
0x32: {  	s10 =	sld [smem:$0x3FAD];
	_ =	sdelay $0x3  }
0x33: {  	p0 =	seq.s32 s10, $0x1;
	s10 =	sld [smem:$0x3FAF];
	_ =	sdelay $0x3  }
0x34: {  	[smem:$0x3FAF] =	sst s10  }
0x35: {  	s10 =	sld [smem:$0x3FAE];
	_ =	sdelay $0x3  }
0x36: {  	p1 =	seq.s32 s10, $0x1;
	s10 =	sld [smem:$0x3FAF];
	_ =	sdelay $0x3  }
0x37: {  	[smem:$0x3FAF] =	sst s10  }
0x38: {  	s10 =	sld [smem:$0x3FB0]  }
0x39: {  	_ = 	snop;
	(pc) =	sbr.ind lr, $3  }
0x3a: {  	_ = 	snop  }
0x3b: {  	_ = 	snop  }
0x3c: {  	p2 =	seq.s32 s10, $0x1;
	s10 =	sld [smem:$0x3FAF]  }
0x3d: {  	_ =	shalt  }
0x3e: {  	_ =	shalt  }
0x3f: {  	_ =	shalt  }
0x40: {  	_ =	shalt  }
0x41: {  	_ =	shalt  }
0x42: {  	_ =	shalt  }
0x43: {  	_ =	shalt  }
0x44: {  	_ =	shalt  }
0x45: {  	_ =	shalt  }
0x46: {  	_ =	shalt  }
0x47: {  	_ =	shalt  }
0x48: {  	_ =	shalt  }
0x49: {  	_ =	shalt  }
0x4a: {  	_ =	shalt  }
0x4b: {  	_ =	shalt  }
0x4c: {  	_ =	shalt  }
0x4d: {  	_ =	shalt  }
0x4e: {  	_ =	shalt  }
0x4f: {  	_ =	shalt  }
0x50: {  	_ =	shalt  }
0x51: {  	_ =	shalt  }
0x52: {  	_ =	shalt  }
0x53: {  	_ =	shalt  }
0x54: {  	_ =	shalt  }
0x55: {  	_ =	shalt  }
0x56: {  	_ =	shalt  }
0x57: {  	_ =	shalt  }
0x58: {  	_ =	shalt  }
0x59: {  	_ =	shalt  }
0x5a: {  	_ =	shalt  }
0x5b: {  	_ =	shalt  }
0x5c: {  	_ =	shalt  }
0x5d: {  	_ =	shalt  }
0x5e: {  	_ =	shalt  }
0x5f: {  	_ =	shalt  }
0x60: {  	_ =	shalt  }
0x61: {  	_ =	shalt  }
0x62: {  	_ =	shalt  }
0x63: {  	_ =	shalt  }
0x64: {  	_ =	shalt  }
0x65: {  	_ =	shalt  }
0x66: {  	_ =	shalt  }
0x67: {  	_ =	shalt  }
0x68: {  	_ =	shalt  }
0x69: {  	_ =	shalt  }
0x6a: {  	_ =	shalt  }
0x6b: {  	_ =	shalt  }
0x6c: {  	_ =	shalt  }
0x6d: {  	_ =	shalt  }
0x6e: {  	_ =	shalt  }
0x6f: {  	_ =	shalt  }
0x70: {  	_ =	shalt  }
0x71: {  	_ =	shalt  }
0x72: {  	_ =	shalt  }
0x73: {  	_ =	shalt  }
0x74: {  	_ =	shalt  }
0x75: {  	_ =	shalt  }
0x76: {  	_ =	shalt  }
0x77: {  	_ =	shalt  }
0x78: {  	_ =	shalt  }
0x79: {  	_ =	shalt  }
0x7a: {  	_ =	shalt  }
0x7b: {  	_ =	shalt  }
0x7c: {  	_ =	shalt  }
0x7d: {  	_ =	shalt  }
0x7e: {  	_ =	shalt  }
0x7f: {  	_ =	shalt  }
0x80: {  	_ =	shalt  }
0x81: {  	_ =	shalt  }
0x82: {  	_ =	shalt  }
0x83: {  	_ =	shalt  }
0x84: {  	_ =	shalt  }
0x85: {  	_ =	shalt  }
0x86: {  	_ =	shalt  }
0x87: {  	_ =	shalt  }
.Lfunc_end0:
.L_simem_size_0:
called_computation.2_lowered:
.L_overlay_start_0:
0x88: {  	s2 =	sld [smem:$0x3FD9]  }
0x89: {  	s3 =	sld [smem:$0x3FFE];
	_ =	sdelay $0x1  }
0x8a: {  	s1 =	srdreg.scid  }
0x8b: {  	s0 =	sand.u32 $0x1, s1  }
0x8c: {  	s16 =	sshll.u32 s0, $0xA;
	s2 =	sadd.s32 s3, s2  }
0x8d: {  	s2 =	sadd.s32 s2, s16  }
0x8e: {  	[smem:$0x3FBB] =	sst s2  }
0x8f: {  	_ = 	snop  }
0x90: {  	(tm) =	ssettm $0x1  }
0x91: {  	s17 =	sld [smem:$0x3FFB];
	_ =	sdelay $0x3  }
0x92: {  	_ =	strace s17  }
0x93: {  	s2 =	sld [smem:$0x3FFC];
	_ =	sdelay $0x3  }
0x94: {  	_ =	strace s2  }
0x95: {  	s2 =	sld [smem:$0x3FFD];
	_ =	sdelay $0x3  }
0x96: {  	_ =	strace s2  }
0x97: {  	_ =	strace $0x8FFFFFFF  }
0x98: {  	s18 =	sld [smem:$0x3FDB];
	_ =	sdelay $0x1  }
0x99: {  	s19 =	simm.s32 $_scs_section_size  }
0x9a: {  	s4 =	simm.s32 $_size__tile_overlayer_lowered;
	s5 =	simm.s32 $_tile_overlayer_lowered  }
0x9b: {  	s22 =	simm.s32 $0x1BFF;
	s21 =	sshll.u32 s5, $0x1;
	s2 =	sadd.s32 s19, s18  }
0x9c: {  	s6 =	simm.s32 $0x0;
	s20 =	sshll.u32 s4, $0x1;
	s4 =	sadd.s32 s21, s2  }
0x9d: {  	[timem:s6], [sflag:s22] =	dma.local [hbm:s4], s20  }
0x9e: {  	_ =	swait.ge [sflag:s22], s20  }
0x9f: {  	s3 =	ssub.s32 $0x0, s20;
	[sflag:s22] =	ssyncset.done $0x0  }
0xa0: {  	[sflag:s22] =	ssyncadd.s32 s3;
	_ =	sdelay $0x1  }
0xa1: {  	s23 =	simm.s32 $0x1B8B  }
0xa2: {  	_ =	swait.ge [sflag:s23], $0x1  }
0xa3: {  	[sflag:s23] =	ssyncset.done $0x0  }
0xa4: {  	s25 =	simm.s32 $0x1B8E;
	s24 =	sld [smem:$0x3FFE];
	[sflag:s23] =	ssyncadd.s32 $0xFFFFFFFF  }
0xa5: {  	s26 =	simm.s32 $execute0_lowered;
	[smem:$0x3FD2] =	sst s25  }
0xa6: {  	s4 =	sshll.u32 s26, $0x1;
	_ =	strace $0x8000004C;
	[dreg:$0x1] =	wrdreg $0xFFFFFFFF  }
0xa7: {  	s28 =	simm.s32 $_size_execute0_lowered;
	s2 =	sadd.s32 s2, s4;
	[dreg:$0x0] =	wrdreg $0x0  }
0xa8: {  	s4 =	sshll.u32 s28, $0x1;
	[dreg:$0x2] =	wrdreg s2  }
0xa9: {  	[dreg:$0x3] =	wrdreg s4  }
0xaa: {  	[dreg:$0x4] =	wrdreg $0xC0  }
0xab: {  	_ =	task [dreg:s6], $0x5FFFF  }
0xac: {  	[dreg:$0x1] =	wrdreg $0xFFFFFFFF  }
0xad: {  	[dreg:$0x0] =	wrdreg $0x60  }
0xae: {  	[dreg:$0x2] =	wrdreg s24  }
0xaf: {  	[dreg:$0x3] =	wrdreg $0x0  }
0xb0: {  	[dreg:$0x4] =	wrdreg $0x9  }
0xb1: {  	_ =	task.clear_ibuf [dreg:s6], $0x5FFFF;
	_ =	strace $0x9000004C  }
0xb2: {  	s29 =	simm.s32 $0x9;
	_ =	strace $0x8000004E  }
0xb3: {  	_ =	swait.ge [sflag:s29], $0x1  }
0xb4: {  	[sflag:s29] =	ssyncadd.s32 $0xFFFFFFFF  }
0xb5: {  	_ =	strace $0x9000004E  }
0xb6: {  	_ =	sfence  }
0xb7: {  	s30 =	sld [smem:$0x0];
	_ =	sdelay $0x2  }
0xb8: {  	s31 =	sshll.u32 s1, $0xD;
	s1 =	sshrl.u32 s1, $0x2  }
0xb9: {  	s3 =	sand.u32 $0x4000, s31;
	s1 =	sadd.s32 s1, s30  }
0xba: {  	s0 =	sor.u32 s3, s0;
	s1 =	sshll.u32 s1, $0x11  }
0xbb: {  	s0 =	sor.u32 s1, s0  }
0xbc: {  	s0 =	sadd.s32 $0x8F2B, s0  }
0xbd: {  	[sflag:s0] =	ssyncadd.remote.s32 $0x1  }
0xbe: {  	_ =	sfence.sel $0xFFFF  }
0xbf: {  	[dreg:$0x0] =	wrdreg $0xFFFFFFFF;
	(pc) =	sbr.abs _section_cstart, $3  }
0xc0: {  	[dreg:$0x1] =	wrdreg $0xFFFFFFFF  }
0xc1: {  	_ =	task.clear_ibuf [dreg:s6], $0x2FFFF;
	_ =	strace $0x9FFFFFFF  }
0xc2: {  	(tm) =	ssettm $0x7FFFFFFF  }
0xc3: {  	_ =	shalt  }
tec
execute0_lowered:
.L_overlay_start_1:
0x0: {  	(tag) =	ssettag $0x1  }
0x1: {  	s7 =	rddreg [dreg:$0x0]  }
0x2: {  	s2 =	rddreg [dreg:$0x1]  }
0x3: {  	s0 =	rddreg [dreg:$0x2]  }
0x4: {  	s3 =	simm.s32 $0x0;
	s1 =	stileid.u32;
	s4 =	srdreg.scid  }
0x5: {  	s15 =	simm.s32 $0x15400;
	s16 =	simm.s32 $0x7D;
	s17 =	simm.s32 $0x16800  }
0x6: {  	s18 =	simm.s32 $0x1;
	s19 =	simm.s32 $0x1A800;
	s20 =	simm.s32 $0x2  }
0x7: {  	s21 =	simm.s32 $0x15380;
	s22 =	simm.s32 $0x16700;
	s23 =	simm.s32 $0x16780  }
0x8: {  	[smem:$0x7FF] =	sst s3;
	s8 =	smul.u32 $0x14000, s1;
	s9 =	sand.u32 $0x1, s4  }
0x9: {  	s4 =	sadd.s32 $0x2C600, s7;
	s5 =	sadd.s32 $0x18600, s7;
	s6 =	sadd.s32 $0x3600, s7  }
0xa: {  	s12 =	smul.u32 $0x50000, s1;
	s30 =	sshll.u32 s1, $0x6;
	s31 =	sshll.u32 s1, $0x2  }
0xb: {  	_ =	strace $0x8000004D;
	s10 =	smul.u32 $0x140000, s9;
	s28 =	ssub.s32 $0x2, s9  }
0xc: {  	s9 =	sshll.u32 s9, $0x6;
	s11 =	sshrl.u32 s8, $0x3;
	s13 =	sshrl.u32 s28, $0x1  }
0xd: {  	s29 =	sshrl.u32 s12, $0x2;
	s9 =	sor.u32 s31, s9;
	s8 =	sadd.s32 s8, s10  }
0xe: {  	s11 =	sadd.s32 s11, s7;
	s12 =	sadd.s32 s29, s2;
	s8 =	sshrl.u32 s8, $0x3  }
0xf: {  	s13 =	ssub.s32 s28, s13;
	s12 =	sshrl.u32 s12, $0x3;
	s14 =	sadd.s32 s8, s7  }
0x10: {  	s7 =	sadd.s32 $0xA4600, s11;
	s8 =	sor.u32 $0x1C03, s30;
	s11 =	smax.u32 s13, $0x1  }
0x11: {  	s13 =	simm.s32 $0x3;
	s10 =	sadd.s32 $0xCC600, s14;
	s14 =	simm.s32 $0x14000  }
.LBB2_1:
0x12: {  	[spmem:s12], [sflag:s8] =	dma.local [hbm:s7], $0x2800  }
0x13: {  	_ =	swait.ge [sflag:s13], $0x2800  }
0x14: {  	[sflag:s13] =	ssyncset.done $0x0  }
0x15: {  	[sflag:s13] =	ssyncadd.s32 $0xFFFFD800  }
0x16: {  	s24 =	simm.s32 $0x0;
	[bflag:$0x0] =	sbarrier.arrive $0xFFFF  }
.LBB2_2:
0x17: {  	s25 =	sadd.s32 s9, s24  }
0x18: {  	s25 =	smul.u32 $0x280, s25;
	_ =	sdelay $0x1  }
0x19: {  	s28 =	simm.s32 $0x0;
	s26 =	sadd.s32 s5, s25  }
0x1a: {  	[tilespmem:s14], [sflag:$0x3] =	stream.linear.gather [hbm4b:s26+s28], $0x1400, $0x38;
	[tilespmem:$0x1E800] =	vst v63  }
0x1b: {  	_ =	swait.ge [sflag:s13], $0x1400  }
0x1c: {  	[sflag:s13] =	ssyncset.done $0x0  }
0x1d: {  	s25 =	sadd.s32 s6, s25;
	[sflag:s13] =	ssyncadd.s32 $0xFFFFEC00  }
0x1e: {  	[tilespmem:s15], [sflag:$0x3] =	stream.linear.gather [hbm4b:s25+s28], $0x1400, $0x38;
	[tilespmem:$0x1E800] =	vst v63  }
0x1f: {  	_ =	swait.ge [sflag:s13], $0x1400  }
0x20: {  	[sflag:s13] =	ssyncset.done $0x0  }
0x21: {  	[sflag:s13] =	ssyncadd.s32 $0xFFFFEC00  }
0x22: {  	[tilespmem:s17], [sflag:$0x1] =	stream.indirect.gather [hbm4b:s4+s16], $0x80, s14, s16, $0xb8;
	[tilespmem:$0x1E800] =	vst v63  }
0x23: {  	_ =	swait.ge [sflag:s18], $0x3E80  }
0x24: {  	[sflag:s18] =	ssyncset.done $0x0  }
0x25: {  	s28 =	simm.s32 $0x14080;
	[sflag:s18] =	ssyncadd.s32 $0xFFFFC180  }
0x26: {  	[tilespmem:s19], [sflag:$0x2] =	stream.indirect.gather [hbm4b:s4+s16], $0x80, s28, s16, $0xb8;
	[tilespmem:$0x1E800] =	vst v63  }
0x27: {  	s29 =	simm.s32 $0x15400  }
0x28: {  	[spmem:s2] =	stream.indirect.scatter.add.f32 [tilespmem:s17], [sflag:$0x3], $0x80, s29, s16, $0xb8;
	[tilespmem:$0x1E800] =	vst v63  }
0x29: {  	_ =	swait.ge [sflag:s13], $0x3E80  }
0x2a: {  	[sflag:s13] =	ssyncset.done $0x0  }
0x2b: {  	s30 =	simm.s32 $0x14100;
	[sflag:s13] =	ssyncadd.s32 $0xFFFFC180  }
0x2c: {  	[tilespmem:s17], [sflag:$0x1] =	stream.indirect.gather [hbm4b:s4+s16], $0x80, s30, s16, $0xb8;
	[tilespmem:$0x1E800] =	vst v63  }
0x2d: {  	_ =	swait.ge [sflag:s20], $0x3E80  }
0x2e: {  	[sflag:s20] =	ssyncset.done $0x0  }
0x2f: {  	s31 =	simm.s32 $0x15480;
	[sflag:s20] =	ssyncadd.s32 $0xFFFFC180  }
0x30: {  	[spmem:s2] =	stream.indirect.scatter.add.f32 [tilespmem:s19], [sflag:$0x3], $0x80, s31, s16, $0xb8;
	[tilespmem:$0x1E800] =	vst v63  }
0x31: {  	_ =	swait.ge [sflag:s13], $0x3E80  }
0x32: {  	s25 =	simm.s32 $0x400;
	[sflag:s13] =	ssyncset.done $0x0  }
.LBB2_3:
0x33: {  	p0 =	sne.s32 s25, $0x4800  }
0x34: {  	[sflag:s13] =	ssyncadd.s32 $0xFFFFC180;
	s26 =	smov.u32 s25;
	s25 =	sadd.s32 $0x400, s25  }
0x35: {  	_ =	swait.ge [sflag:s18], $0x3E80  }
0x36: {  	s26 =	sshra.s32 s26, $0x2;
	[sflag:s18] =	ssyncset.done $0x0  }
0x37: {  	s28 =	sadd.s32 $0x14080, s26;
	[sflag:s18] =	ssyncadd.s32 $0xFFFFC180  }
0x38: {  	[tilespmem:s19], [sflag:$0x2] =	stream.indirect.gather [hbm4b:s4+s16], $0x80, s28, s16, $0xb8;
	[tilespmem:$0x1E800] =	vst v63  }
0x39: {  	s28 =	sadd.s32 $0x15400, s26  }
0x3a: {  	[spmem:s2] =	stream.indirect.scatter.add.f32 [tilespmem:s17], [sflag:$0x3], $0x80, s28, s16, $0xb8;
	[tilespmem:$0x1E800] =	vst v63  }
0x3b: {  	_ =	swait.ge [sflag:s13], $0x3E80  }
0x3c: {  	[sflag:s13] =	ssyncset.done $0x0  }
0x3d: {  	s28 =	sadd.s32 $0x14100, s26;
	[sflag:s13] =	ssyncadd.s32 $0xFFFFC180  }
0x3e: {  	[tilespmem:s17], [sflag:$0x1] =	stream.indirect.gather [hbm4b:s4+s16], $0x80, s28, s16, $0xb8;
	[tilespmem:$0x1E800] =	vst v63  }
0x3f: {  	_ =	swait.ge [sflag:s20], $0x3E80  }
.Ltmp0:
0x40: {  	[sflag:s20] =	ssyncset.done $0x0;
	(pc) =	sbr.rel @p0 .LBB2_3-.Ltmp0, $4  }
0x41: {  	s26 =	sadd.s32 $0x15480, s26;
	[sflag:s20] =	ssyncadd.s32 $0xFFFFC180  }
0x42: {  	[spmem:s2] =	stream.indirect.scatter.add.f32 [tilespmem:s19], [sflag:$0x3], $0x80, s26, s16, $0xb8;
	[tilespmem:$0x1E800] =	vst v63  }
0x43: {  	_ =	swait.ge [sflag:s13], $0x3E80  }
0x44: {  	[sflag:s13] =	ssyncset.done $0x0  }
0x45: {  	[sflag:s13] =	ssyncadd.s32 $0xFFFFC180  }
0x46: {  	_ =	swait.ge [sflag:s18], $0x3E80  }
0x47: {  	[sflag:s18] =	ssyncset.done $0x0  }
0x48: {  	[sflag:s18] =	ssyncadd.s32 $0xFFFFC180  }
0x49: {  	[tilespmem:s19], [sflag:$0x2] =	stream.indirect.gather [hbm4b:s4+s16], $0x80, s21, s16, $0xb8;
	[tilespmem:$0x1E800] =	vst v63  }
0x4a: {  	_ = 	snop  }
0x4b: {  	[spmem:s2] =	stream.indirect.scatter.add.f32 [tilespmem:s17], [sflag:$0x3], $0x80, s22, s16, $0xb8;
	[tilespmem:$0x1E800] =	vst v63  }
0x4c: {  	_ =	swait.ge [sflag:s13], $0x3E80  }
0x4d: {  	[sflag:s13] =	ssyncset.done $0x0  }
0x4e: {  	[sflag:s13] =	ssyncadd.s32 $0xFFFFC180  }
0x4f: {  	s24 =	sadd.s32 $0x1, s24;
	_ =	swait.ge [sflag:s20], $0x3E80  }
0x50: {  	p0 =	sne.s32 s24, $0x4;
	[sflag:s20] =	ssyncset.done $0x0  }
.Ltmp1:
0x51: {  	[sflag:s20] =	ssyncadd.s32 $0xFFFFC180;
	(pc) =	sbr.rel @p0 .LBB2_2-.Ltmp1, $4  }
0x52: {  	[spmem:s2] =	stream.indirect.scatter.add.f32 [tilespmem:s19], [sflag:$0x3], $0x80, s23, s16, $0xb8;
	[tilespmem:$0x1E800] =	vst v63  }
0x53: {  	_ =	swait.ge [sflag:s13], $0x3E80  }
0x54: {  	[sflag:s13] =	ssyncset.done $0x0  }
0x55: {  	[sflag:s13] =	ssyncadd.s32 $0xFFFFC180  }
0x56: {  	s3 =	sadd.s32 $0x1, s3  }
0x57: {  	p0 =	sne.s32 s3, s11  }
.Ltmp2:
0x58: {  	[bflag:$0x0] =	sbarrier.arrive $0xFFFF;
	(pc) =	sbr.rel @p0 .LBB2_1-.Ltmp2, $4  }
0x59: {  	[hbm:s10], [sflag:s8] =	dma.local [spmem:s12], $0x2800  }
0x5a: {  	_ =	swait.ge [sflag:s13], $0x2800  }
0x5b: {  	[sflag:s13] =	ssyncset.done $0x0  }
0x5c: {  	[sflag:s13] =	ssyncadd.s32 $0xFFFFD800  }
0x5d: {  	_ =	sfence.sel $0x180000  }
0x5e: {  	[bflag:$0x0] =	sbarrier.arrive $0xFFFF  }
0x5f: {  	p0 =	sne.s32 s1, $0x0;
	_ =	strace $0x9000004D  }
0x60: {  	s0 =	sadd.s32 @!p0 $0x100000, s0;
	[bflag:$0x2] =	sbarrier.arrive $0xFFFF  }
0x61: {  	[sflag:s0] =	ssyncadd.tile.s32 @!p0 $0x1;
	_ =	shalt  }
.Lfunc_end2:
_tile_overlayer_lowered:
.L_overlay_start_2:
0x62: {  	(tag) =	ssettag $0x2  }
0x63: {  	s0 =	rddreg [dreg:$0x0];
	s2 =	stileid.u32  }
0x64: {  	s1 =	rddreg [dreg:$0x1];
	p0 =	sne.s32 s2, $0x0  }
0x65: {  	s3 =	rddreg [dreg:$0x2];
	[bflag:$0x3] =	sbarrier.arrive $0xFFFF;
	s2 =	simm.s32 @!p0 $0x1C03  }
0x66: {  	[timem:s3], [sflag:s2] =	dma.local @!p0 [hbm:s0], s1  }
0x67: {  	s0 =	simm.s32 @!p0 $0x3  }
0x68: {  	_ =	swait.ge @!p0 [sflag:s0], s1  }
0x69: {  	s1 =	ssub.s32 @!p0 $0x0, s1;
	[sflag:s0] =	ssyncset.done @!p0 $0x0  }
0x6a: {  	[sflag:s0] =	ssyncadd.s32 @!p0 s1  }
0x6b: {  	[bflag:$0x3] =	sbarrier.arrive $0xFFFF  }
0x6c: {  	_ =	shalt  }

// kernel: kernel.18.cloned.1.call-start
scs
__scs_entry_jumppad:
0x0: {  	(pc) =	sbr.rel $0x88, $3  }
0x1: {  	(tag) =	ssettag $0x0;
	lr =	simm.s32 $0x1  }
0x2: {  	[smem:$0x3F94] =	sst lr;
	_ =	strace $0xD0000000  }
0x3: {  	_ = 	snop  }
0x4: {  	_ = 	snop  }
0x5: {  	_ = 	snop  }
0x6: {  	_ = 	snop  }
0x7: {  	_ = 	snop  }
__scs_overlays_trampoline_lowered:
0x8: {  	[smem:$0x3FA3] =	sst s0  }
0x9: {  	[smem:$0x3FA4] =	sst s1  }
0xa: {  	[smem:$0x3FA5] =	sst s2  }
0xb: {  	[smem:$0x3FA6] =	sst s3  }
0xc: {  	[smem:$0x3FA7] =	sst s4  }
0xd: {  	[smem:$0x3FA8] =	sst s5  }
0xe: {  	[smem:$0x3FA9] =	sst s6  }
0xf: {  	[smem:$0x3FAA] =	sst s7  }
0x10: {  	[smem:$0x3FAB] =	sst s8  }
0x11: {  	[smem:$0x3FAC] =	sst s9;
	s0 =	simm.s32 @!p0 $0x0  }
0x12: {  	s1 =	sld [smem:$0x3F92];
	s0 =	simm.s32 @p0 $0x1  }
0x13: {  	[smem:$0x3FAD] =	sst s0;
	s0 =	simm.s32 @!p1 $0x0  }
0x14: {  	s2 =	sld [smem:$0x3F91];
	s0 =	simm.s32 @p1 $0x1  }
0x15: {  	[smem:$0x3FAE] =	sst s0;
	s0 =	simm.s32 @!p2 $0x0  }
0x16: {  	s3 =	sld [smem:$0x3FDB];
	s0 =	simm.s32 @p2 $0x1  }
0x17: {  	s4 =	simm.s32 $0x1BF5;
	[smem:$0x3FB0] =	sst s0  }
0x18: {  	s0 =	sld [smem:$0x3F93];
	_ =	swait.ge [sflag:s4], $0x0  }
0x19: {  	s7 =	sld [smem:$0x3F94]  }
0x1a: {  	s8 =	sadd.s32 $0xFFFFE003, lr  }
0x1b: {  	s9 =	sadd.s32 $0xFFFFFEF7, lr;
	s5 =	simm.s32 $0xFFFFFFFF;
	p2 =	slt.u32 s8, $0xFFFFF086  }
0x1c: {  	p1 =	slt.u32 s9, $0xF7A;
	s5 =	simm.s32 @!p2 $0x0  }
0x1d: {  	s5 =	simm.s32 @p1 $0x1;
	p0 =	seq.s32 s7, s2  }
0x1e: {  	s7 =	smul.u32 @!p0 $0xF7A, s2;
	p2 =	seq.s32 @!p0 s5, $0x0  }
0x1f: {  	s9 =	smul.u32 $0xF7A, s1;
	s8 =	simm.s32 @!p0 $0x1BF5;
	p2 =	por !p2, p0  }
0x20: {  	[sflag:s8] =	ssyncset.s32 @!p0 $0xFFFFF086;
	s6 =	sadd.s32 @!p0 s3, s7;
	s7 =	simm.s32 @!p0 $0x108  }
0x21: {  	s3 =	sadd.s32 s3, s9;
	s6 =	sadd.s32 @!p0 $0x88, s6;
	s7 =	simm.s32 @p2 $0x1082  }
0x22: {  	[simem:s7], [sflag:s8] =	dma.local @!p0 [hbm:s6], $0xF7A  }
0x23: {  	s9 =	sor.u32 $0xD0000000, s2;
	s6 =	simm.s32 $0x108;
	_ =	swait.ge @!p0 [sflag:s8], $0x0  }
0x24: {  	s3 =	sadd.s32 $0x88, s3;
	s6 =	simm.s32 @!p1 $0x1082;
	[sflag:s4] =	ssyncset.s32 $0xFFFFF086  }
0x25: {  	[simem:s6], [sflag:s4] =	dma.local [hbm:s3], $0xF7A  }
0x26: {  	[smem:$0x3F94] =	sst s1;
	(tag) =	ssettag s2;
	_ =	strace s9  }
0x27: {  	s1 =	sld [smem:$0x3FA4]  }
0x28: {  	s2 =	sld [smem:$0x3FA5]  }
0x29: {  	s4 =	sld [smem:$0x3FA7]  }
0x2a: {  	p0 =	seq.s32 s5, $0x0;
	s5 =	sld [smem:$0x3FA8]  }
0x2b: {  	s6 =	sld [smem:$0x3FA9]  }
0x2c: {  	s7 =	sld [smem:$0x3FAA]  }
0x2d: {  	s3 =	simm.s32 $0x108;
	s8 =	sld [smem:$0x3FAB]  }
0x2e: {  	s3 =	simm.s32 @!p0 $0x1082;
	s9 =	sld [smem:$0x3FAC]  }
0x2f: {  	lr =	sadd.s32 s0, s3;
	s0 =	sld [smem:$0x3FA3]  }
0x30: {  	s3 =	sld [smem:$0x3FA6]  }
0x31: {  	[smem:$0x3FAF] =	sst s10  }
0x32: {  	s10 =	sld [smem:$0x3FAD];
	_ =	sdelay $0x3  }
0x33: {  	p0 =	seq.s32 s10, $0x1;
	s10 =	sld [smem:$0x3FAF];
	_ =	sdelay $0x3  }
0x34: {  	[smem:$0x3FAF] =	sst s10  }
0x35: {  	s10 =	sld [smem:$0x3FAE];
	_ =	sdelay $0x3  }
0x36: {  	p1 =	seq.s32 s10, $0x1;
	s10 =	sld [smem:$0x3FAF];
	_ =	sdelay $0x3  }
0x37: {  	[smem:$0x3FAF] =	sst s10  }
0x38: {  	s10 =	sld [smem:$0x3FB0]  }
0x39: {  	_ = 	snop;
	(pc) =	sbr.ind lr, $3  }
0x3a: {  	_ = 	snop  }
0x3b: {  	_ = 	snop  }
0x3c: {  	p2 =	seq.s32 s10, $0x1;
	s10 =	sld [smem:$0x3FAF]  }
0x3d: {  	_ =	shalt  }
0x3e: {  	_ =	shalt  }
0x3f: {  	_ =	shalt  }
0x40: {  	_ =	shalt  }
0x41: {  	_ =	shalt  }
0x42: {  	_ =	shalt  }
0x43: {  	_ =	shalt  }
0x44: {  	_ =	shalt  }
0x45: {  	_ =	shalt  }
0x46: {  	_ =	shalt  }
0x47: {  	_ =	shalt  }
0x48: {  	_ =	shalt  }
0x49: {  	_ =	shalt  }
0x4a: {  	_ =	shalt  }
0x4b: {  	_ =	shalt  }
0x4c: {  	_ =	shalt  }
0x4d: {  	_ =	shalt  }
0x4e: {  	_ =	shalt  }
0x4f: {  	_ =	shalt  }
0x50: {  	_ =	shalt  }
0x51: {  	_ =	shalt  }
0x52: {  	_ =	shalt  }
0x53: {  	_ =	shalt  }
0x54: {  	_ =	shalt  }
0x55: {  	_ =	shalt  }
0x56: {  	_ =	shalt  }
0x57: {  	_ =	shalt  }
0x58: {  	_ =	shalt  }
0x59: {  	_ =	shalt  }
0x5a: {  	_ =	shalt  }
0x5b: {  	_ =	shalt  }
0x5c: {  	_ =	shalt  }
0x5d: {  	_ =	shalt  }
0x5e: {  	_ =	shalt  }
0x5f: {  	_ =	shalt  }
0x60: {  	_ =	shalt  }
0x61: {  	_ =	shalt  }
0x62: {  	_ =	shalt  }
0x63: {  	_ =	shalt  }
0x64: {  	_ =	shalt  }
0x65: {  	_ =	shalt  }
0x66: {  	_ =	shalt  }
0x67: {  	_ =	shalt  }
0x68: {  	_ =	shalt  }
0x69: {  	_ =	shalt  }
0x6a: {  	_ =	shalt  }
0x6b: {  	_ =	shalt  }
0x6c: {  	_ =	shalt  }
0x6d: {  	_ =	shalt  }
0x6e: {  	_ =	shalt  }
0x6f: {  	_ =	shalt  }
0x70: {  	_ =	shalt  }
0x71: {  	_ =	shalt  }
0x72: {  	_ =	shalt  }
0x73: {  	_ =	shalt  }
0x74: {  	_ =	shalt  }
0x75: {  	_ =	shalt  }
0x76: {  	_ =	shalt  }
0x77: {  	_ =	shalt  }
0x78: {  	_ =	shalt  }
0x79: {  	_ =	shalt  }
0x7a: {  	_ =	shalt  }
0x7b: {  	_ =	shalt  }
0x7c: {  	_ =	shalt  }
0x7d: {  	_ =	shalt  }
0x7e: {  	_ =	shalt  }
0x7f: {  	_ =	shalt  }
0x80: {  	_ =	shalt  }
0x81: {  	_ =	shalt  }
0x82: {  	_ =	shalt  }
0x83: {  	_ =	shalt  }
0x84: {  	_ =	shalt  }
0x85: {  	_ =	shalt  }
0x86: {  	_ =	shalt  }
0x87: {  	_ =	shalt  }
.Lfunc_end0:
.L_simem_size_0:
called_computation.3_lowered:
.L_overlay_start_0:
0x88: {  	s2 =	sld [smem:$0x3FD9]  }
0x89: {  	s3 =	sld [smem:$0x3FFE];
	_ =	sdelay $0x1  }
0x8a: {  	s1 =	srdreg.scid  }
0x8b: {  	s0 =	sand.u32 $0x1, s1  }
0x8c: {  	s16 =	sshll.u32 s0, $0xA;
	s2 =	sadd.s32 s3, s2  }
0x8d: {  	s2 =	sadd.s32 s2, s16  }
0x8e: {  	[smem:$0x3FBB] =	sst s2  }
0x8f: {  	_ = 	snop  }
0x90: {  	(tm) =	ssettm $0x1  }
0x91: {  	s17 =	sld [smem:$0x3FFB];
	_ =	sdelay $0x3  }
0x92: {  	_ =	strace s17  }
0x93: {  	s2 =	sld [smem:$0x3FFC];
	_ =	sdelay $0x3  }
0x94: {  	_ =	strace s2  }
0x95: {  	s2 =	sld [smem:$0x3FFD];
	_ =	sdelay $0x3  }
0x96: {  	_ =	strace s2  }
0x97: {  	_ =	strace $0x8FFFFFFF  }
0x98: {  	s18 =	sld [smem:$0x3FDB];
	_ =	sdelay $0x1  }
0x99: {  	s19 =	simm.s32 $_scs_section_size  }
0x9a: {  	s4 =	simm.s32 $_size__tile_overlayer_lowered;
	s5 =	simm.s32 $_tile_overlayer_lowered  }
0x9b: {  	s22 =	simm.s32 $0x1BFF;
	s21 =	sshll.u32 s5, $0x1;
	s2 =	sadd.s32 s19, s18  }
0x9c: {  	s6 =	simm.s32 $0x0;
	s20 =	sshll.u32 s4, $0x1;
	s4 =	sadd.s32 s21, s2  }
0x9d: {  	[timem:s6], [sflag:s22] =	dma.local [hbm:s4], s20  }
0x9e: {  	_ =	swait.ge [sflag:s22], s20  }
0x9f: {  	s3 =	ssub.s32 $0x0, s20;
	[sflag:s22] =	ssyncset.done $0x0  }
0xa0: {  	[sflag:s22] =	ssyncadd.s32 s3;
	_ =	sdelay $0x1  }
0xa1: {  	s23 =	simm.s32 $0x1B8B  }
0xa2: {  	_ =	swait.ge [sflag:s23], $0x1  }
0xa3: {  	[sflag:s23] =	ssyncset.done $0x0  }
0xa4: {  	s25 =	simm.s32 $0x1B8E;
	s24 =	sld [smem:$0x3FFE];
	[sflag:s23] =	ssyncadd.s32 $0xFFFFFFFF  }
0xa5: {  	s26 =	simm.s32 $execute0_lowered;
	[smem:$0x3FD2] =	sst s25  }
0xa6: {  	s4 =	sshll.u32 s26, $0x1;
	_ =	strace $0x8000004F;
	[dreg:$0x1] =	wrdreg $0xFFFFFFFF  }
0xa7: {  	s28 =	simm.s32 $_size_execute0_lowered;
	s2 =	sadd.s32 s2, s4;
	[dreg:$0x0] =	wrdreg $0x0  }
0xa8: {  	s4 =	sshll.u32 s28, $0x1;
	[dreg:$0x2] =	wrdreg s2  }
0xa9: {  	[dreg:$0x3] =	wrdreg s4  }
0xaa: {  	[dreg:$0x4] =	wrdreg $0xC0  }
0xab: {  	_ =	task [dreg:s6], $0x5FFFF  }
0xac: {  	[dreg:$0x1] =	wrdreg $0xFFFFFFFF  }
0xad: {  	[dreg:$0x0] =	wrdreg $0x60  }
0xae: {  	[dreg:$0x2] =	wrdreg s24  }
0xaf: {  	[dreg:$0x3] =	wrdreg $0x9  }
0xb0: {  	_ =	task.clear_ibuf [dreg:s6], $0x4FFFF;
	_ =	strace $0x9000004F  }
0xb1: {  	s29 =	simm.s32 $0x9;
	_ =	strace $0x80000051  }
0xb2: {  	_ =	swait.ge [sflag:s29], $0x1  }
0xb3: {  	[sflag:s29] =	ssyncadd.s32 $0xFFFFFFFF  }
0xb4: {  	_ =	strace $0x90000051  }
0xb5: {  	_ =	sfence  }
0xb6: {  	s30 =	sld [smem:$0x0];
	_ =	sdelay $0x2  }
0xb7: {  	s31 =	sshll.u32 s1, $0xD;
	s1 =	sshrl.u32 s1, $0x2  }
0xb8: {  	s3 =	sand.u32 $0x4000, s31;
	s1 =	sadd.s32 s1, s30  }
0xb9: {  	s0 =	sor.u32 s3, s0;
	s1 =	sshll.u32 s1, $0x11  }
0xba: {  	s0 =	sor.u32 s1, s0  }
0xbb: {  	s0 =	sadd.s32 $0x8F2B, s0  }
0xbc: {  	[sflag:s0] =	ssyncadd.remote.s32 $0x1  }
0xbd: {  	_ =	sfence.sel $0xFFFF  }
0xbe: {  	[dreg:$0x0] =	wrdreg $0xFFFFFFFF;
	(pc) =	sbr.abs _section_cstart, $3  }
0xbf: {  	[dreg:$0x1] =	wrdreg $0xFFFFFFFF  }
0xc0: {  	_ =	task.clear_ibuf [dreg:s6], $0x2FFFF;
	_ =	strace $0x9FFFFFFF  }
0xc1: {  	(tm) =	ssettm $0x7FFFFFFF  }
tec
execute0_lowered:
.L_overlay_start_1:
0x0: {  	(tag) =	ssettag $0x1  }
0x1: {  	s7 =	rddreg [dreg:$0x0];
	s1 =	srdreg.scid  }
0x2: {  	s0 =	rddreg [dreg:$0x1];
	s2 =	simm.s32 $0x0;
	s12 =	simm.s32 $0x1  }
0x3: {  	s13 =	simm.s32 $0x13400;
	s14 =	simm.s32 $0x4400;
	s8 =	sand.u32 $0x1, s1  }
0x4: {  	s15 =	simm.s32 $0x9400;
	s1 =	stileid.u32;
	s3 =	sshll.u32 s8, $0x4  }
0x5: {  	s16 =	simm.s32 $0xE400;
	s17 =	simm.s32 $0x0;
	s6 =	sor.u32 s1, s3  }
0x6: {  	[smem:$0x7FF] =	sst s2;
	s4 =	sadd.s32 $0x2C600, s7;
	s3 =	smul.u32 $0x140, s6  }
0x7: {  	s5 =	sadd.s32 $0x7C600, s7;
	s8 =	ssub.s32 $0x2, s8;
	s9 =	smul.u32 $0x880, s6  }
0x8: {  	_ =	strace $0x80000050;
	s31 =	sshrl.u32 s8, $0x1;
	s10 =	sshrl.u32 s3, $0x3  }
0x9: {  	s6 =	sadd.s32 $0x54600, s7;
	s9 =	sadd.s32 s9, s7;
	s10 =	sadd.s32 s10, s7  }
0xa: {  	s11 =	ssub.s32 s8, s31;
	s9 =	sadd.s32 $0x3600, s9;
	s7 =	sadd.s32 $0x17600, s10  }
0xb: {  	v0 =	vimm.f32 $-Inf;
	s8 =	sadd.s32 $0x17C00, s10;
	s10 =	smax.u32 s11, $0x1;
	s11 =	simm.s32 $0x13580  }
.LBB2_1:
0xc: {  	[tilespmem:s11], [sflag:$0x1] =	stream.linear.gather [hbm4b:s7+s2], $0x140, $0x38;
	[tilespmem:$0x13700] =	vst v63  }
0xd: {  	_ =	swait.ge [sflag:s12], $0x140  }
0xe: {  	[sflag:s12] =	ssyncset.done $0x0  }
0xf: {  	[sflag:s12] =	ssyncadd.s32 $0xFFFFFEC0  }
0x10: {  	[tilespmem:s13], [sflag:$0x1] =	stream.linear.gather [hbm4b:s8+s2], $0x140, $0x38;
	[tilespmem:$0x13700] =	vst v63  }
0x11: {  	_ =	swait.ge [sflag:s12], $0x140  }
0x12: {  	[sflag:s12] =	ssyncset.done $0x0  }
0x13: {  	s18 =	simm.s32 $0x0;
	s19 =	simm.s32 $0x200;
	[sflag:s12] =	ssyncadd.s32 $0xFFFFFEC0  }
.LBB2_2:
0x14: {  	p0 =	sne.s32 s19, $0x10E00;
	[tilespmem:s18+$0x70] =	vst v0  }
0x15: {  	[tilespmem:s18+$0x0] =	vst v0  }
0x16: {  	[tilespmem:s18+$0x10] =	vst v0  }
.Ltmp0:
0x17: {  	[tilespmem:s18+$0x20] =	vst v0;
	(pc) =	sbr.rel @p0 .LBB2_2-.Ltmp0, $4  }
0x18: {  	[tilespmem:s18+$0x30] =	vst v0  }
0x19: {  	[tilespmem:s18+$0x40] =	vst v0  }
0x1a: {  	[tilespmem:s18+$0x50] =	vst v0  }
0x1b: {  	[tilespmem:s18+$0x60] =	vst v0;
	s18 =	sshra.s32 s19, $0x2;
	s19 =	sadd.s32 $0x200, s19  }
0x1c: {  	[tilespmem:s18+$0x70] =	vst v0  }
0x1d: {  	[tilespmem:s18+$0x0] =	vst v0  }
0x1e: {  	[tilespmem:s18+$0x10] =	vst v0  }
0x1f: {  	[tilespmem:s18+$0x20] =	vst v0  }
0x20: {  	[tilespmem:s18+$0x30] =	vst v0  }
0x21: {  	[tilespmem:s18+$0x40] =	vst v0  }
0x22: {  	[tilespmem:s18+$0x50] =	vst v0  }
0x23: {  	[tilespmem:s18+$0x60] =	vst v0;
	s18 =	simm.s32 $0x0;
	p1 =	por $0x1, $0x1;
	s19 =	simm.s32 $0x0  }
.LBB2_4:
0x24: {  	s20 =	sadd.s32 s3, s19  }
0x25: {  	s20 =	sshll.u32 s20, $0x4  }
0x26: {  	s21 =	sadd.s32 s4, s20  }
0x27: {  	[tilespmem:s14], [sflag:$0x1] =	stream.linear.gather [hbm4b:s21+s18], $0x5000, $0x38;
	[tilespmem:$0x13700] =	vst v63  }
0x28: {  	_ =	swait.ge [sflag:s12], $0x5000  }
0x29: {  	[sflag:s12] =	ssyncset.done $0x0  }
0x2a: {  	s28 =	sadd.s32 s5, s20;
	[sflag:s12] =	ssyncadd.s32 $0xFFFFB000  }
0x2b: {  	[tilespmem:s15], [sflag:$0x1] =	stream.linear.gather [hbm4b:s28+s18], $0x5000, $0x38;
	[tilespmem:$0x13700] =	vst v63  }
0x2c: {  	_ =	swait.ge [sflag:s12], $0x5000  }
0x2d: {  	[sflag:s12] =	ssyncset.done $0x0  }
0x2e: {  	s20 =	sadd.s32 s6, s20;
	[sflag:s12] =	ssyncadd.s32 $0xFFFFB000  }
0x2f: {  	[tilespmem:s16], [sflag:$0x1] =	stream.linear.gather [hbm4b:s20+s18], $0x5000, $0x38;
	[tilespmem:$0x13700] =	vst v63  }
0x30: {  	s29 =	sshll.u32 s19, $0x2;
	_ =	swait.ge [sflag:s12], $0x5000  }
0x31: {  	s30 =	sshra.s32 s29, $0x2;
	[sflag:s12] =	ssyncset.done $0x0  }
0x32: {  	s19 =	sadd.s32 $0x13580, s30;
	[sflag:s12] =	ssyncadd.s32 $0xFFFFB000  }
0x33: {  	v1 =	vld [tilespmem:s19+$0x0];
	_ =	sdelay $0x4  }
0x34: {  	(v2sf) =	vpush v1, $0x0;
	_ =	sdelay $0x9  }
0x35: {  	s23 =	simm.s32 $0x0  }
0x36: {  	v2 =	vld [tilespmem:s23+$0x9400]  }
0x37: {  	v3 =	vld [tilespmem:s23+$0x4400];
	_ =	sdelay $0x1  }
0x38: {  	v4 =	vld [tilespmem:s23+$0xE400]  }
0x39: {  	s20 =	sadd.s32 $0x13400, s30;
	s31 =	spop (v2sf)  }
0x3a: {  	v1 =	vld.msk [tilespmem:s20+$0x0 ss:$0x0], $0xffff;
	s21 =	sshll.u32 s31, $0x9  }
0x3b: {  	v2 =	vadd.f32 v2, v3;
	s21 =	sshra.s32 s21, $0x2  }
0x3c: {  	v3 =	vld [tilespmem:s21+$0x0]  }
0x3d: {  	v2 =	vadd.f32 v4, v2;
	_ =	sdelay $0x1  }
0x3e: {  	v2 =	vmul.f32 v2, v1;
	_ =	sdelay $0x1  }
0x3f: {  	v2 =	vmax.f32 v3, v2  }
0x40: {  	[tilespmem:s21+$0x0] =	vst v2  }
0x41: {  	v2 =	vld [tilespmem:s23+$0x4410]  }
0x42: {  	v3 =	vld [tilespmem:s23+$0x9410];
	_ =	sdelay $0x1  }
0x43: {  	v4 =	vld [tilespmem:s23+$0xE410];
	_ =	sdelay $0x2  }
0x44: {  	v2 =	vadd.f32 v3, v2  }
0x45: {  	v3 =	vld [tilespmem:s21+$0x10]  }
0x46: {  	v2 =	vadd.f32 v4, v2;
	_ =	sdelay $0x1  }
0x47: {  	v2 =	vmul.f32 v2, v1;
	_ =	sdelay $0x1  }
0x48: {  	v2 =	vmax.f32 v3, v2  }
0x49: {  	[tilespmem:s21+$0x10] =	vst v2  }
0x4a: {  	v2 =	vld [tilespmem:s23+$0x4420]  }
0x4b: {  	v3 =	vld [tilespmem:s23+$0x9420];
	_ =	sdelay $0x1  }
0x4c: {  	v4 =	vld [tilespmem:s23+$0xE420];
	_ =	sdelay $0x2  }
0x4d: {  	v2 =	vadd.f32 v3, v2  }
0x4e: {  	v3 =	vld [tilespmem:s21+$0x20]  }
0x4f: {  	v2 =	vadd.f32 v4, v2;
	_ =	sdelay $0x1  }
0x50: {  	v2 =	vmul.f32 v2, v1;
	_ =	sdelay $0x1  }
0x51: {  	v2 =	vmax.f32 v3, v2  }
0x52: {  	[tilespmem:s21+$0x20] =	vst v2  }
0x53: {  	v2 =	vld [tilespmem:s23+$0x4430]  }
0x54: {  	v3 =	vld [tilespmem:s23+$0x9430];
	_ =	sdelay $0x1  }
0x55: {  	v4 =	vld [tilespmem:s23+$0xE430];
	_ =	sdelay $0x2  }
0x56: {  	v2 =	vadd.f32 v3, v2  }
0x57: {  	v3 =	vld [tilespmem:s21+$0x30]  }
0x58: {  	v2 =	vadd.f32 v4, v2;
	_ =	sdelay $0x1  }
0x59: {  	v2 =	vmul.f32 v2, v1;
	_ =	sdelay $0x1  }
0x5a: {  	v2 =	vmax.f32 v3, v2  }
0x5b: {  	[tilespmem:s21+$0x30] =	vst v2  }
0x5c: {  	v2 =	vld [tilespmem:s23+$0x4440]  }
0x5d: {  	v3 =	vld [tilespmem:s23+$0x9440];
	_ =	sdelay $0x1  }
0x5e: {  	v4 =	vld [tilespmem:s23+$0xE440];
	_ =	sdelay $0x2  }
0x5f: {  	v2 =	vadd.f32 v3, v2  }
0x60: {  	v3 =	vld [tilespmem:s21+$0x40]  }
0x61: {  	v2 =	vadd.f32 v4, v2;
	_ =	sdelay $0x1  }
0x62: {  	v2 =	vmul.f32 v2, v1;
	_ =	sdelay $0x1  }
0x63: {  	v2 =	vmax.f32 v3, v2  }
0x64: {  	[tilespmem:s21+$0x40] =	vst v2  }
0x65: {  	v2 =	vld [tilespmem:s23+$0x4450]  }
0x66: {  	v3 =	vld [tilespmem:s23+$0x9450];
	_ =	sdelay $0x1  }
0x67: {  	v4 =	vld [tilespmem:s23+$0xE450];
	_ =	sdelay $0x2  }
0x68: {  	v2 =	vadd.f32 v3, v2  }
0x69: {  	v3 =	vld [tilespmem:s21+$0x50]  }
0x6a: {  	v2 =	vadd.f32 v4, v2;
	_ =	sdelay $0x1  }
0x6b: {  	v2 =	vmul.f32 v2, v1;
	_ =	sdelay $0x1  }
0x6c: {  	v2 =	vmax.f32 v3, v2  }
0x6d: {  	[tilespmem:s21+$0x50] =	vst v2  }
0x6e: {  	v2 =	vld [tilespmem:s23+$0x4460]  }
0x6f: {  	v3 =	vld [tilespmem:s23+$0x9460];
	_ =	sdelay $0x1  }
0x70: {  	v4 =	vld [tilespmem:s23+$0xE460];
	_ =	sdelay $0x2  }
0x71: {  	v2 =	vadd.f32 v3, v2  }
0x72: {  	v3 =	vld [tilespmem:s21+$0x60]  }
0x73: {  	v2 =	vadd.f32 v4, v2;
	_ =	sdelay $0x1  }
0x74: {  	v2 =	vmul.f32 v2, v1;
	_ =	sdelay $0x1  }
0x75: {  	v2 =	vmax.f32 v3, v2  }
0x76: {  	[tilespmem:s21+$0x60] =	vst v2  }
0x77: {  	v2 =	vld [tilespmem:s23+$0x4470]  }
0x78: {  	v4 =	vld [tilespmem:s23+$0x9470]  }
0x79: {  	p0 =	por p1, p1;
	s22 =	simm.s32 $0x200;
	v3 =	vld [tilespmem:s23+$0xE470]  }
.LBB2_5:
0x7a: {  	_ =	sdelay $0x1  }
0x7b: {  	p1 =	sne.s32 s22, $0x13E00;
	s20 =	sadd.s32 $0x1, s20;
	s19 =	sadd.s32 $0x1, s19  }
0x7c: {  	s23 =	smov.u32 s22;
	s22 =	sadd.s32 $0x200, s22;
	v2 =	vadd.f32 v4, v2;
	v4 =	vld [tilespmem:s21+$0x70];
	_ =	sdelay $0x1  }
0x7d: {  	v2 =	vadd.f32 v3, v2;
	_ =	sdelay $0x1  }
0x7e: {  	v1 =	vmul.f32 v2, v1;
	_ =	sdelay $0x1  }
0x7f: {  	v1 =	vmax.f32 v4, v1  }
0x80: {  	[tilespmem:s21+$0x70] =	vst v1  }
0x81: {  	v1 =	vld [tilespmem:s19+$0x0];
	_ =	sdelay $0x4  }
0x82: {  	(v2sf) =	vpush v1, $0x0;
	_ =	sdelay $0x9  }
0x83: {  	s23 =	sshra.s32 s23, $0x2  }
0x84: {  	v2 =	vld [tilespmem:s23+$0x9400]  }
0x85: {  	v3 =	vld [tilespmem:s23+$0x4400];
	_ =	sdelay $0x1  }
0x86: {  	v4 =	vld [tilespmem:s23+$0xE400]  }
0x87: {  	v1 =	vld.msk [tilespmem:s20+$0x0 ss:$0x0], $0xffff;
	s21 =	spop (v2sf)  }
0x88: {  	s21 =	sshll.u32 s21, $0x9  }
0x89: {  	v2 =	vadd.f32 v2, v3;
	s21 =	sshra.s32 s21, $0x2  }
0x8a: {  	v3 =	vld [tilespmem:s21+$0x0]  }
0x8b: {  	v2 =	vadd.f32 v4, v2;
	_ =	sdelay $0x1  }
0x8c: {  	v2 =	vmul.f32 v2, v1;
	_ =	sdelay $0x1  }
0x8d: {  	v2 =	vmax.f32 v3, v2  }
0x8e: {  	[tilespmem:s21+$0x0] =	vst v2  }
0x8f: {  	v2 =	vld [tilespmem:s23+$0x4410]  }
0x90: {  	v3 =	vld [tilespmem:s23+$0x9410]  }
0x91: {  	v4 =	vld [tilespmem:s23+$0xE410];
	_ =	sdelay $0x3  }
0x92: {  	v2 =	vadd.f32 v3, v2  }
0x93: {  	v3 =	vld [tilespmem:s21+$0x10]  }
0x94: {  	v2 =	vadd.f32 v4, v2;
	_ =	sdelay $0x1  }
0x95: {  	v2 =	vmul.f32 v2, v1;
	_ =	sdelay $0x1  }
0x96: {  	v2 =	vmax.f32 v3, v2  }
0x97: {  	[tilespmem:s21+$0x10] =	vst v2  }
0x98: {  	v2 =	vld [tilespmem:s23+$0x4420]  }
0x99: {  	v3 =	vld [tilespmem:s23+$0x9420];
	_ =	sdelay $0x1  }
0x9a: {  	v4 =	vld [tilespmem:s23+$0xE420];
	_ =	sdelay $0x2  }
0x9b: {  	v2 =	vadd.f32 v3, v2  }
0x9c: {  	v3 =	vld [tilespmem:s21+$0x20]  }
0x9d: {  	v2 =	vadd.f32 v4, v2;
	_ =	sdelay $0x1  }
0x9e: {  	v2 =	vmul.f32 v2, v1;
	_ =	sdelay $0x1  }
0x9f: {  	v2 =	vmax.f32 v3, v2  }
0xa0: {  	[tilespmem:s21+$0x20] =	vst v2  }
0xa1: {  	v2 =	vld [tilespmem:s23+$0x4430]  }
0xa2: {  	v3 =	vld [tilespmem:s23+$0x9430]  }
0xa3: {  	v4 =	vld [tilespmem:s23+$0xE430];
	_ =	sdelay $0x3  }
0xa4: {  	v2 =	vadd.f32 v3, v2  }
0xa5: {  	v3 =	vld [tilespmem:s21+$0x30]  }
0xa6: {  	v2 =	vadd.f32 v4, v2;
	_ =	sdelay $0x1  }
0xa7: {  	v2 =	vmul.f32 v2, v1;
	_ =	sdelay $0x1  }
0xa8: {  	v2 =	vmax.f32 v3, v2  }
0xa9: {  	[tilespmem:s21+$0x30] =	vst v2  }
0xaa: {  	v2 =	vld [tilespmem:s23+$0x4440]  }
0xab: {  	v3 =	vld [tilespmem:s23+$0x9440]  }
0xac: {  	v4 =	vld [tilespmem:s23+$0xE440];
	_ =	sdelay $0x3  }
0xad: {  	v2 =	vadd.f32 v3, v2  }
0xae: {  	v3 =	vld [tilespmem:s21+$0x40]  }
0xaf: {  	v2 =	vadd.f32 v4, v2;
	_ =	sdelay $0x1  }
0xb0: {  	v2 =	vmul.f32 v2, v1;
	_ =	sdelay $0x1  }
0xb1: {  	v2 =	vmax.f32 v3, v2  }
0xb2: {  	[tilespmem:s21+$0x40] =	vst v2  }
0xb3: {  	v2 =	vld [tilespmem:s23+$0x4450]  }
0xb4: {  	v3 =	vld [tilespmem:s23+$0x9450]  }
0xb5: {  	v4 =	vld [tilespmem:s23+$0xE450];
	_ =	sdelay $0x3  }
0xb6: {  	v2 =	vadd.f32 v3, v2  }
0xb7: {  	v3 =	vld [tilespmem:s21+$0x50]  }
0xb8: {  	v2 =	vadd.f32 v4, v2;
	_ =	sdelay $0x1  }
0xb9: {  	v2 =	vmul.f32 v2, v1;
	_ =	sdelay $0x1  }
0xba: {  	v2 =	vmax.f32 v3, v2  }
0xbb: {  	[tilespmem:s21+$0x50] =	vst v2  }
0xbc: {  	v2 =	vld [tilespmem:s23+$0x4460]  }
0xbd: {  	v3 =	vld [tilespmem:s23+$0x9460]  }
0xbe: {  	v4 =	vld [tilespmem:s23+$0xE460];
	_ =	sdelay $0x3  }
0xbf: {  	v2 =	vadd.f32 v3, v2  }
0xc0: {  	v3 =	vld [tilespmem:s21+$0x60]  }
0xc1: {  	v2 =	vadd.f32 v4, v2;
	_ =	sdelay $0x1  }
0xc2: {  	v2 =	vmul.f32 v2, v1;
	_ =	sdelay $0x1  }
.Ltmp1:
0xc3: {  	v2 =	vmax.f32 v3, v2;
	(pc) =	sbr.rel @p1 .LBB2_5-.Ltmp1, $4  }
0xc4: {  	[tilespmem:s21+$0x60] =	vst v2  }
0xc5: {  	v2 =	vld [tilespmem:s23+$0x4470]  }
0xc6: {  	v4 =	vld [tilespmem:s23+$0x9470]  }
0xc7: {  	v3 =	vld [tilespmem:s23+$0xE470]  }
0xc8: {  	_ =	sdelay $0x2  }
0xc9: {  	v2 =	vadd.f32 v4, v2  }
0xca: {  	v63 =	vld [tilespmem:s21+$0x70]  }
0xcb: {  	v2 =	vadd.f32 v3, v2  }
.Ltmp2:
0xcc: {  	_ = 	snop;
	(pc) =	sbr.rel @p0 .LBB2_4-.Ltmp2, $3  }
0xcd: {  	v1 =	vmul.f32 v2, v1;
	_ =	sdelay $0x1  }
0xce: {  	v1 =	vmax.f32 v63, v1  }
0xcf: {  	s19 =	simm.s32 $0xA0;
	p1 =	por $0x0, $0x0;
	[tilespmem:s21+$0x70] =	vst v1  }
0xd0: {  	s17 =	sadd.s32 $0x1, s17  }
0xd1: {  	p0 =	sne.s32 s17, s10  }
.Ltmp3:
0xd2: {  	_ = 	snop;
	(pc) =	sbr.rel @p0 .LBB2_1-.Ltmp3, $4  }
0xd3: {  	[hbm4b:s9+s2] =	stream.linear.scatter [tilespmem:s2], [sflag:$0x1], $0x4400, $0x38;
	[tilespmem:$0x13700] =	vst v63  }
0xd4: {  	_ =	swait.ge [sflag:s12], $0x4400  }
0xd5: {  	[sflag:s12] =	ssyncset.done $0x0  }
0xd6: {  	[sflag:s12] =	ssyncadd.s32 $0xFFFFBC00  }
0xd7: {  	_ =	sfence.sel $0x180000  }
0xd8: {  	[bflag:$0x0] =	sbarrier.arrive $0xFFFF  }
0xd9: {  	p0 =	sne.s32 s1, $0x0;
	_ =	strace $0x90000050  }
0xda: {  	s0 =	sadd.s32 @!p0 $0x100000, s0;
	[bflag:$0x2] =	sbarrier.arrive $0xFFFF  }
0xdb: {  	[sflag:s0] =	ssyncadd.tile.s32 @!p0 $0x1;
	_ =	shalt  }
.Lfunc_end2:
_tile_overlayer_lowered:
.L_overlay_start_2:
0xdc: {  	(tag) =	ssettag $0x2  }
0xdd: {  	s0 =	rddreg [dreg:$0x0];
	s2 =	stileid.u32  }
0xde: {  	s1 =	rddreg [dreg:$0x1];
	p0 =	sne.s32 s2, $0x0  }
0xdf: {  	s3 =	rddreg [dreg:$0x2];
	[bflag:$0x3] =	sbarrier.arrive $0xFFFF;
	s2 =	simm.s32 @!p0 $0x1C01  }
0xe0: {  	[timem:s3], [sflag:s2] =	dma.local @!p0 [hbm:s0], s1  }
0xe1: {  	s0 =	simm.s32 @!p0 $0x1  }
0xe2: {  	_ =	swait.ge @!p0 [sflag:s0], s1  }
0xe3: {  	s1 =	ssub.s32 @!p0 $0x0, s1;
	[sflag:s0] =	ssyncset.done @!p0 $0x0  }
0xe4: {  	[sflag:s0] =	ssyncadd.s32 @!p0 s1  }
0xe5: {  	[bflag:$0x3] =	sbarrier.arrive $0xFFFF  }
0xe6: {  	_ =	shalt  }

// kernel: kernel.9.cloned.1.call-start
scs
__scs_entry_jumppad:
0x0: {  	(pc) =	sbr.rel $0x88, $3  }
0x1: {  	(tag) =	ssettag $0x0;
	lr =	simm.s32 $0x1  }
0x2: {  	[smem:$0x3F94] =	sst lr;
	_ =	strace $0xD0000000  }
0x3: {  	_ = 	snop  }
0x4: {  	_ = 	snop  }
0x5: {  	_ = 	snop  }
0x6: {  	_ = 	snop  }
0x7: {  	_ = 	snop  }
__scs_overlays_trampoline_lowered:
0x8: {  	[smem:$0x3FA3] =	sst s0  }
0x9: {  	[smem:$0x3FA4] =	sst s1  }
0xa: {  	[smem:$0x3FA5] =	sst s2  }
0xb: {  	[smem:$0x3FA6] =	sst s3  }
0xc: {  	[smem:$0x3FA7] =	sst s4  }
0xd: {  	[smem:$0x3FA8] =	sst s5  }
0xe: {  	[smem:$0x3FA9] =	sst s6  }
0xf: {  	[smem:$0x3FAA] =	sst s7  }
0x10: {  	[smem:$0x3FAB] =	sst s8  }
0x11: {  	[smem:$0x3FAC] =	sst s9;
	s0 =	simm.s32 @!p0 $0x0  }
0x12: {  	s1 =	sld [smem:$0x3F92];
	s0 =	simm.s32 @p0 $0x1  }
0x13: {  	[smem:$0x3FAD] =	sst s0;
	s0 =	simm.s32 @!p1 $0x0  }
0x14: {  	s2 =	sld [smem:$0x3F91];
	s0 =	simm.s32 @p1 $0x1  }
0x15: {  	[smem:$0x3FAE] =	sst s0;
	s0 =	simm.s32 @!p2 $0x0  }
0x16: {  	s3 =	sld [smem:$0x3FDB];
	s0 =	simm.s32 @p2 $0x1  }
0x17: {  	s4 =	simm.s32 $0x1BF5;
	[smem:$0x3FB0] =	sst s0  }
0x18: {  	s0 =	sld [smem:$0x3F93];
	_ =	swait.ge [sflag:s4], $0x0  }
0x19: {  	s7 =	sld [smem:$0x3F94]  }
0x1a: {  	s8 =	sadd.s32 $0xFFFFE003, lr  }
0x1b: {  	s9 =	sadd.s32 $0xFFFFFEF7, lr;
	s5 =	simm.s32 $0xFFFFFFFF;
	p2 =	slt.u32 s8, $0xFFFFF086  }
0x1c: {  	p1 =	slt.u32 s9, $0xF7A;
	s5 =	simm.s32 @!p2 $0x0  }
0x1d: {  	s5 =	simm.s32 @p1 $0x1;
	p0 =	seq.s32 s7, s2  }
0x1e: {  	s7 =	smul.u32 @!p0 $0xF7A, s2;
	p2 =	seq.s32 @!p0 s5, $0x0  }
0x1f: {  	s9 =	smul.u32 $0xF7A, s1;
	s8 =	simm.s32 @!p0 $0x1BF5;
	p2 =	por !p2, p0  }
0x20: {  	[sflag:s8] =	ssyncset.s32 @!p0 $0xFFFFF086;
	s6 =	sadd.s32 @!p0 s3, s7;
	s7 =	simm.s32 @!p0 $0x108  }
0x21: {  	s3 =	sadd.s32 s3, s9;
	s6 =	sadd.s32 @!p0 $0x88, s6;
	s7 =	simm.s32 @p2 $0x1082  }
0x22: {  	[simem:s7], [sflag:s8] =	dma.local @!p0 [hbm:s6], $0xF7A  }
0x23: {  	s9 =	sor.u32 $0xD0000000, s2;
	s6 =	simm.s32 $0x108;
	_ =	swait.ge @!p0 [sflag:s8], $0x0  }
0x24: {  	s3 =	sadd.s32 $0x88, s3;
	s6 =	simm.s32 @!p1 $0x1082;
	[sflag:s4] =	ssyncset.s32 $0xFFFFF086  }
0x25: {  	[simem:s6], [sflag:s4] =	dma.local [hbm:s3], $0xF7A  }
0x26: {  	[smem:$0x3F94] =	sst s1;
	(tag) =	ssettag s2;
	_ =	strace s9  }
0x27: {  	s1 =	sld [smem:$0x3FA4]  }
0x28: {  	s2 =	sld [smem:$0x3FA5]  }
0x29: {  	s4 =	sld [smem:$0x3FA7]  }
0x2a: {  	p0 =	seq.s32 s5, $0x0;
	s5 =	sld [smem:$0x3FA8]  }
0x2b: {  	s6 =	sld [smem:$0x3FA9]  }
0x2c: {  	s7 =	sld [smem:$0x3FAA]  }
0x2d: {  	s3 =	simm.s32 $0x108;
	s8 =	sld [smem:$0x3FAB]  }
0x2e: {  	s3 =	simm.s32 @!p0 $0x1082;
	s9 =	sld [smem:$0x3FAC]  }
0x2f: {  	lr =	sadd.s32 s0, s3;
	s0 =	sld [smem:$0x3FA3]  }
0x30: {  	s3 =	sld [smem:$0x3FA6]  }
0x31: {  	[smem:$0x3FAF] =	sst s10  }
0x32: {  	s10 =	sld [smem:$0x3FAD];
	_ =	sdelay $0x3  }
0x33: {  	p0 =	seq.s32 s10, $0x1;
	s10 =	sld [smem:$0x3FAF];
	_ =	sdelay $0x3  }
0x34: {  	[smem:$0x3FAF] =	sst s10  }
0x35: {  	s10 =	sld [smem:$0x3FAE];
	_ =	sdelay $0x3  }
0x36: {  	p1 =	seq.s32 s10, $0x1;
	s10 =	sld [smem:$0x3FAF];
	_ =	sdelay $0x3  }
0x37: {  	[smem:$0x3FAF] =	sst s10  }
0x38: {  	s10 =	sld [smem:$0x3FB0]  }
0x39: {  	_ = 	snop;
	(pc) =	sbr.ind lr, $3  }
0x3a: {  	_ = 	snop  }
0x3b: {  	_ = 	snop  }
0x3c: {  	p2 =	seq.s32 s10, $0x1;
	s10 =	sld [smem:$0x3FAF]  }
0x3d: {  	_ =	shalt  }
0x3e: {  	_ =	shalt  }
0x3f: {  	_ =	shalt  }
0x40: {  	_ =	shalt  }
0x41: {  	_ =	shalt  }
0x42: {  	_ =	shalt  }
0x43: {  	_ =	shalt  }
0x44: {  	_ =	shalt  }
0x45: {  	_ =	shalt  }
0x46: {  	_ =	shalt  }
0x47: {  	_ =	shalt  }
0x48: {  	_ =	shalt  }
0x49: {  	_ =	shalt  }
0x4a: {  	_ =	shalt  }
0x4b: {  	_ =	shalt  }
0x4c: {  	_ =	shalt  }
0x4d: {  	_ =	shalt  }
0x4e: {  	_ =	shalt  }
0x4f: {  	_ =	shalt  }
0x50: {  	_ =	shalt  }
0x51: {  	_ =	shalt  }
0x52: {  	_ =	shalt  }
0x53: {  	_ =	shalt  }
0x54: {  	_ =	shalt  }
0x55: {  	_ =	shalt  }
0x56: {  	_ =	shalt  }
0x57: {  	_ =	shalt  }
0x58: {  	_ =	shalt  }
0x59: {  	_ =	shalt  }
0x5a: {  	_ =	shalt  }
0x5b: {  	_ =	shalt  }
0x5c: {  	_ =	shalt  }
0x5d: {  	_ =	shalt  }
0x5e: {  	_ =	shalt  }
0x5f: {  	_ =	shalt  }
0x60: {  	_ =	shalt  }
0x61: {  	_ =	shalt  }
0x62: {  	_ =	shalt  }
0x63: {  	_ =	shalt  }
0x64: {  	_ =	shalt  }
0x65: {  	_ =	shalt  }
0x66: {  	_ =	shalt  }
0x67: {  	_ =	shalt  }
0x68: {  	_ =	shalt  }
0x69: {  	_ =	shalt  }
0x6a: {  	_ =	shalt  }
0x6b: {  	_ =	shalt  }
0x6c: {  	_ =	shalt  }
0x6d: {  	_ =	shalt  }
0x6e: {  	_ =	shalt  }
0x6f: {  	_ =	shalt  }
0x70: {  	_ =	shalt  }
0x71: {  	_ =	shalt  }
0x72: {  	_ =	shalt  }
0x73: {  	_ =	shalt  }
0x74: {  	_ =	shalt  }
0x75: {  	_ =	shalt  }
0x76: {  	_ =	shalt  }
0x77: {  	_ =	shalt  }
0x78: {  	_ =	shalt  }
0x79: {  	_ =	shalt  }
0x7a: {  	_ =	shalt  }
0x7b: {  	_ =	shalt  }
0x7c: {  	_ =	shalt  }
0x7d: {  	_ =	shalt  }
0x7e: {  	_ =	shalt  }
0x7f: {  	_ =	shalt  }
0x80: {  	_ =	shalt  }
0x81: {  	_ =	shalt  }
0x82: {  	_ =	shalt  }
0x83: {  	_ =	shalt  }
0x84: {  	_ =	shalt  }
0x85: {  	_ =	shalt  }
0x86: {  	_ =	shalt  }
0x87: {  	_ =	shalt  }
.Lfunc_end0:
.L_simem_size_0:
called_computation_lowered:
.L_overlay_start_0:
0x88: {  	s2 =	sld [smem:$0x3FD9]  }
0x89: {  	s3 =	sld [smem:$0x3FFE];
	_ =	sdelay $0x1  }
0x8a: {  	s1 =	srdreg.scid  }
0x8b: {  	s0 =	sand.u32 $0x1, s1  }
0x8c: {  	s16 =	sshll.u32 s0, $0xA;
	s2 =	sadd.s32 s3, s2  }
0x8d: {  	s2 =	sadd.s32 s2, s16  }
0x8e: {  	[smem:$0x3FBB] =	sst s2  }
0x8f: {  	_ = 	snop  }
0x90: {  	(tm) =	ssettm $0x1  }
0x91: {  	s17 =	sld [smem:$0x3FFB];
	_ =	sdelay $0x3  }
0x92: {  	_ =	strace s17  }
0x93: {  	s2 =	sld [smem:$0x3FFC];
	_ =	sdelay $0x3  }
0x94: {  	_ =	strace s2  }
0x95: {  	s2 =	sld [smem:$0x3FFD];
	_ =	sdelay $0x3  }
0x96: {  	_ =	strace s2  }
0x97: {  	_ =	strace $0x8FFFFFFF  }
0x98: {  	s18 =	sld [smem:$0x3FDB];
	_ =	sdelay $0x1  }
0x99: {  	s19 =	simm.s32 $_scs_section_size  }
0x9a: {  	s4 =	simm.s32 $_size__tile_overlayer_lowered;
	s5 =	simm.s32 $_tile_overlayer_lowered  }
0x9b: {  	s22 =	simm.s32 $0x1BFF;
	s21 =	sshll.u32 s5, $0x1;
	s2 =	sadd.s32 s19, s18  }
0x9c: {  	s6 =	simm.s32 $0x0;
	s20 =	sshll.u32 s4, $0x1;
	s4 =	sadd.s32 s21, s2  }
0x9d: {  	[timem:s6], [sflag:s22] =	dma.local [hbm:s4], s20  }
0x9e: {  	_ =	swait.ge [sflag:s22], s20  }
0x9f: {  	s3 =	ssub.s32 $0x0, s20;
	[sflag:s22] =	ssyncset.done $0x0  }
0xa0: {  	[sflag:s22] =	ssyncadd.s32 s3;
	_ =	sdelay $0x1  }
0xa1: {  	s23 =	simm.s32 $0x1B8B  }
0xa2: {  	_ =	swait.ge [sflag:s23], $0x1  }
0xa3: {  	[sflag:s23] =	ssyncset.done $0x0  }
0xa4: {  	s25 =	simm.s32 $0x1B8E;
	s24 =	sld [smem:$0x3FFE];
	[sflag:s23] =	ssyncadd.s32 $0xFFFFFFFF  }
0xa5: {  	s26 =	simm.s32 $execute0_lowered;
	[smem:$0x3FD2] =	sst s25  }
0xa6: {  	s4 =	sshll.u32 s26, $0x1;
	_ =	strace $0x80000046;
	[dreg:$0x1] =	wrdreg $0xFFFFFFFF  }
0xa7: {  	s28 =	simm.s32 $_size_execute0_lowered;
	s2 =	sadd.s32 s2, s4;
	[dreg:$0x0] =	wrdreg $0x0  }
0xa8: {  	s4 =	sshll.u32 s28, $0x1;
	[dreg:$0x2] =	wrdreg s2  }
0xa9: {  	[dreg:$0x3] =	wrdreg s4  }
0xaa: {  	[dreg:$0x4] =	wrdreg $0xC0  }
0xab: {  	_ =	task [dreg:s6], $0x5FFFF  }
0xac: {  	[dreg:$0x1] =	wrdreg $0xFFFFFFFF  }
0xad: {  	[dreg:$0x0] =	wrdreg $0x60  }
0xae: {  	[dreg:$0x2] =	wrdreg s24  }
0xaf: {  	[dreg:$0x3] =	wrdreg $0x0  }
0xb0: {  	[dreg:$0x4] =	wrdreg $0x9  }
0xb1: {  	_ =	task.clear_ibuf [dreg:s6], $0x5FFFF;
	_ =	strace $0x90000046  }
0xb2: {  	s29 =	simm.s32 $0x9;
	_ =	strace $0x80000048  }
0xb3: {  	_ =	swait.ge [sflag:s29], $0x1  }
0xb4: {  	[sflag:s29] =	ssyncadd.s32 $0xFFFFFFFF  }
0xb5: {  	_ =	strace $0x90000048  }
0xb6: {  	_ =	sfence  }
0xb7: {  	s30 =	sld [smem:$0x0];
	_ =	sdelay $0x2  }
0xb8: {  	s31 =	sshll.u32 s1, $0xD;
	s1 =	sshrl.u32 s1, $0x2  }
0xb9: {  	s3 =	sand.u32 $0x4000, s31;
	s1 =	sadd.s32 s1, s30  }
0xba: {  	s0 =	sor.u32 s3, s0;
	s1 =	sshll.u32 s1, $0x11  }
0xbb: {  	s0 =	sor.u32 s1, s0  }
0xbc: {  	s0 =	sadd.s32 $0x8F2B, s0  }
0xbd: {  	[sflag:s0] =	ssyncadd.remote.s32 $0x1  }
0xbe: {  	_ =	sfence.sel $0xFFFF  }
0xbf: {  	[dreg:$0x0] =	wrdreg $0xFFFFFFFF;
	(pc) =	sbr.abs _section_cstart, $3  }
0xc0: {  	[dreg:$0x1] =	wrdreg $0xFFFFFFFF  }
0xc1: {  	_ =	task.clear_ibuf [dreg:s6], $0x2FFFF;
	_ =	strace $0x9FFFFFFF  }
0xc2: {  	(tm) =	ssettm $0x7FFFFFFF  }
0xc3: {  	_ =	shalt  }
tec
execute0_lowered:
.L_overlay_start_1:
0x0: {  	(tag) =	ssettag $0x1  }
0x1: {  	s1 =	srdreg.scid  }
0x2: {  	s0 =	stileid.u32;
	s5 =	rddreg [dreg:$0x0]  }
0x3: {  	s3 =	simm.s32 $0x0;
	s13 =	simm.s32 $0x3;
	s14 =	simm.s32 $0x280  }
0x4: {  	s15 =	simm.s32 $0x7D;
	s16 =	simm.s32 $0x1680;
	s17 =	simm.s32 $0x1  }
0x5: {  	s18 =	simm.s32 $0x2;
	s19 =	simm.s32 $0x20;
	s20 =	simm.s32 $0x10  }
0x6: {  	s21 =	simm.s32 $0x0;
	s4 =	sand.u32 $0x1, s1;
	s7 =	smul.u32 $0x500, s0  }
0x7: {  	s2 =	sshll.u32 s0, $0x2;
	[smem:$0x7FF] =	sst s3;
	s8 =	smul.u32 $0x280, s0  }
0x8: {  	s31 =	sshll.u32 s0, $0x6;
	s1 =	sshll.u32 s4, $0x6;
	s9 =	sshll.u32 s4, $0x7  }
0x9: {  	s4 =	ssub.s32 $0x2, s4;
	s1 =	sor.u32 s2, s1;
	s2 =	rddreg [dreg:$0x1]  }
0xa: {  	s26 =	sor.u32 s9, s7;
	s28 =	sshrl.u32 s8, $0x3;
	s29 =	sshrl.u32 s4, $0x1  }
0xb: {  	s6 =	smul.u32 $0x280, s1;
	s1 =	rddreg [dreg:$0x2];
	_ =	strace $0x80000047  }
0xc: {  	s7 =	sadd.s32 s28, s5;
	s30 =	ssub.s32 s4, s29;
	s12 =	sadd.s32 s8, s2  }
0xd: {  	s4 =	sadd.s32 $0x17600, s7;
	s11 =	sadd.s32 s6, s5;
	s6 =	sshrl.u32 s26, $0x3  }
0xe: {  	s7 =	smax.u32 s30, $0x1;
	s12 =	sshrl.u32 s12, $0x3;
	s6 =	sadd.s32 s6, s5  }
0xf: {  	s5 =	sor.u32 $0x1C03, s31;
	s8 =	sadd.s32 $0x3600, s11;
	s9 =	sadd.s32 $0x3880, s11  }
0x10: {  	v0 =	vimm.f32 $1.000000000e+00;
	s10 =	sadd.s32 $0x3B00, s11;
	s11 =	sadd.s32 $0x3D80, s11;
	s6 =	sadd.s32 $0x17C00, s6  }
.LBB2_1:
0x11: {  	[spmem:s12], [sflag:s5] =	dma.local [hbm:s4], $0x50  }
0x12: {  	_ =	swait.ge [sflag:s13], $0x50  }
0x13: {  	[sflag:s13] =	ssyncset.done $0x0  }
0x14: {  	[sflag:s13] =	ssyncadd.s32 $0xFFFFFFB0  }
0x15: {  	[tilespmem:$0x1680] =	vst v0  }
0x16: {  	[tilespmem:$0x1690] =	vst v0  }
0x17: {  	[tilespmem:$0x16A0] =	vst v0  }
0x18: {  	[tilespmem:$0x16B0] =	vst v0  }
0x19: {  	[tilespmem:$0x16C0] =	vst v0  }
0x1a: {  	[tilespmem:$0x16D0] =	vst v0  }
0x1b: {  	[tilespmem:$0x16E0] =	vst v0  }
0x1c: {  	[tilespmem:$0x16F0] =	vst v0  }
0x1d: {  	[bflag:$0x0] =	sbarrier.arrive $0xFFFF  }
0x1e: {  	[tilespmem:s14], [sflag:$0x3] =	stream.linear.gather [hbm4b:s8+s3], $0x1400, $0x38;
	[tilespmem:$0x1700] =	vst v63  }
0x1f: {  	_ =	swait.ge [sflag:s13], $0x1400  }
0x20: {  	[sflag:s13] =	ssyncset.done $0x0  }
0x21: {  	s22 =	simm.s32 $0x280;
	[sflag:s13] =	ssyncadd.s32 $0xFFFFEC00  }
0x22: {  	[spmem:s2] =	stream.indirect.scatter.add.f32 [tilespmem:s16], [sflag:$0x1], $0x1, s22, s15, $0xb8;
	[tilespmem:$0x1700] =	vst v63  }
0x23: {  	s31 =	simm.s32 $0x300  }
0x24: {  	[spmem:s2] =	stream.indirect.scatter.add.f32 [tilespmem:s16], [sflag:$0x2], $0x1, s31, s15, $0xb8;
	[tilespmem:$0x1700] =	vst v63  }
0x25: {  	_ =	swait.ge [sflag:s17], $0x7D  }
0x26: {  	[sflag:s17] =	ssyncset.done $0x0  }
0x27: {  	[sflag:s17] =	ssyncadd.s32 $0xFFFFFF83  }
0x28: {  	_ =	swait.ge [sflag:s18], $0x7D  }
0x29: {  	s23 =	simm.s32 $0x800;
	s22 =	simm.s32 $0x100;
	[sflag:s18] =	ssyncset.done $0x0  }
.LBB2_2:
0x2a: {  	s24 =	sadd.s32 $0x280, s22  }
0x2b: {  	[sflag:s18] =	ssyncadd.s32 $0xFFFFFF83;
	s25 =	smov.u32 s23;
	s26 =	sadd.s32 $0x400, s23  }
0x2c: {  	[spmem:s2] =	stream.indirect.scatter.add.f32 [tilespmem:s16], [sflag:$0x1], $0x1, s24, s15, $0xb8;
	[tilespmem:$0x1700] =	vst v63  }
0x2d: {  	p0 =	sne.s32 s23, $0x4C00;
	s22 =	sadd.s32 $0x300, s22  }
0x2e: {  	[spmem:s2] =	stream.indirect.scatter.add.f32 [tilespmem:s16], [sflag:$0x2], $0x1, s22, s15, $0xb8;
	[tilespmem:$0x1700] =	vst v63  }
.Ltmp0:
0x2f: {  	_ =	swait.ge [sflag:s17], $0x7D;
	(pc) =	sbr.rel @p0 .LBB2_2-.Ltmp0, $4  }
0x30: {  	[sflag:s17] =	ssyncset.done $0x0  }
0x31: {  	[sflag:s17] =	ssyncadd.s32 $0xFFFFFF83  }
0x32: {  	_ =	swait.ge [sflag:s18], $0x7D  }
0x33: {  	s23 =	smov.u32 s26;
	s22 =	sshra.s32 s25, $0x2;
	[sflag:s18] =	ssyncset.done $0x0  }
0x34: {  	s23 =	sadd.s32 $0x280, s22;
	[sflag:s18] =	ssyncadd.s32 $0xFFFFFF83  }
0x35: {  	[spmem:s2] =	stream.indirect.scatter.add.f32 [tilespmem:s16], [sflag:$0x1], $0x1, s23, s15, $0xb8;
	[tilespmem:$0x1700] =	vst v63  }
0x36: {  	s28 =	sadd.s32 $0x300, s22  }
0x37: {  	[spmem:s2] =	stream.indirect.scatter.add.f32 [tilespmem:s16], [sflag:$0x2], $0x1, s28, s15, $0xb8;
	[tilespmem:$0x1700] =	vst v63  }
0x38: {  	_ =	swait.ge [sflag:s17], $0x7D  }
0x39: {  	[sflag:s17] =	ssyncset.done $0x0  }
0x3a: {  	[sflag:s17] =	ssyncadd.s32 $0xFFFFFF83  }
0x3b: {  	_ =	swait.ge [sflag:s18], $0x7D  }
0x3c: {  	[sflag:s18] =	ssyncset.done $0x0  }
0x3d: {  	s29 =	simm.s32 $0x0;
	[sflag:s18] =	ssyncadd.s32 $0xFFFFFF83  }
0x3e: {  	[tilespmem:s14], [sflag:$0x3] =	stream.linear.gather [hbm4b:s9+s29], $0x1400, $0x38;
	[tilespmem:$0x1700] =	vst v63  }
0x3f: {  	_ =	swait.ge [sflag:s13], $0x1400  }
0x40: {  	[sflag:s13] =	ssyncset.done $0x0  }
0x41: {  	s30 =	simm.s32 $0x280;
	[sflag:s13] =	ssyncadd.s32 $0xFFFFEC00  }
0x42: {  	[spmem:s2] =	stream.indirect.scatter.add.f32 [tilespmem:s16], [sflag:$0x1], $0x1, s30, s15, $0xb8;
	[tilespmem:$0x1700] =	vst v63  }
0x43: {  	s31 =	simm.s32 $0x300  }
0x44: {  	[spmem:s2] =	stream.indirect.scatter.add.f32 [tilespmem:s16], [sflag:$0x2], $0x1, s31, s15, $0xb8;
	[tilespmem:$0x1700] =	vst v63  }
0x45: {  	_ =	swait.ge [sflag:s17], $0x7D  }
0x46: {  	[sflag:s17] =	ssyncset.done $0x0  }
0x47: {  	[sflag:s17] =	ssyncadd.s32 $0xFFFFFF83  }
0x48: {  	_ =	swait.ge [sflag:s18], $0x7D  }
0x49: {  	s22 =	simm.s32 $0x100;
	s23 =	simm.s32 $0x800;
	[sflag:s18] =	ssyncset.done $0x0  }
.LBB2_4:
0x4a: {  	s24 =	sadd.s32 $0x280, s22  }
0x4b: {  	[sflag:s18] =	ssyncadd.s32 $0xFFFFFF83;
	s25 =	smov.u32 s23;
	s26 =	sadd.s32 $0x400, s23  }
0x4c: {  	[spmem:s2] =	stream.indirect.scatter.add.f32 [tilespmem:s16], [sflag:$0x1], $0x1, s24, s15, $0xb8;
	[tilespmem:$0x1700] =	vst v63  }
0x4d: {  	p0 =	sne.s32 s23, $0x4C00;
	s22 =	sadd.s32 $0x300, s22  }
0x4e: {  	[spmem:s2] =	stream.indirect.scatter.add.f32 [tilespmem:s16], [sflag:$0x2], $0x1, s22, s15, $0xb8;
	[tilespmem:$0x1700] =	vst v63  }
.Ltmp1:
0x4f: {  	_ =	swait.ge [sflag:s17], $0x7D;
	(pc) =	sbr.rel @p0 .LBB2_4-.Ltmp1, $4  }
0x50: {  	[sflag:s17] =	ssyncset.done $0x0  }
0x51: {  	[sflag:s17] =	ssyncadd.s32 $0xFFFFFF83  }
0x52: {  	_ =	swait.ge [sflag:s18], $0x7D  }
0x53: {  	s23 =	smov.u32 s26;
	s22 =	sshra.s32 s25, $0x2;
	[sflag:s18] =	ssyncset.done $0x0  }
0x54: {  	s23 =	sadd.s32 $0x280, s22;
	[sflag:s18] =	ssyncadd.s32 $0xFFFFFF83  }
0x55: {  	[spmem:s2] =	stream.indirect.scatter.add.f32 [tilespmem:s16], [sflag:$0x1], $0x1, s23, s15, $0xb8;
	[tilespmem:$0x1700] =	vst v63  }
0x56: {  	s28 =	sadd.s32 $0x300, s22  }
0x57: {  	[spmem:s2] =	stream.indirect.scatter.add.f32 [tilespmem:s16], [sflag:$0x2], $0x1, s28, s15, $0xb8;
	[tilespmem:$0x1700] =	vst v63  }
0x58: {  	_ =	swait.ge [sflag:s17], $0x7D  }
0x59: {  	[sflag:s17] =	ssyncset.done $0x0  }
0x5a: {  	[sflag:s17] =	ssyncadd.s32 $0xFFFFFF83  }
0x5b: {  	_ =	swait.ge [sflag:s18], $0x7D  }
0x5c: {  	[sflag:s18] =	ssyncset.done $0x0  }
0x5d: {  	s29 =	simm.s32 $0x0;
	[sflag:s18] =	ssyncadd.s32 $0xFFFFFF83  }
0x5e: {  	[tilespmem:s14], [sflag:$0x3] =	stream.linear.gather [hbm4b:s10+s29], $0x1400, $0x38;
	[tilespmem:$0x1700] =	vst v63  }
0x5f: {  	_ =	swait.ge [sflag:s13], $0x1400  }
0x60: {  	[sflag:s13] =	ssyncset.done $0x0  }
0x61: {  	s30 =	simm.s32 $0x280;
	[sflag:s13] =	ssyncadd.s32 $0xFFFFEC00  }
0x62: {  	[spmem:s2] =	stream.indirect.scatter.add.f32 [tilespmem:s16], [sflag:$0x1], $0x1, s30, s15, $0xb8;
	[tilespmem:$0x1700] =	vst v63  }
0x63: {  	s31 =	simm.s32 $0x300  }
0x64: {  	[spmem:s2] =	stream.indirect.scatter.add.f32 [tilespmem:s16], [sflag:$0x2], $0x1, s31, s15, $0xb8;
	[tilespmem:$0x1700] =	vst v63  }
0x65: {  	_ =	swait.ge [sflag:s17], $0x7D  }
0x66: {  	[sflag:s17] =	ssyncset.done $0x0  }
0x67: {  	[sflag:s17] =	ssyncadd.s32 $0xFFFFFF83  }
0x68: {  	_ =	swait.ge [sflag:s18], $0x7D  }
0x69: {  	s22 =	simm.s32 $0x100;
	s23 =	simm.s32 $0x800;
	[sflag:s18] =	ssyncset.done $0x0  }
.LBB2_6:
0x6a: {  	s24 =	sadd.s32 $0x280, s22  }
0x6b: {  	[sflag:s18] =	ssyncadd.s32 $0xFFFFFF83;
	s25 =	smov.u32 s23;
	s26 =	sadd.s32 $0x400, s23  }
0x6c: {  	[spmem:s2] =	stream.indirect.scatter.add.f32 [tilespmem:s16], [sflag:$0x1], $0x1, s24, s15, $0xb8;
	[tilespmem:$0x1700] =	vst v63  }
0x6d: {  	p0 =	sne.s32 s23, $0x4C00;
	s22 =	sadd.s32 $0x300, s22  }
0x6e: {  	[spmem:s2] =	stream.indirect.scatter.add.f32 [tilespmem:s16], [sflag:$0x2], $0x1, s22, s15, $0xb8;
	[tilespmem:$0x1700] =	vst v63  }
.Ltmp2:
0x6f: {  	_ =	swait.ge [sflag:s17], $0x7D;
	(pc) =	sbr.rel @p0 .LBB2_6-.Ltmp2, $4  }
0x70: {  	[sflag:s17] =	ssyncset.done $0x0  }
0x71: {  	[sflag:s17] =	ssyncadd.s32 $0xFFFFFF83  }
0x72: {  	_ =	swait.ge [sflag:s18], $0x7D  }
0x73: {  	s23 =	smov.u32 s26;
	s22 =	sshra.s32 s25, $0x2;
	[sflag:s18] =	ssyncset.done $0x0  }
0x74: {  	s23 =	sadd.s32 $0x280, s22;
	[sflag:s18] =	ssyncadd.s32 $0xFFFFFF83  }
0x75: {  	[spmem:s2] =	stream.indirect.scatter.add.f32 [tilespmem:s16], [sflag:$0x1], $0x1, s23, s15, $0xb8;
	[tilespmem:$0x1700] =	vst v63  }
0x76: {  	s28 =	sadd.s32 $0x300, s22  }
0x77: {  	[spmem:s2] =	stream.indirect.scatter.add.f32 [tilespmem:s16], [sflag:$0x2], $0x1, s28, s15, $0xb8;
	[tilespmem:$0x1700] =	vst v63  }
0x78: {  	_ =	swait.ge [sflag:s17], $0x7D  }
0x79: {  	[sflag:s17] =	ssyncset.done $0x0  }
0x7a: {  	[sflag:s17] =	ssyncadd.s32 $0xFFFFFF83  }
0x7b: {  	_ =	swait.ge [sflag:s18], $0x7D  }
0x7c: {  	[sflag:s18] =	ssyncset.done $0x0  }
0x7d: {  	s29 =	simm.s32 $0x0;
	[sflag:s18] =	ssyncadd.s32 $0xFFFFFF83  }
0x7e: {  	[tilespmem:s14], [sflag:$0x3] =	stream.linear.gather [hbm4b:s11+s29], $0x1400, $0x38;
	[tilespmem:$0x1700] =	vst v63  }
0x7f: {  	_ =	swait.ge [sflag:s13], $0x1400  }
0x80: {  	[sflag:s13] =	ssyncset.done $0x0  }
0x81: {  	s30 =	simm.s32 $0x280;
	[sflag:s13] =	ssyncadd.s32 $0xFFFFEC00  }
0x82: {  	[spmem:s2] =	stream.indirect.scatter.add.f32 [tilespmem:s16], [sflag:$0x1], $0x1, s30, s15, $0xb8;
	[tilespmem:$0x1700] =	vst v63  }
0x83: {  	s31 =	simm.s32 $0x300  }
0x84: {  	[spmem:s2] =	stream.indirect.scatter.add.f32 [tilespmem:s16], [sflag:$0x2], $0x1, s31, s15, $0xb8;
	[tilespmem:$0x1700] =	vst v63  }
0x85: {  	_ =	swait.ge [sflag:s17], $0x7D  }
0x86: {  	[sflag:s17] =	ssyncset.done $0x0  }
0x87: {  	[sflag:s17] =	ssyncadd.s32 $0xFFFFFF83  }
0x88: {  	_ =	swait.ge [sflag:s18], $0x7D  }
0x89: {  	s22 =	simm.s32 $0x100;
	s23 =	simm.s32 $0x800;
	[sflag:s18] =	ssyncset.done $0x0  }
.LBB2_8:
0x8a: {  	s24 =	sadd.s32 $0x280, s22  }
0x8b: {  	[sflag:s18] =	ssyncadd.s32 $0xFFFFFF83;
	s25 =	smov.u32 s23;
	s26 =	sadd.s32 $0x400, s23  }
0x8c: {  	[spmem:s2] =	stream.indirect.scatter.add.f32 [tilespmem:s16], [sflag:$0x1], $0x1, s24, s15, $0xb8;
	[tilespmem:$0x1700] =	vst v63  }
0x8d: {  	p0 =	sne.s32 s23, $0x4C00;
	s22 =	sadd.s32 $0x300, s22  }
0x8e: {  	[spmem:s2] =	stream.indirect.scatter.add.f32 [tilespmem:s16], [sflag:$0x2], $0x1, s22, s15, $0xb8;
	[tilespmem:$0x1700] =	vst v63  }
.Ltmp3:
0x8f: {  	_ =	swait.ge [sflag:s17], $0x7D;
	(pc) =	sbr.rel @p0 .LBB2_8-.Ltmp3, $4  }
0x90: {  	[sflag:s17] =	ssyncset.done $0x0  }
0x91: {  	[sflag:s17] =	ssyncadd.s32 $0xFFFFFF83  }
0x92: {  	_ =	swait.ge [sflag:s18], $0x7D  }
0x93: {  	s23 =	smov.u32 s26;
	s22 =	sshra.s32 s25, $0x2;
	[sflag:s18] =	ssyncset.done $0x0  }
0x94: {  	s23 =	sadd.s32 $0x280, s22;
	[sflag:s18] =	ssyncadd.s32 $0xFFFFFF83  }
0x95: {  	[spmem:s2] =	stream.indirect.scatter.add.f32 [tilespmem:s16], [sflag:$0x1], $0x1, s23, s15, $0xb8;
	[tilespmem:$0x1700] =	vst v63  }
0x96: {  	s31 =	sadd.s32 $0x300, s22  }
0x97: {  	[spmem:s2] =	stream.indirect.scatter.add.f32 [tilespmem:s16], [sflag:$0x2], $0x1, s31, s15, $0xb8;
	[tilespmem:$0x1700] =	vst v63  }
0x98: {  	_ =	swait.ge [sflag:s17], $0x7D  }
0x99: {  	[sflag:s17] =	ssyncset.done $0x0  }
0x9a: {  	[sflag:s17] =	ssyncadd.s32 $0xFFFFFF83  }
0x9b: {  	_ =	swait.ge [sflag:s18], $0x7D  }
0x9c: {  	s21 =	sadd.s32 $0x1, s21;
	[sflag:s18] =	ssyncset.done $0x0  }
0x9d: {  	p0 =	sne.s32 s21, s7;
	[sflag:s18] =	ssyncadd.s32 $0xFFFFFF83  }
.Ltmp4:
0x9e: {  	[bflag:$0x0] =	sbarrier.arrive $0xFFFF;
	(pc) =	sbr.rel @p0 .LBB2_1-.Ltmp4, $4  }
0x9f: {  	[hbm:s6@s19], [sflag:s5] =	dma.strided [spmem:s12@s20], $0x50, s17, $0x10   }
0xa0: {  	_ =	swait.ge [sflag:s13], $0x50  }
0xa1: {  	[sflag:s13] =	ssyncset.done $0x0  }
0xa2: {  	[sflag:s13] =	ssyncadd.s32 $0xFFFFFFB0  }
0xa3: {  	_ =	sfence.sel $0x180000  }
0xa4: {  	[bflag:$0x0] =	sbarrier.arrive $0xFFFF  }
0xa5: {  	p0 =	sne.s32 s0, $0x0;
	_ =	strace $0x90000047  }
0xa6: {  	s0 =	sadd.s32 @!p0 $0x100000, s1;
	[bflag:$0x2] =	sbarrier.arrive $0xFFFF  }
0xa7: {  	[sflag:s0] =	ssyncadd.tile.s32 @!p0 $0x1;
	_ =	shalt  }
.Lfunc_end2:
_tile_overlayer_lowered:
.L_overlay_start_2:
0xa8: {  	(tag) =	ssettag $0x2  }
0xa9: {  	s0 =	rddreg [dreg:$0x0];
	s2 =	stileid.u32  }
0xaa: {  	s1 =	rddreg [dreg:$0x1];
	p0 =	sne.s32 s2, $0x0  }
0xab: {  	s3 =	rddreg [dreg:$0x2];
	[bflag:$0x3] =	sbarrier.arrive $0xFFFF;
	s2 =	simm.s32 @!p0 $0x1C03  }
0xac: {  	[timem:s3], [sflag:s2] =	dma.local @!p0 [hbm:s0], s1  }
0xad: {  	s0 =	simm.s32 @!p0 $0x3  }
0xae: {  	_ =	swait.ge @!p0 [sflag:s0], s1  }
0xaf: {  	s1 =	ssub.s32 @!p0 $0x0, s1;
	[sflag:s0] =	ssyncset.done @!p0 $0x0  }
0xb0: {  	[sflag:s0] =	ssyncadd.s32 @!p0 s1  }
0xb1: {  	[bflag:$0x3] =	sbarrier.arrive $0xFFFF  }
0xb2: {  	_ =	shalt  }

</sc_bundles>
